<compile_context>
chip_gen: v7x
topology: tpu7x:2x2x1
jax: 0.10.2.dev20260603
libtpu: 0.0.44.dev20260713+nightly
codegen_flags: <defaults>
</compile_context>

<pallas_src>
import functools

import jax
import jax.numpy as jnp
from jax import lax
from jax.experimental import pallas as pl
from jax.experimental.pallas import tpu as pltpu
from jax.experimental.pallas import tpu_sc as plsc

_LANES = 16


def _router_body(xf_ref, wrt_ref, br_ref, sbits_ref):
    logits = lax.dot_general(
        wrt_ref[...], xf_ref[...],
        dimension_numbers=(((1,), (1,)), ((), ())),
        preferred_element_type=jnp.float32) + jnp.transpose(br_ref[...])
    m = jnp.max(logits, axis=0, keepdims=True)
    ex = jnp.exp(logits - m)
    s = ex / jnp.sum(ex, axis=0, keepdims=True)
    sbits_ref[...] = lax.bitcast_convert_type(s, jnp.int32)


def _make_sc_topk(E, bs, k):
    NQ = 4
    Q = bs // NQ
    nvq = Q // _LANES
    mesh = plsc.VectorSubcoreMesh(core_axis_name="c", subcore_axis_name="s")

    def body(s_hbm, w_hbm, s_q, w_q, hist_v, hist4_v, shared):
        cid = lax.axis_index("c")
        sid = lax.axis_index("s")
        e_local = sid // NQ
        q = sid % NQ
        expert = cid * (E // 2) + e_local

        pltpu.sync_copy(s_hbm.at[expert, pl.ds(q * Q, Q)], s_q)
        zero = jnp.zeros((_LANES,), jnp.int32)
        onev = jnp.full((_LANES,), 1, jnp.int32)
        lane = lax.iota(jnp.int32, _LANES)

        def digit_pass(carry, shift, nbits):
            prefix, kk = carry
            hi = shift + nbits

            def clear(i, _):
                hist_v[pl.ds(i * _LANES, _LANES)] = zero
                return 0
            lax.fori_loop(0, 256 // _LANES, clear, 0)

            def accum(i, _):
                v = s_q[pl.ds(i * _LANES, _LANES)]
                dig = (v >> shift) & 255
                inc = lax.shift_right_logical(v, hi) == prefix
                plsc.addupdate_scatter(hist_v, [dig], onev, mask=inc)
                return 0
            lax.fori_loop(0, nvq, accum, 0)

            pltpu.sync_copy(hist_v, shared.at[pl.ds(sid * 256, 256)])
            plsc.subcore_barrier()
            pltpu.sync_copy(shared.at[pl.ds(e_local * (NQ * 256), NQ * 256)],
                            hist4_v)
            plsc.subcore_barrier()

            def scan(j, c):
                total, found, dstar, s_above = c
                vh = (256 // _LANES) - 1 - j
                h = (hist4_v[pl.ds(vh * _LANES, _LANES)]
                     + hist4_v[pl.ds(256 + vh * _LANES, _LANES)]
                     + hist4_v[pl.ds(512 + vh * _LANES, _LANES)]
                     + hist4_v[pl.ds(768 + vh * _LANES, _LANES)])
                hr = lax.rev(h, (0,))
                rc = plsc.cumsum(hr)
                sfx = total + rc
                m = sfx >= kk
                anym = jnp.max(plsc.all_reduce_population_count(m)) > 0
                ffs = jnp.max(plsc.all_reduce_ffs(m))
                dcand = vh * _LANES + (_LANES - 1) - ffs
                sa_v = jnp.where(lane == ffs, sfx - hr, zero)
                sacand = jnp.max(sa_v)
                upd = jnp.logical_and(jnp.logical_not(found), anym)
                dstar = jnp.where(upd, dcand, dstar)
                s_above = jnp.where(upd, sacand, s_above)
                return (total + jnp.max(rc),
                        jnp.logical_or(found, anym), dstar, s_above)

            _, _, dstar, s_above = lax.fori_loop(
                0, 256 // _LANES, scan,
                (jnp.int32(0), jnp.bool_(False), jnp.int32(0),
                 jnp.int32(0)))
            return ((prefix << nbits) | dstar, kk - s_above)

        carry = (jnp.int32(0), jnp.int32(k))
        for shift, nbits in ((23, 8), (15, 8), (7, 8), (0, 7)):
            carry = digit_pass(carry, shift, nbits)
        thr, r = carry

        def count_eq(i, c):
            v = s_q[pl.ds(i * _LANES, _LANES)]
            eq = v == thr
            return c + jnp.max(plsc.all_reduce_population_count(eq))
        myeq = lax.fori_loop(0, nvq, count_eq, jnp.int32(0))
        hist_v[pl.ds(0, _LANES)] = jnp.full((_LANES,), 1, jnp.int32) * myeq
        pltpu.sync_copy(hist_v, shared.at[pl.ds(sid * 256, 256)])
        plsc.subcore_barrier()
        pltpu.sync_copy(shared.at[pl.ds(e_local * (NQ * 256), NQ * 256)],
                        hist4_v)
        plsc.subcore_barrier()
        run0 = jnp.int32(0)
        for j in range(NQ):
            cj = jnp.max(hist4_v[pl.ds(j * 256, _LANES)])
            run0 = run0 + jnp.where(q > j, cj, 0)

        def emit(i, run):
            v = s_q[pl.ds(i * _LANES, _LANES)]
            gt = v > thr
            eq = v == thr
            eqc = plsc.cumsum(eq.astype(jnp.int32))
            inc = gt | (eq & ((run + eqc) <= r))
            w_q[pl.ds(i * _LANES, _LANES)] = jnp.where(inc, v, zero)
            return run + jnp.max(plsc.all_reduce_population_count(eq))

        lax.fori_loop(0, nvq, emit, run0)
        pltpu.sync_copy(w_q, w_hbm.at[expert, pl.ds(q * Q, Q)])

    return pl.kernel(
        body,
        out_type=jax.ShapeDtypeStruct((E, bs), jnp.int32),
        mesh=mesh,
        compiler_params=pltpu.CompilerParams(needs_layout_passes=False),
        scratch_types=[
            pltpu.VMEM((Q,), jnp.int32),
            pltpu.VMEM((Q,), jnp.int32),
            pltpu.VMEM((256,), jnp.int32),
            pltpu.VMEM((4 * 256,), jnp.int32),
            pltpu.VMEM_SHARED((16 * 256,), jnp.int32),
        ],
    )


def _ffn_body(xf_ref, we_ref, be_ref, y0_ref):
    xb = xf_ref[...].astype(jnp.bfloat16)
    web = we_ref[...].astype(jnp.bfloat16)
    y0 = jnp.dot(xb, web,
                 preferred_element_type=jnp.float32) + be_ref[...]
    y0_ref[...] = y0.astype(jnp.bfloat16)


def _scale_body(y0_ref, w8b_ref, y_ref):
    w8 = lax.bitcast_convert_type(w8b_ref[...], jnp.float32)
    ones = jnp.ones((w8.shape[0], 1), jnp.float32)
    w = lax.dot_general(w8, ones,
                        dimension_numbers=(((0,), (0,)), ((), ())),
                        preferred_element_type=jnp.float32)
    y_ref[...] = y0_ref[...].astype(jnp.float32) * w


def kernel(x, W_r, b_r, W_e, b_e):
    b, s, h = x.shape
    bs = b * s
    E = W_r.shape[1]
    k = min(int(bs * 1.0 / E), bs)
    xf = x.reshape(bs, h)

    s_bits = pl.pallas_call(
        _router_body,
        out_shape=jax.ShapeDtypeStruct((E, bs), jnp.int32),
    )(xf, W_r.T, b_r.reshape(1, E))

    w8_bits = _make_sc_topk(E, bs, k)(s_bits)

    m_blk = 1024
    grid = (bs // m_blk,)
    y0 = pl.pallas_call(
        _ffn_body,
        grid=grid,
        in_specs=[
            pl.BlockSpec((m_blk, h), lambda i: (i, 0)),
            pl.BlockSpec((h, h), lambda i: (0, 0)),
            pl.BlockSpec((1, h), lambda i: (0, 0)),
        ],
        out_specs=pl.BlockSpec((m_blk, h), lambda i: (i, 0)),
        out_shape=jax.ShapeDtypeStruct((bs, h), jnp.bfloat16),
    )(xf, W_e, b_e.reshape(1, h))

    s_blk = 512
    y = pl.pallas_call(
        _scale_body,
        grid=(bs // s_blk,),
        in_specs=[
            pl.BlockSpec((s_blk, h), lambda i: (i, 0)),
            pl.BlockSpec((E, s_blk), lambda i: (0, i)),
        ],
        out_specs=pl.BlockSpec((s_blk, h), lambda i: (i, 0)),
        out_shape=jax.ShapeDtypeStruct((bs, h), jnp.float32),
    )(y0, w8_bits)

    return y.reshape(b, s, h)

# --- scband reference (transcript-rebuilt; emitter-appended) ---
"""Pipeline reference for scband-expert-choice-ffn-72438918414450 (READ-ONLY COPY).

The authoritative reference and input builder live on the scoring server;
editing this copy changes nothing except your own understanding.
"""

import jax, jax.numpy as jnp
import numpy as np

NUM_EXPERTS = 8
C = 1.0
HIDDEN = 768


def setup_inputs(seed: int = 0) -> dict:
    key = jax.random.key(seed)
    k1, k2, k3, k4 = jax.random.split(key, 4)
    x = jax.random.normal(k1, (1, 2048, HIDDEN), dtype=jnp.float32)
    # router: nn.Linear(hidden_size, num_experts)
    W_r = jax.random.normal(k2, (HIDDEN, NUM_EXPERTS), dtype=jnp.float32) * 0.02
    b_r = jnp.zeros((NUM_EXPERTS,), dtype=jnp.float32)
    # expert: nn.Linear(hidden_size, hidden_size); NOTE: all experts share this same module instance
    W_e = jax.random.normal(k3, (HIDDEN, HIDDEN), dtype=jnp.float32) * 0.02
    b_e = jnp.zeros((HIDDEN,), dtype=jnp.float32)
    return {"x": x, "W_r": W_r, "b_r": b_r, "W_e": W_e, "b_e": b_e}


def reference(x, W_r, b_r, W_e, b_e):
    b, s, h = x.shape
    bs = b * s
    # self.k = batch*seq*c/num_experts, then min with bs
    k = min(int(bs * C / NUM_EXPERTS), bs)
    xf = x.reshape(bs, h)
    logits = xf @ W_r + b_r                     # (bs, E)
    S = jax.nn.softmax(logits, axis=-1)
    # torch.topk(S, k, dim=0): top-k tokens per expert
    G_t, idx_t = jax.lax.top_k(S.T, k)          # (E, k)
    G = G_t.T                                   # (k, E)
    chosen_token_index = idx_t.T                # (k, E) int32
    # P = one_hot(chosen_token_index, num_classes=bs): (k, E, bs) -> (bs, k, E)
    P = jax.nn.one_hot(chosen_token_index, bs, dtype=jnp.float32)
    P = jnp.transpose(P, (2, 0, 1))             # (bs, k, E)
    y = jnp.zeros((bs, h), dtype=x.dtype)
    for e in range(NUM_EXPERTS):
        P_expert = P[..., e]                    # (bs, k)
        G_expert = G[:, e]                      # (k,)
        tokens_for_expert = jnp.einsum('bk,bh->kh', P_expert, xf)
        E_out = tokens_for_expert @ W_e + b_e
        y = y + jnp.einsum('bk,k,kh->bh', P_expert, G_expert, E_out)
    return y.reshape(b, s, h)

if __name__ == "__main__":
    import jax
    _d = setup_inputs()
    print(jax.jit(kernel)(*tuple(_d.values())))

</pallas_src>

<mosaic_0001>
#map = affine_map<(d0, d1) -> (0, 0)>
module attributes {stable_mosaic.version = 14 : i64} {
  func.func @body(%arg0: i32, %arg1: i32, %arg2: memref<8x2048xi32, #tpu.memory_space<hbm>>, %arg3: memref<8x2048xi32, #tpu.memory_space<hbm>>, %arg4: memref<512xi32, #tpu.memory_space<vmem>>, %arg5: memref<512xi32, #tpu.memory_space<vmem>>, %arg6: memref<256xi32, #tpu.memory_space<vmem>>, %arg7: memref<1024xi32, #tpu.memory_space<vmem>>, %arg8: memref<4096xi32, #tpu.memory_space<vmem_shared>>) attributes {dimension_semantics = [#tpu.dimension_semantics<core_parallel>, #tpu.dimension_semantics<subcore_parallel>], iteration_bounds = array<i64: 2, 16>, scalar_prefetch = 0 : i64, scratch_operands = 5 : i64, tpu.core_type = #tpu.core_type<sc_vector_subcore>, window_params = [{transform_indices = #map}, {transform_indices = #map}]} {
    %jit3A = arith.constant 4 : i32
    %div3A = arith.divsi %arg1, %jit3A : i32
    %sign3A = arith.constant 0 : i32
    %sign3A_0 = arith.cmpi sgt, %arg1, %sign3A : i32
    %sign3A_1 = arith.extui %sign3A_0 : i1 to i32
    %sign3A_2 = arith.constant 0 : i32
    %sign3A_3 = arith.cmpi slt, %arg1, %sign3A_2 : i32
    %sign3A_4 = arith.extui %sign3A_3 : i1 to i32
    %sign3A_5 = arith.subi %sign3A_1, %sign3A_4 : i32
    %sign3A_6 = arith.constant 0 : i32
    %sign3A_7 = arith.cmpi sgt, %jit3A, %sign3A_6 : i32
    %sign3A_8 = arith.extui %sign3A_7 : i1 to i32
    %sign3A_9 = arith.constant 0 : i32
    %sign3A_10 = arith.cmpi slt, %jit3A, %sign3A_9 : i32
    %sign3A_11 = arith.extui %sign3A_10 : i1 to i32
    %sign3A_12 = arith.subi %sign3A_8, %sign3A_11 : i32
    %ne3A = arith.cmpi ne, %sign3A_5, %sign3A_12 : i32
    %rem3A = arith.remsi %arg1, %jit3A : i32
    %ne3A_13 = arith.constant 0 : i32
    %ne3A_14 = arith.cmpi ne, %rem3A, %ne3A_13 : i32
    %and3A = arith.andi %ne3A, %ne3A_14 : i1
    %sub3A = arith.constant 1 : i32
    %sub3A_15 = arith.subi %div3A, %sub3A : i32
    %select_n3A = arith.select %and3A, %sub3A_15, %div3A : i32
    %jit3A_16 = arith.constant 4 : i32
    %eq3A = arith.constant 0 : i32
    %eq3A_17 = arith.cmpi eq, %jit3A_16, %eq3A : i32
    %jit3A_18 = arith.constant 1 : i32
    %select_n3A_19 = arith.select %eq3A_17, %jit3A_18, %jit3A_16 : i32
    %rem3A_20 = arith.remsi %arg1, %select_n3A_19 : i32
    %ne3A_21 = arith.constant 0 : i32
    %ne3A_22 = arith.cmpi ne, %rem3A_20, %ne3A_21 : i32
    %lt3A = arith.constant 0 : i32
    %lt3A_23 = arith.cmpi slt, %rem3A_20, %lt3A : i32
    %lt3A_24 = arith.constant 0 : i32
    %lt3A_25 = arith.cmpi slt, %select_n3A_19, %lt3A_24 : i32
    %ne3A_26 = arith.xori %lt3A_23, %lt3A_25 : i1
    %and3A_27 = arith.andi %ne3A_26, %ne3A_22 : i1
    %add3A = arith.addi %rem3A_20, %select_n3A_19 : i32
    %select_n3A_28 = arith.select %and3A_27, %add3A, %rem3A_20 : i32
    %mul3A = arith.constant 4 : i32
    %mul3A_29 = arith.muli %arg0, %mul3A : i32
    %add3A_30 = arith.addi %mul3A_29, %select_n3A : i32
    %mul3A_31 = arith.constant 512 : i32
    %mul3A_32 = arith.muli %select_n3A_28, %mul3A_31 : i32
    "tpu.region"() ({
      %run_scoped3A = tpu.sem_alloc : memref<!tpu.dma_semaphore, #tpu.memory_space<semaphore_mem>>
      %dma_start3A = tpu.memref_slice %arg2[%add3A_30, %mul3A_32] : memref<8x2048xi32, #tpu.memory_space<hbm>> -> memref<1x512xi32, #tpu.memory_space<hbm>>
      %dma_start3A_256 = tpu.memref_squeeze %dma_start3A : memref<1x512xi32, #tpu.memory_space<hbm>> -> memref<512xi32, #tpu.memory_space<hbm>>
      %dma_start3A_257 = tpu.memref_slice %arg2[%add3A_30, %mul3A_32] : memref<8x2048xi32, #tpu.memory_space<hbm>> -> memref<1x512xi32, #tpu.memory_space<hbm>>
      %dma_start3A_258 = tpu.memref_squeeze %dma_start3A_257 : memref<1x512xi32, #tpu.memory_space<hbm>> -> memref<512xi32, #tpu.memory_space<hbm>>
      tpu.enqueue_dma source(%dma_start3A_258 : memref<512xi32, #tpu.memory_space<hbm>>) target(%arg4 : memref<512xi32, #tpu.memory_space<vmem>>) target_semaphore(%run_scoped3A : memref<!tpu.dma_semaphore, #tpu.memory_space<semaphore_mem>>)
      %dma_wait3A = tpu.memref_slice %arg2[%add3A_30, %mul3A_32] : memref<8x2048xi32, #tpu.memory_space<hbm>> -> memref<1x512xi32, #tpu.memory_space<hbm>>
      %dma_wait3A_259 = tpu.memref_squeeze %dma_wait3A : memref<1x512xi32, #tpu.memory_space<hbm>> -> memref<512xi32, #tpu.memory_space<hbm>>
      %dma_wait3A_260 = tpu.memref_slice %arg2[%add3A_30, %mul3A_32] : memref<8x2048xi32, #tpu.memory_space<hbm>> -> memref<1x512xi32, #tpu.memory_space<hbm>>
      %dma_wait3A_261 = tpu.memref_squeeze %dma_wait3A_260 : memref<1x512xi32, #tpu.memory_space<hbm>> -> memref<512xi32, #tpu.memory_space<hbm>>
      tpu.wait_dma2 semaphore(%run_scoped3A : memref<!tpu.dma_semaphore, #tpu.memory_space<semaphore_mem>>) src(%dma_wait3A_261 : memref<512xi32, #tpu.memory_space<hbm>>) dst(%arg4 : memref<512xi32, #tpu.memory_space<vmem>>)
      tpu.yield
    }) : () -> ()
    %broadcast_in_dim3A = arith.constant 0 : i32
    %broadcast_in_dim3A_33 = vector.broadcast %broadcast_in_dim3A : i32 to vector<16xi32>
    %broadcast_in_dim3A_34 = arith.constant 1 : i32
    %broadcast_in_dim3A_35 = vector.broadcast %broadcast_in_dim3A_34 : i32 to vector<16xi32>
    %iota3A = tpu.iota {dimensions = array<i32: 0>} : vector<16xi32>
    %scan3A = arith.constant 0 : i32
    %scan3A_36 = arith.constant 0 : i32
    %scan3A_37 = arith.constant 16 : i32
    %scan3A_38 = arith.addi %scan3A_36, %scan3A_37 : i32
    %scan3A_39 = arith.constant 1 : i32
    %scan3A_40 = scf.for %scan3A_256 = %scan3A_36 to %scan3A_38 step %scan3A_39 iter_args(%scan3A_257 = %scan3A) -> (i32)  : i32 {
      %mul3A_258 = arith.constant 16 : i32
      %mul3A_259 = arith.muli %scan3A_256, %mul3A_258 : i32
      %swap3A_260 = arith.index_cast %mul3A_259 : i32 to index
      %swap3A_261 = tpu.vector_load %arg6[%swap3A_260] {strides = array<i32>} : memref<256xi32, #tpu.memory_space<vmem>>, vector<16xi32>,
      tpu.vector_store %arg6[%swap3A_260], %broadcast_in_dim3A_33 {strides = array<i32>} : memref<256xi32, #tpu.memory_space<vmem>>, vector<16xi32>,
      %scan3A_262 = arith.constant 0 : i32
      scf.yield %scan3A_262 : i32
    }
    %scan3A_41 = arith.constant 16 : i32
    %scan3A_42 = arith.constant 0 : i32
    %scan3A_43 = arith.constant 0 : i32
    %scan3A_44 = arith.constant 0 : i32
    %scan3A_45 = arith.constant 32 : i32
    %scan3A_46 = arith.addi %scan3A_44, %scan3A_45 : i32
    %scan3A_47 = arith.constant 1 : i32
    %scan3A_48 = scf.for %scan3A_256 = %scan3A_44 to %scan3A_46 step %scan3A_47 iter_args(%scan3A_257 = %scan3A_43) -> (i32)  : i32 {
      %mul3A_258 = arith.constant 16 : i32
      %mul3A_259 = arith.muli %scan3A_256, %mul3A_258 : i32
      %get3A_260 = arith.index_cast %mul3A_259 : i32 to index
      %get3A_261 = tpu.vector_load %arg4[%get3A_260] {strides = array<i32>} : memref<512xi32, #tpu.memory_space<vmem>>, vector<16xi32>,
      %shift_right_arithmetic3A = arith.constant 23 : i32
      %shift_right_arithmetic3A_262 = vector.broadcast %shift_right_arithmetic3A : i32 to vector<16xi32>
      %shift_right_arithmetic3A_263 = arith.shrsi %get3A_261, %shift_right_arithmetic3A_262 : vector<16xi32>
      %and3A_264 = arith.constant 255 : i32
      %and3A_265 = vector.broadcast %and3A_264 : i32 to vector<16xi32>
      %and3A_266 = arith.andi %shift_right_arithmetic3A_263, %and3A_265 : vector<16xi32>
      %shift_right_logical3A = arith.constant 31 : i32
      %shift_right_logical3A_267 = vector.broadcast %shift_right_logical3A : i32 to vector<16xi32>
      %shift_right_logical3A_268 = arith.shrui %get3A_261, %shift_right_logical3A_267 : vector<16xi32>
      %eq3A_269 = vector.broadcast %scan3A_42 : i32 to vector<16xi32>
      %eq3A_270 = arith.cmpi eq, %shift_right_logical3A_268, %eq3A_269 : vector<16xi32>
      tpu.vector_store_idx %arg6[%and3A_266], %broadcast_in_dim3A_35 masked %eq3A_270 {add = true} : memref<256xi32, #tpu.memory_space<vmem>>[vector<16xi32>], vector<16xi32>, vector<16xi1>
      %scan3A_271 = arith.constant 0 : i32
      scf.yield %scan3A_271 : i32
    }
    %scan3A_49 = arith.constant 32 : i32
    %mul3A_50 = arith.constant 256 : i32
    %mul3A_51 = arith.muli %arg1, %mul3A_50 : i32
    "tpu.region"() ({
      %run_scoped3A = tpu.sem_alloc : memref<!tpu.dma_semaphore, #tpu.memory_space<semaphore_mem>>
      %dma_start3A = tpu.memref_slice %arg8[%mul3A_51] : memref<4096xi32, #tpu.memory_space<vmem_shared>> -> memref<256xi32, #tpu.memory_space<vmem_shared>>
      %dma_start3A_256 = tpu.memref_slice %arg8[%mul3A_51] : memref<4096xi32, #tpu.memory_space<vmem_shared>> -> memref<256xi32, #tpu.memory_space<vmem_shared>>
      tpu.enqueue_dma source(%arg6 : memref<256xi32, #tpu.memory_space<vmem>>) target(%dma_start3A_256 : memref<256xi32, #tpu.memory_space<vmem_shared>>) target_semaphore(%run_scoped3A : memref<!tpu.dma_semaphore, #tpu.memory_space<semaphore_mem>>)
      %dma_wait3A = tpu.memref_slice %arg8[%mul3A_51] : memref<4096xi32, #tpu.memory_space<vmem_shared>> -> memref<256xi32, #tpu.memory_space<vmem_shared>>
      %dma_wait3A_257 = tpu.memref_slice %arg8[%mul3A_51] : memref<4096xi32, #tpu.memory_space<vmem_shared>> -> memref<256xi32, #tpu.memory_space<vmem_shared>>
      tpu.wait_dma2 semaphore(%run_scoped3A : memref<!tpu.dma_semaphore, #tpu.memory_space<semaphore_mem>>) src(%arg6 : memref<256xi32, #tpu.memory_space<vmem>>) dst(%dma_wait3A_257 : memref<256xi32, #tpu.memory_space<vmem_shared>>)
      tpu.yield
    }) : () -> ()
    %barrier3A = arith.constant 0 : index
    tpu.barrier barrier_id(%barrier3A)
    %mul3A_52 = arith.constant 1024 : i32
    %mul3A_53 = arith.muli %select_n3A, %mul3A_52 : i32
    "tpu.region"() ({
      %run_scoped3A = tpu.sem_alloc : memref<!tpu.dma_semaphore, #tpu.memory_space<semaphore_mem>>
      %dma_start3A = tpu.memref_slice %arg8[%mul3A_53] : memref<4096xi32, #tpu.memory_space<vmem_shared>> -> memref<1024xi32, #tpu.memory_space<vmem_shared>>
      %dma_start3A_256 = tpu.memref_slice %arg8[%mul3A_53] : memref<4096xi32, #tpu.memory_space<vmem_shared>> -> memref<1024xi32, #tpu.memory_space<vmem_shared>>
      tpu.enqueue_dma source(%dma_start3A_256 : memref<1024xi32, #tpu.memory_space<vmem_shared>>) target(%arg7 : memref<1024xi32, #tpu.memory_space<vmem>>) target_semaphore(%run_scoped3A : memref<!tpu.dma_semaphore, #tpu.memory_space<semaphore_mem>>)
      %dma_wait3A = tpu.memref_slice %arg8[%mul3A_53] : memref<4096xi32, #tpu.memory_space<vmem_shared>> -> memref<1024xi32, #tpu.memory_space<vmem_shared>>
      %dma_wait3A_257 = tpu.memref_slice %arg8[%mul3A_53] : memref<4096xi32, #tpu.memory_space<vmem_shared>> -> memref<1024xi32, #tpu.memory_space<vmem_shared>>
      tpu.wait_dma2 semaphore(%run_scoped3A : memref<!tpu.dma_semaphore, #tpu.memory_space<semaphore_mem>>) src(%dma_wait3A_257 : memref<1024xi32, #tpu.memory_space<vmem_shared>>) dst(%arg7 : memref<1024xi32, #tpu.memory_space<vmem>>)
      tpu.yield
    }) : () -> ()
    %barrier3A_54 = arith.constant 0 : index
    tpu.barrier barrier_id(%barrier3A_54)
    %scan3A_55 = arith.constant 256 : i32
    %scan3A_56 = arith.constant 0 : i32
    %scan3A_57 = arith.constant false
    %scan3A_58 = arith.constant 0 : i32
    %scan3A_59 = arith.constant 0 : i32
    %scan3A_60 = arith.constant 0 : i32
    %scan3A_61 = arith.constant 16 : i32
    %scan3A_62 = arith.addi %scan3A_60, %scan3A_61 : i32
    %scan3A_63 = arith.constant 1 : i32
    %scan3A_64:4 = scf.for %scan3A_256 = %scan3A_60 to %scan3A_62 step %scan3A_63 iter_args(%scan3A_257 = %scan3A_56, %scan3A_258 = %scan3A_57, %scan3A_259 = %scan3A_58, %scan3A_260 = %scan3A_59) -> (i32, i1, i32, i32)  : i32 {
      %sub3A_261 = arith.constant 15 : i32
      %sub3A_262 = arith.subi %sub3A_261, %scan3A_256 : i32
      %mul3A_263 = arith.constant 16 : i32
      %mul3A_264 = arith.muli %sub3A_262, %mul3A_263 : i32
      %get3A_265 = arith.index_cast %mul3A_264 : i32 to index
      %get3A_266 = tpu.vector_load %arg7[%get3A_265] {strides = array<i32>} : memref<1024xi32, #tpu.memory_space<vmem>>, vector<16xi32>,
      %mul3A_267 = arith.constant 16 : i32
      %mul3A_268 = arith.muli %sub3A_262, %mul3A_267 : i32
      %add3A_269 = arith.constant 256 : i32
      %add3A_270 = arith.addi %add3A_269, %mul3A_268 : i32
      %get3A_271 = arith.index_cast %add3A_270 : i32 to index
      %get3A_272 = tpu.vector_load %arg7[%get3A_271] {strides = array<i32>} : memref<1024xi32, #tpu.memory_space<vmem>>, vector<16xi32>,
      %add3A_273 = arith.addi %get3A_266, %get3A_272 : vector<16xi32>
      %mul3A_274 = arith.constant 16 : i32
      %mul3A_275 = arith.muli %sub3A_262, %mul3A_274 : i32
      %add3A_276 = arith.constant 512 : i32
      %add3A_277 = arith.addi %add3A_276, %mul3A_275 : i32
      %get3A_278 = arith.index_cast %add3A_277 : i32 to index
      %get3A_279 = tpu.vector_load %arg7[%get3A_278] {strides = array<i32>} : memref<1024xi32, #tpu.memory_space<vmem>>, vector<16xi32>,
      %add3A_280 = arith.addi %add3A_273, %get3A_279 : vector<16xi32>
      %mul3A_281 = arith.constant 16 : i32
      %mul3A_282 = arith.muli %sub3A_262, %mul3A_281 : i32
      %add3A_283 = arith.constant 768 : i32
      %add3A_284 = arith.addi %add3A_283, %mul3A_282 : i32
      %get3A_285 = arith.index_cast %add3A_284 : i32 to index
      %get3A_286 = tpu.vector_load %arg7[%get3A_285] {strides = array<i32>} : memref<1024xi32, #tpu.memory_space<vmem>>, vector<16xi32>,
      %add3A_287 = arith.addi %add3A_280, %get3A_286 : vector<16xi32>
      %rev3A = arith.constant 15 : i32
      %rev3A_288 = vector.broadcast %rev3A : i32 to vector<16xi32>
      %rev3A_289 = tpu.iota {dimensions = array<i32: 0>} : vector<16xi32>
      %rev3A_290 = arith.subi %rev3A_288, %rev3A_289 : vector<16xi32>
      %rev3A_291 = tpu.dynamic_gather %add3A_287[%rev3A_290] in [0] : vector<16xi32>, vector<16xi32> -> vector<16xi32>
      %broadcast_in_dim3A_292 = arith.constant true
      %broadcast_in_dim3A_293 = vector.broadcast %broadcast_in_dim3A_292 : i1 to vector<16xi1>
      %masked_cumsum3A = tpu.scan <sum>, %rev3A_291 masked %broadcast_in_dim3A_293 : vector<16xi32>, vector<16xi1> -> vector<16xi32>
      %add3A_294 = vector.broadcast %scan3A_257 : i32 to vector<16xi32>
      %add3A_295 = arith.addi %add3A_294, %masked_cumsum3A : vector<16xi32>
      %ge3A = vector.broadcast %scan3A_55 : i32 to vector<16xi32>
      %ge3A_296 = arith.cmpi sge, %add3A_295, %ge3A : vector<16xi32>
      %all_reduce_population_count3A = tpu.all_reduce %ge3A_296 {dim = 0 : i64, kind = #tpu.reduction_kind<sum>} : vector<16xi1> -> vector<16xi32>
      %reduce_max3A_297 = arith.constant true
      %reduce_max3A_298 = vector.broadcast %reduce_max3A_297 : i1 to vector<16xi1>
      %reduce_max3A_299 = arith.constant -2147483648 : i32
      %reduce_max3A_300 = vector.broadcast %reduce_max3A_299 : i32 to vector<16xi32>
      %reduce_max3A_301 = arith.xori %all_reduce_population_count3A, %reduce_max3A_300 : vector<16xi32>
      %reduce_max3A_302 = tpu.scan <max>, %reduce_max3A_301 masked %reduce_max3A_298 : vector<16xi32>, vector<16xi1> -> vector<16xi32>
      %reduce_max3A_303 = arith.xori %reduce_max3A_302, %reduce_max3A_300 : vector<16xi32>
      %reduce_max3A_304 = vector.extract %reduce_max3A_303[15] : i32 from vector<16xi32>
      %gt3A_305 = arith.constant 0 : i32
      %gt3A_306 = arith.cmpi sgt, %reduce_max3A_304, %gt3A_305 : i32
      %all_reduce_ffs3A = tpu.all_reduce %ge3A_296 {dim = 0 : i64, kind = #tpu.reduction_kind<find_first_set>} : vector<16xi1> -> vector<16xi32>
      %reduce_max3A_307 = arith.constant true
      %reduce_max3A_308 = vector.broadcast %reduce_max3A_307 : i1 to vector<16xi1>
      %reduce_max3A_309 = arith.constant -2147483648 : i32
      %reduce_max3A_310 = vector.broadcast %reduce_max3A_309 : i32 to vector<16xi32>
      %reduce_max3A_311 = arith.xori %all_reduce_ffs3A, %reduce_max3A_310 : vector<16xi32>
      %reduce_max3A_312 = tpu.scan <max>, %reduce_max3A_311 masked %reduce_max3A_308 : vector<16xi32>, vector<16xi1> -> vector<16xi32>
      %reduce_max3A_313 = arith.xori %reduce_max3A_312, %reduce_max3A_310 : vector<16xi32>
      %reduce_max3A_314 = vector.extract %reduce_max3A_313[15] : i32 from vector<16xi32>
      %mul3A_315 = arith.constant 16 : i32
      %mul3A_316 = arith.muli %sub3A_262, %mul3A_315 : i32
      %add3A_317 = arith.constant 15 : i32
      %add3A_318 = arith.addi %mul3A_316, %add3A_317 : i32
      %sub3A_319 = arith.subi %add3A_318, %reduce_max3A_314 : i32
      %eq3A_320 = vector.broadcast %reduce_max3A_314 : i32 to vector<16xi32>
      %eq3A_321 = arith.cmpi eq, %iota3A, %eq3A_320 : vector<16xi32>
      %sub3A_322 = arith.subi %add3A_295, %rev3A_291 : vector<16xi32>
      %select_n3A_323 = arith.select %eq3A_321, %sub3A_322, %broadcast_in_dim3A_33 : vector<16xi1>, vector<16xi32>
      %reduce_max3A_324 = arith.constant true
      %reduce_max3A_325 = vector.broadcast %reduce_max3A_324 : i1 to vector<16xi1>
      %reduce_max3A_326 = arith.constant -2147483648 : i32
      %reduce_max3A_327 = vector.broadcast %reduce_max3A_326 : i32 to vector<16xi32>
      %reduce_max3A_328 = arith.xori %select_n3A_323, %reduce_max3A_327 : vector<16xi32>
      %reduce_max3A_329 = tpu.scan <max>, %reduce_max3A_328 masked %reduce_max3A_325 : vector<16xi32>, vector<16xi1> -> vector<16xi32>
      %reduce_max3A_330 = arith.xori %reduce_max3A_329, %reduce_max3A_327 : vector<16xi32>
      %reduce_max3A_331 = vector.extract %reduce_max3A_330[15] : i32 from vector<16xi32>
      %not3A = arith.constant true
      %not3A_332 = arith.xori %scan3A_258, %not3A : i1
      %and3A_333 = arith.andi %not3A_332, %gt3A_306 : i1
      %select_n3A_334 = arith.select %and3A_333, %sub3A_319, %scan3A_259 : i32
      %select_n3A_335 = arith.select %and3A_333, %reduce_max3A_331, %scan3A_260 : i32
      %reduce_max3A_336 = arith.constant true
      %reduce_max3A_337 = vector.broadcast %reduce_max3A_336 : i1 to vector<16xi1>
      %reduce_max3A_338 = arith.constant -2147483648 : i32
      %reduce_max3A_339 = vector.broadcast %reduce_max3A_338 : i32 to vector<16xi32>
      %reduce_max3A_340 = arith.xori %masked_cumsum3A, %reduce_max3A_339 : vector<16xi32>
      %reduce_max3A_341 = tpu.scan <max>, %reduce_max3A_340 masked %reduce_max3A_337 : vector<16xi32>, vector<16xi1> -> vector<16xi32>
      %reduce_max3A_342 = arith.xori %reduce_max3A_341, %reduce_max3A_339 : vector<16xi32>
      %reduce_max3A_343 = vector.extract %reduce_max3A_342[15] : i32 from vector<16xi32>
      %add3A_344 = arith.addi %scan3A_257, %reduce_max3A_343 : i32
      %or3A_345 = arith.ori %scan3A_258, %gt3A_306 : i1
      scf.yield %add3A_344, %or3A_345, %select_n3A_334, %select_n3A_335 : i32, i1, i32, i32
    }
    %scan3A_65 = arith.constant 16 : i32
    %shift_left3A = arith.constant 0 : i32
    %shift_left3A_66 = arith.constant 8 : i32
    %shift_left3A_67 = arith.shli %shift_left3A, %shift_left3A_66 : i32
    %or3A = arith.ori %shift_left3A_67, %scan3A_64#2 : i32
    %sub3A_68 = arith.constant 256 : i32
    %sub3A_69 = arith.subi %sub3A_68, %scan3A_64#3 : i32
    %scan3A_70 = arith.constant 0 : i32
    %scan3A_71 = arith.constant 0 : i32
    %scan3A_72 = arith.constant 16 : i32
    %scan3A_73 = arith.addi %scan3A_71, %scan3A_72 : i32
    %scan3A_74 = arith.constant 1 : i32
    %scan3A_75 = scf.for %scan3A_256 = %scan3A_71 to %scan3A_73 step %scan3A_74 iter_args(%scan3A_257 = %scan3A_70) -> (i32)  : i32 {
      %mul3A_258 = arith.constant 16 : i32
      %mul3A_259 = arith.muli %scan3A_256, %mul3A_258 : i32
      %swap3A_260 = arith.index_cast %mul3A_259 : i32 to index
      %swap3A_261 = tpu.vector_load %arg6[%swap3A_260] {strides = array<i32>} : memref<256xi32, #tpu.memory_space<vmem>>, vector<16xi32>,
      tpu.vector_store %arg6[%swap3A_260], %broadcast_in_dim3A_33 {strides = array<i32>} : memref<256xi32, #tpu.memory_space<vmem>>, vector<16xi32>,
      %scan3A_262 = arith.constant 0 : i32
      scf.yield %scan3A_262 : i32
    }
    %scan3A_76 = arith.constant 16 : i32
    %scan3A_77 = arith.constant 0 : i32
    %scan3A_78 = arith.constant 0 : i32
    %scan3A_79 = arith.constant 32 : i32
    %scan3A_80 = arith.addi %scan3A_78, %scan3A_79 : i32
    %scan3A_81 = arith.constant 1 : i32
    %scan3A_82 = scf.for %scan3A_256 = %scan3A_78 to %scan3A_80 step %scan3A_81 iter_args(%scan3A_257 = %scan3A_77) -> (i32)  : i32 {
      %mul3A_258 = arith.constant 16 : i32
      %mul3A_259 = arith.muli %scan3A_256, %mul3A_258 : i32
      %get3A_260 = arith.index_cast %mul3A_259 : i32 to index
      %get3A_261 = tpu.vector_load %arg4[%get3A_260] {strides = array<i32>} : memref<512xi32, #tpu.memory_space<vmem>>, vector<16xi32>,
      %shift_right_arithmetic3A = arith.constant 15 : i32
      %shift_right_arithmetic3A_262 = vector.broadcast %shift_right_arithmetic3A : i32 to vector<16xi32>
      %shift_right_arithmetic3A_263 = arith.shrsi %get3A_261, %shift_right_arithmetic3A_262 : vector<16xi32>
      %and3A_264 = arith.constant 255 : i32
      %and3A_265 = vector.broadcast %and3A_264 : i32 to vector<16xi32>
      %and3A_266 = arith.andi %shift_right_arithmetic3A_263, %and3A_265 : vector<16xi32>
      %shift_right_logical3A = arith.constant 23 : i32
      %shift_right_logical3A_267 = vector.broadcast %shift_right_logical3A : i32 to vector<16xi32>
      %shift_right_logical3A_268 = arith.shrui %get3A_261, %shift_right_logical3A_267 : vector<16xi32>
      %eq3A_269 = vector.broadcast %or3A : i32 to vector<16xi32>
      %eq3A_270 = arith.cmpi eq, %shift_right_logical3A_268, %eq3A_269 : vector<16xi32>
      tpu.vector_store_idx %arg6[%and3A_266], %broadcast_in_dim3A_35 masked %eq3A_270 {add = true} : memref<256xi32, #tpu.memory_space<vmem>>[vector<16xi32>], vector<16xi32>, vector<16xi1>
      %scan3A_271 = arith.constant 0 : i32
      scf.yield %scan3A_271 : i32
    }
    %scan3A_83 = arith.constant 32 : i32
    %mul3A_84 = arith.constant 256 : i32
    %mul3A_85 = arith.muli %arg1, %mul3A_84 : i32
    "tpu.region"() ({
      %run_scoped3A = tpu.sem_alloc : memref<!tpu.dma_semaphore, #tpu.memory_space<semaphore_mem>>
      %dma_start3A = tpu.memref_slice %arg8[%mul3A_85] : memref<4096xi32, #tpu.memory_space<vmem_shared>> -> memref<256xi32, #tpu.memory_space<vmem_shared>>
      %dma_start3A_256 = tpu.memref_slice %arg8[%mul3A_85] : memref<4096xi32, #tpu.memory_space<vmem_shared>> -> memref<256xi32, #tpu.memory_space<vmem_shared>>
      tpu.enqueue_dma source(%arg6 : memref<256xi32, #tpu.memory_space<vmem>>) target(%dma_start3A_256 : memref<256xi32, #tpu.memory_space<vmem_shared>>) target_semaphore(%run_scoped3A : memref<!tpu.dma_semaphore, #tpu.memory_space<semaphore_mem>>)
      %dma_wait3A = tpu.memref_slice %arg8[%mul3A_85] : memref<4096xi32, #tpu.memory_space<vmem_shared>> -> memref<256xi32, #tpu.memory_space<vmem_shared>>
      %dma_wait3A_257 = tpu.memref_slice %arg8[%mul3A_85] : memref<4096xi32, #tpu.memory_space<vmem_shared>> -> memref<256xi32, #tpu.memory_space<vmem_shared>>
      tpu.wait_dma2 semaphore(%run_scoped3A : memref<!tpu.dma_semaphore, #tpu.memory_space<semaphore_mem>>) src(%arg6 : memref<256xi32, #tpu.memory_space<vmem>>) dst(%dma_wait3A_257 : memref<256xi32, #tpu.memory_space<vmem_shared>>)
      tpu.yield
    }) : () -> ()
    %barrier3A_86 = arith.constant 0 : index
    tpu.barrier barrier_id(%barrier3A_86)
    %mul3A_87 = arith.constant 1024 : i32
    %mul3A_88 = arith.muli %select_n3A, %mul3A_87 : i32
    "tpu.region"() ({
      %run_scoped3A = tpu.sem_alloc : memref<!tpu.dma_semaphore, #tpu.memory_space<semaphore_mem>>
      %dma_start3A = tpu.memref_slice %arg8[%mul3A_88] : memref<4096xi32, #tpu.memory_space<vmem_shared>> -> memref<1024xi32, #tpu.memory_space<vmem_shared>>
      %dma_start3A_256 = tpu.memref_slice %arg8[%mul3A_88] : memref<4096xi32, #tpu.memory_space<vmem_shared>> -> memref<1024xi32, #tpu.memory_space<vmem_shared>>
      tpu.enqueue_dma source(%dma_start3A_256 : memref<1024xi32, #tpu.memory_space<vmem_shared>>) target(%arg7 : memref<1024xi32, #tpu.memory_space<vmem>>) target_semaphore(%run_scoped3A : memref<!tpu.dma_semaphore, #tpu.memory_space<semaphore_mem>>)
      %dma_wait3A = tpu.memref_slice %arg8[%mul3A_88] : memref<4096xi32, #tpu.memory_space<vmem_shared>> -> memref<1024xi32, #tpu.memory_space<vmem_shared>>
      %dma_wait3A_257 = tpu.memref_slice %arg8[%mul3A_88] : memref<4096xi32, #tpu.memory_space<vmem_shared>> -> memref<1024xi32, #tpu.memory_space<vmem_shared>>
      tpu.wait_dma2 semaphore(%run_scoped3A : memref<!tpu.dma_semaphore, #tpu.memory_space<semaphore_mem>>) src(%dma_wait3A_257 : memref<1024xi32, #tpu.memory_space<vmem_shared>>) dst(%arg7 : memref<1024xi32, #tpu.memory_space<vmem>>)
      tpu.yield
    }) : () -> ()
    %barrier3A_89 = arith.constant 0 : index
    tpu.barrier barrier_id(%barrier3A_89)
    %scan3A_90 = arith.constant 0 : i32
    %scan3A_91 = arith.constant false
    %scan3A_92 = arith.constant 0 : i32
    %scan3A_93 = arith.constant 0 : i32
    %scan3A_94 = arith.constant 0 : i32
    %scan3A_95 = arith.constant 16 : i32
    %scan3A_96 = arith.addi %scan3A_94, %scan3A_95 : i32
    %scan3A_97 = arith.constant 1 : i32
    %scan3A_98:4 = scf.for %scan3A_256 = %scan3A_94 to %scan3A_96 step %scan3A_97 iter_args(%scan3A_257 = %scan3A_90, %scan3A_258 = %scan3A_91, %scan3A_259 = %scan3A_92, %scan3A_260 = %scan3A_93) -> (i32, i1, i32, i32)  : i32 {
      %sub3A_261 = arith.constant 15 : i32
      %sub3A_262 = arith.subi %sub3A_261, %scan3A_256 : i32
      %mul3A_263 = arith.constant 16 : i32
      %mul3A_264 = arith.muli %sub3A_262, %mul3A_263 : i32
      %get3A_265 = arith.index_cast %mul3A_264 : i32 to index
      %get3A_266 = tpu.vector_load %arg7[%get3A_265] {strides = array<i32>} : memref<1024xi32, #tpu.memory_space<vmem>>, vector<16xi32>,
      %mul3A_267 = arith.constant 16 : i32
      %mul3A_268 = arith.muli %sub3A_262, %mul3A_267 : i32
      %add3A_269 = arith.constant 256 : i32
      %add3A_270 = arith.addi %add3A_269, %mul3A_268 : i32
      %get3A_271 = arith.index_cast %add3A_270 : i32 to index
      %get3A_272 = tpu.vector_load %arg7[%get3A_271] {strides = array<i32>} : memref<1024xi32, #tpu.memory_space<vmem>>, vector<16xi32>,
      %add3A_273 = arith.addi %get3A_266, %get3A_272 : vector<16xi32>
      %mul3A_274 = arith.constant 16 : i32
      %mul3A_275 = arith.muli %sub3A_262, %mul3A_274 : i32
      %add3A_276 = arith.constant 512 : i32
      %add3A_277 = arith.addi %add3A_276, %mul3A_275 : i32
      %get3A_278 = arith.index_cast %add3A_277 : i32 to index
      %get3A_279 = tpu.vector_load %arg7[%get3A_278] {strides = array<i32>} : memref<1024xi32, #tpu.memory_space<vmem>>, vector<16xi32>,
      %add3A_280 = arith.addi %add3A_273, %get3A_279 : vector<16xi32>
      %mul3A_281 = arith.constant 16 : i32
      %mul3A_282 = arith.muli %sub3A_262, %mul3A_281 : i32
      %add3A_283 = arith.constant 768 : i32
      %add3A_284 = arith.addi %add3A_283, %mul3A_282 : i32
      %get3A_285 = arith.index_cast %add3A_284 : i32 to index
      %get3A_286 = tpu.vector_load %arg7[%get3A_285] {strides = array<i32>} : memref<1024xi32, #tpu.memory_space<vmem>>, vector<16xi32>,
      %add3A_287 = arith.addi %add3A_280, %get3A_286 : vector<16xi32>
      %rev3A = arith.constant 15 : i32
      %rev3A_288 = vector.broadcast %rev3A : i32 to vector<16xi32>
      %rev3A_289 = tpu.iota {dimensions = array<i32: 0>} : vector<16xi32>
      %rev3A_290 = arith.subi %rev3A_288, %rev3A_289 : vector<16xi32>
      %rev3A_291 = tpu.dynamic_gather %add3A_287[%rev3A_290] in [0] : vector<16xi32>, vector<16xi32> -> vector<16xi32>
      %broadcast_in_dim3A_292 = arith.constant true
      %broadcast_in_dim3A_293 = vector.broadcast %broadcast_in_dim3A_292 : i1 to vector<16xi1>
      %masked_cumsum3A = tpu.scan <sum>, %rev3A_291 masked %broadcast_in_dim3A_293 : vector<16xi32>, vector<16xi1> -> vector<16xi32>
      %add3A_294 = vector.broadcast %scan3A_257 : i32 to vector<16xi32>
      %add3A_295 = arith.addi %add3A_294, %masked_cumsum3A : vector<16xi32>
      %ge3A = vector.broadcast %sub3A_69 : i32 to vector<16xi32>
      %ge3A_296 = arith.cmpi sge, %add3A_295, %ge3A : vector<16xi32>
      %all_reduce_population_count3A = tpu.all_reduce %ge3A_296 {dim = 0 : i64, kind = #tpu.reduction_kind<sum>} : vector<16xi1> -> vector<16xi32>
      %reduce_max3A_297 = arith.constant true
      %reduce_max3A_298 = vector.broadcast %reduce_max3A_297 : i1 to vector<16xi1>
      %reduce_max3A_299 = arith.constant -2147483648 : i32
      %reduce_max3A_300 = vector.broadcast %reduce_max3A_299 : i32 to vector<16xi32>
      %reduce_max3A_301 = arith.xori %all_reduce_population_count3A, %reduce_max3A_300 : vector<16xi32>
      %reduce_max3A_302 = tpu.scan <max>, %reduce_max3A_301 masked %reduce_max3A_298 : vector<16xi32>, vector<16xi1> -> vector<16xi32>
      %reduce_max3A_303 = arith.xori %reduce_max3A_302, %reduce_max3A_300 : vector<16xi32>
      %reduce_max3A_304 = vector.extract %reduce_max3A_303[15] : i32 from vector<16xi32>
      %gt3A_305 = arith.constant 0 : i32
      %gt3A_306 = arith.cmpi sgt, %reduce_max3A_304, %gt3A_305 : i32
      %all_reduce_ffs3A = tpu.all_reduce %ge3A_296 {dim = 0 : i64, kind = #tpu.reduction_kind<find_first_set>} : vector<16xi1> -> vector<16xi32>
      %reduce_max3A_307 = arith.constant true
      %reduce_max3A_308 = vector.broadcast %reduce_max3A_307 : i1 to vector<16xi1>
      %reduce_max3A_309 = arith.constant -2147483648 : i32
      %reduce_max3A_310 = vector.broadcast %reduce_max3A_309 : i32 to vector<16xi32>
      %reduce_max3A_311 = arith.xori %all_reduce_ffs3A, %reduce_max3A_310 : vector<16xi32>
      %reduce_max3A_312 = tpu.scan <max>, %reduce_max3A_311 masked %reduce_max3A_308 : vector<16xi32>, vector<16xi1> -> vector<16xi32>
      %reduce_max3A_313 = arith.xori %reduce_max3A_312, %reduce_max3A_310 : vector<16xi32>
      %reduce_max3A_314 = vector.extract %reduce_max3A_313[15] : i32 from vector<16xi32>
      %mul3A_315 = arith.constant 16 : i32
      %mul3A_316 = arith.muli %sub3A_262, %mul3A_315 : i32
      %add3A_317 = arith.constant 15 : i32
      %add3A_318 = arith.addi %mul3A_316, %add3A_317 : i32
      %sub3A_319 = arith.subi %add3A_318, %reduce_max3A_314 : i32
      %eq3A_320 = vector.broadcast %reduce_max3A_314 : i32 to vector<16xi32>
      %eq3A_321 = arith.cmpi eq, %iota3A, %eq3A_320 : vector<16xi32>
      %sub3A_322 = arith.subi %add3A_295, %rev3A_291 : vector<16xi32>
      %select_n3A_323 = arith.select %eq3A_321, %sub3A_322, %broadcast_in_dim3A_33 : vector<16xi1>, vector<16xi32>
      %reduce_max3A_324 = arith.constant true
      %reduce_max3A_325 = vector.broadcast %reduce_max3A_324 : i1 to vector<16xi1>
      %reduce_max3A_326 = arith.constant -2147483648 : i32
      %reduce_max3A_327 = vector.broadcast %reduce_max3A_326 : i32 to vector<16xi32>
      %reduce_max3A_328 = arith.xori %select_n3A_323, %reduce_max3A_327 : vector<16xi32>
      %reduce_max3A_329 = tpu.scan <max>, %reduce_max3A_328 masked %reduce_max3A_325 : vector<16xi32>, vector<16xi1> -> vector<16xi32>
      %reduce_max3A_330 = arith.xori %reduce_max3A_329, %reduce_max3A_327 : vector<16xi32>
      %reduce_max3A_331 = vector.extract %reduce_max3A_330[15] : i32 from vector<16xi32>
      %not3A = arith.constant true
      %not3A_332 = arith.xori %scan3A_258, %not3A : i1
      %and3A_333 = arith.andi %not3A_332, %gt3A_306 : i1
      %select_n3A_334 = arith.select %and3A_333, %sub3A_319, %scan3A_259 : i32
      %select_n3A_335 = arith.select %and3A_333, %reduce_max3A_331, %scan3A_260 : i32
      %reduce_max3A_336 = arith.constant true
      %reduce_max3A_337 = vector.broadcast %reduce_max3A_336 : i1 to vector<16xi1>
      %reduce_max3A_338 = arith.constant -2147483648 : i32
      %reduce_max3A_339 = vector.broadcast %reduce_max3A_338 : i32 to vector<16xi32>
      %reduce_max3A_340 = arith.xori %masked_cumsum3A, %reduce_max3A_339 : vector<16xi32>
      %reduce_max3A_341 = tpu.scan <max>, %reduce_max3A_340 masked %reduce_max3A_337 : vector<16xi32>, vector<16xi1> -> vector<16xi32>
      %reduce_max3A_342 = arith.xori %reduce_max3A_341, %reduce_max3A_339 : vector<16xi32>
      %reduce_max3A_343 = vector.extract %reduce_max3A_342[15] : i32 from vector<16xi32>
      %add3A_344 = arith.addi %scan3A_257, %reduce_max3A_343 : i32
      %or3A_345 = arith.ori %scan3A_258, %gt3A_306 : i1
      scf.yield %add3A_344, %or3A_345, %select_n3A_334, %select_n3A_335 : i32, i1, i32, i32
    }
    %scan3A_99 = arith.constant 16 : i32
    %shift_left3A_100 = arith.constant 8 : i32
    %shift_left3A_101 = arith.shli %or3A, %shift_left3A_100 : i32
    %or3A_102 = arith.ori %shift_left3A_101, %scan3A_98#2 : i32
    %sub3A_103 = arith.subi %sub3A_69, %scan3A_98#3 : i32
    %scan3A_104 = arith.constant 0 : i32
    %scan3A_105 = arith.constant 0 : i32
    %scan3A_106 = arith.constant 16 : i32
    %scan3A_107 = arith.addi %scan3A_105, %scan3A_106 : i32
    %scan3A_108 = arith.constant 1 : i32
    %scan3A_109 = scf.for %scan3A_256 = %scan3A_105 to %scan3A_107 step %scan3A_108 iter_args(%scan3A_257 = %scan3A_104) -> (i32)  : i32 {
      %mul3A_258 = arith.constant 16 : i32
      %mul3A_259 = arith.muli %scan3A_256, %mul3A_258 : i32
      %swap3A_260 = arith.index_cast %mul3A_259 : i32 to index
      %swap3A_261 = tpu.vector_load %arg6[%swap3A_260] {strides = array<i32>} : memref<256xi32, #tpu.memory_space<vmem>>, vector<16xi32>,
      tpu.vector_store %arg6[%swap3A_260], %broadcast_in_dim3A_33 {strides = array<i32>} : memref<256xi32, #tpu.memory_space<vmem>>, vector<16xi32>,
      %scan3A_262 = arith.constant 0 : i32
      scf.yield %scan3A_262 : i32
    }
    %scan3A_110 = arith.constant 16 : i32
    %scan3A_111 = arith.constant 0 : i32
    %scan3A_112 = arith.constant 0 : i32
    %scan3A_113 = arith.constant 32 : i32
    %scan3A_114 = arith.addi %scan3A_112, %scan3A_113 : i32
    %scan3A_115 = arith.constant 1 : i32
    %scan3A_116 = scf.for %scan3A_256 = %scan3A_112 to %scan3A_114 step %scan3A_115 iter_args(%scan3A_257 = %scan3A_111) -> (i32)  : i32 {
      %mul3A_258 = arith.constant 16 : i32
      %mul3A_259 = arith.muli %scan3A_256, %mul3A_258 : i32
      %get3A_260 = arith.index_cast %mul3A_259 : i32 to index
      %get3A_261 = tpu.vector_load %arg4[%get3A_260] {strides = array<i32>} : memref<512xi32, #tpu.memory_space<vmem>>, vector<16xi32>,
      %shift_right_arithmetic3A = arith.constant 7 : i32
      %shift_right_arithmetic3A_262 = vector.broadcast %shift_right_arithmetic3A : i32 to vector<16xi32>
      %shift_right_arithmetic3A_263 = arith.shrsi %get3A_261, %shift_right_arithmetic3A_262 : vector<16xi32>
      %and3A_264 = arith.constant 255 : i32
      %and3A_265 = vector.broadcast %and3A_264 : i32 to vector<16xi32>
      %and3A_266 = arith.andi %shift_right_arithmetic3A_263, %and3A_265 : vector<16xi32>
      %shift_right_logical3A = arith.constant 15 : i32
      %shift_right_logical3A_267 = vector.broadcast %shift_right_logical3A : i32 to vector<16xi32>
      %shift_right_logical3A_268 = arith.shrui %get3A_261, %shift_right_logical3A_267 : vector<16xi32>
      %eq3A_269 = vector.broadcast %or3A_102 : i32 to vector<16xi32>
      %eq3A_270 = arith.cmpi eq, %shift_right_logical3A_268, %eq3A_269 : vector<16xi32>
      tpu.vector_store_idx %arg6[%and3A_266], %broadcast_in_dim3A_35 masked %eq3A_270 {add = true} : memref<256xi32, #tpu.memory_space<vmem>>[vector<16xi32>], vector<16xi32>, vector<16xi1>
      %scan3A_271 = arith.constant 0 : i32
      scf.yield %scan3A_271 : i32
    }
    %scan3A_117 = arith.constant 32 : i32
    %mul3A_118 = arith.constant 256 : i32
    %mul3A_119 = arith.muli %arg1, %mul3A_118 : i32
    "tpu.region"() ({
      %run_scoped3A = tpu.sem_alloc : memref<!tpu.dma_semaphore, #tpu.memory_space<semaphore_mem>>
      %dma_start3A = tpu.memref_slice %arg8[%mul3A_119] : memref<4096xi32, #tpu.memory_space<vmem_shared>> -> memref<256xi32, #tpu.memory_space<vmem_shared>>
      %dma_start3A_256 = tpu.memref_slice %arg8[%mul3A_119] : memref<4096xi32, #tpu.memory_space<vmem_shared>> -> memref<256xi32, #tpu.memory_space<vmem_shared>>
      tpu.enqueue_dma source(%arg6 : memref<256xi32, #tpu.memory_space<vmem>>) target(%dma_start3A_256 : memref<256xi32, #tpu.memory_space<vmem_shared>>) target_semaphore(%run_scoped3A : memref<!tpu.dma_semaphore, #tpu.memory_space<semaphore_mem>>)
      %dma_wait3A = tpu.memref_slice %arg8[%mul3A_119] : memref<4096xi32, #tpu.memory_space<vmem_shared>> -> memref<256xi32, #tpu.memory_space<vmem_shared>>
      %dma_wait3A_257 = tpu.memref_slice %arg8[%mul3A_119] : memref<4096xi32, #tpu.memory_space<vmem_shared>> -> memref<256xi32, #tpu.memory_space<vmem_shared>>
      tpu.wait_dma2 semaphore(%run_scoped3A : memref<!tpu.dma_semaphore, #tpu.memory_space<semaphore_mem>>) src(%arg6 : memref<256xi32, #tpu.memory_space<vmem>>) dst(%dma_wait3A_257 : memref<256xi32, #tpu.memory_space<vmem_shared>>)
      tpu.yield
    }) : () -> ()
    %barrier3A_120 = arith.constant 0 : index
    tpu.barrier barrier_id(%barrier3A_120)
    %mul3A_121 = arith.constant 1024 : i32
    %mul3A_122 = arith.muli %select_n3A, %mul3A_121 : i32
    "tpu.region"() ({
      %run_scoped3A = tpu.sem_alloc : memref<!tpu.dma_semaphore, #tpu.memory_space<semaphore_mem>>
      %dma_start3A = tpu.memref_slice %arg8[%mul3A_122] : memref<4096xi32, #tpu.memory_space<vmem_shared>> -> memref<1024xi32, #tpu.memory_space<vmem_shared>>
      %dma_start3A_256 = tpu.memref_slice %arg8[%mul3A_122] : memref<4096xi32, #tpu.memory_space<vmem_shared>> -> memref<1024xi32, #tpu.memory_space<vmem_shared>>
      tpu.enqueue_dma source(%dma_start3A_256 : memref<1024xi32, #tpu.memory_space<vmem_shared>>) target(%arg7 : memref<1024xi32, #tpu.memory_space<vmem>>) target_semaphore(%run_scoped3A : memref<!tpu.dma_semaphore, #tpu.memory_space<semaphore_mem>>)
      %dma_wait3A = tpu.memref_slice %arg8[%mul3A_122] : memref<4096xi32, #tpu.memory_space<vmem_shared>> -> memref<1024xi32, #tpu.memory_space<vmem_shared>>
      %dma_wait3A_257 = tpu.memref_slice %arg8[%mul3A_122] : memref<4096xi32, #tpu.memory_space<vmem_shared>> -> memref<1024xi32, #tpu.memory_space<vmem_shared>>
      tpu.wait_dma2 semaphore(%run_scoped3A : memref<!tpu.dma_semaphore, #tpu.memory_space<semaphore_mem>>) src(%dma_wait3A_257 : memref<1024xi32, #tpu.memory_space<vmem_shared>>) dst(%arg7 : memref<1024xi32, #tpu.memory_space<vmem>>)
      tpu.yield
    }) : () -> ()
    %barrier3A_123 = arith.constant 0 : index
    tpu.barrier barrier_id(%barrier3A_123)
    %scan3A_124 = arith.constant 0 : i32
    %scan3A_125 = arith.constant false
    %scan3A_126 = arith.constant 0 : i32
    %scan3A_127 = arith.constant 0 : i32
    %scan3A_128 = arith.constant 0 : i32
    %scan3A_129 = arith.constant 16 : i32
    %scan3A_130 = arith.addi %scan3A_128, %scan3A_129 : i32
    %scan3A_131 = arith.constant 1 : i32
    %scan3A_132:4 = scf.for %scan3A_256 = %scan3A_128 to %scan3A_130 step %scan3A_131 iter_args(%scan3A_257 = %scan3A_124, %scan3A_258 = %scan3A_125, %scan3A_259 = %scan3A_126, %scan3A_260 = %scan3A_127) -> (i32, i1, i32, i32)  : i32 {
      %sub3A_261 = arith.constant 15 : i32
      %sub3A_262 = arith.subi %sub3A_261, %scan3A_256 : i32
      %mul3A_263 = arith.constant 16 : i32
      %mul3A_264 = arith.muli %sub3A_262, %mul3A_263 : i32
      %get3A_265 = arith.index_cast %mul3A_264 : i32 to index
      %get3A_266 = tpu.vector_load %arg7[%get3A_265] {strides = array<i32>} : memref<1024xi32, #tpu.memory_space<vmem>>, vector<16xi32>,
      %mul3A_267 = arith.constant 16 : i32
      %mul3A_268 = arith.muli %sub3A_262, %mul3A_267 : i32
      %add3A_269 = arith.constant 256 : i32
      %add3A_270 = arith.addi %add3A_269, %mul3A_268 : i32
      %get3A_271 = arith.index_cast %add3A_270 : i32 to index
      %get3A_272 = tpu.vector_load %arg7[%get3A_271] {strides = array<i32>} : memref<1024xi32, #tpu.memory_space<vmem>>, vector<16xi32>,
      %add3A_273 = arith.addi %get3A_266, %get3A_272 : vector<16xi32>
      %mul3A_274 = arith.constant 16 : i32
      %mul3A_275 = arith.muli %sub3A_262, %mul3A_274 : i32
      %add3A_276 = arith.constant 512 : i32
      %add3A_277 = arith.addi %add3A_276, %mul3A_275 : i32
      %get3A_278 = arith.index_cast %add3A_277 : i32 to index
      %get3A_279 = tpu.vector_load %arg7[%get3A_278] {strides = array<i32>} : memref<1024xi32, #tpu.memory_space<vmem>>, vector<16xi32>,
      %add3A_280 = arith.addi %add3A_273, %get3A_279 : vector<16xi32>
      %mul3A_281 = arith.constant 16 : i32
      %mul3A_282 = arith.muli %sub3A_262, %mul3A_281 : i32
      %add3A_283 = arith.constant 768 : i32
      %add3A_284 = arith.addi %add3A_283, %mul3A_282 : i32
      %get3A_285 = arith.index_cast %add3A_284 : i32 to index
      %get3A_286 = tpu.vector_load %arg7[%get3A_285] {strides = array<i32>} : memref<1024xi32, #tpu.memory_space<vmem>>, vector<16xi32>,
      %add3A_287 = arith.addi %add3A_280, %get3A_286 : vector<16xi32>
      %rev3A = arith.constant 15 : i32
      %rev3A_288 = vector.broadcast %rev3A : i32 to vector<16xi32>
      %rev3A_289 = tpu.iota {dimensions = array<i32: 0>} : vector<16xi32>
      %rev3A_290 = arith.subi %rev3A_288, %rev3A_289 : vector<16xi32>
      %rev3A_291 = tpu.dynamic_gather %add3A_287[%rev3A_290] in [0] : vector<16xi32>, vector<16xi32> -> vector<16xi32>
      %broadcast_in_dim3A_292 = arith.constant true
      %broadcast_in_dim3A_293 = vector.broadcast %broadcast_in_dim3A_292 : i1 to vector<16xi1>
      %masked_cumsum3A = tpu.scan <sum>, %rev3A_291 masked %broadcast_in_dim3A_293 : vector<16xi32>, vector<16xi1> -> vector<16xi32>
      %add3A_294 = vector.broadcast %scan3A_257 : i32 to vector<16xi32>
      %add3A_295 = arith.addi %add3A_294, %masked_cumsum3A : vector<16xi32>
      %ge3A = vector.broadcast %sub3A_103 : i32 to vector<16xi32>
      %ge3A_296 = arith.cmpi sge, %add3A_295, %ge3A : vector<16xi32>
      %all_reduce_population_count3A = tpu.all_reduce %ge3A_296 {dim = 0 : i64, kind = #tpu.reduction_kind<sum>} : vector<16xi1> -> vector<16xi32>
      %reduce_max3A_297 = arith.constant true
      %reduce_max3A_298 = vector.broadcast %reduce_max3A_297 : i1 to vector<16xi1>
      %reduce_max3A_299 = arith.constant -2147483648 : i32
      %reduce_max3A_300 = vector.broadcast %reduce_max3A_299 : i32 to vector<16xi32>
      %reduce_max3A_301 = arith.xori %all_reduce_population_count3A, %reduce_max3A_300 : vector<16xi32>
      %reduce_max3A_302 = tpu.scan <max>, %reduce_max3A_301 masked %reduce_max3A_298 : vector<16xi32>, vector<16xi1> -> vector<16xi32>
      %reduce_max3A_303 = arith.xori %reduce_max3A_302, %reduce_max3A_300 : vector<16xi32>
      %reduce_max3A_304 = vector.extract %reduce_max3A_303[15] : i32 from vector<16xi32>
      %gt3A_305 = arith.constant 0 : i32
      %gt3A_306 = arith.cmpi sgt, %reduce_max3A_304, %gt3A_305 : i32
      %all_reduce_ffs3A = tpu.all_reduce %ge3A_296 {dim = 0 : i64, kind = #tpu.reduction_kind<find_first_set>} : vector<16xi1> -> vector<16xi32>
      %reduce_max3A_307 = arith.constant true
      %reduce_max3A_308 = vector.broadcast %reduce_max3A_307 : i1 to vector<16xi1>
      %reduce_max3A_309 = arith.constant -2147483648 : i32
      %reduce_max3A_310 = vector.broadcast %reduce_max3A_309 : i32 to vector<16xi32>
      %reduce_max3A_311 = arith.xori %all_reduce_ffs3A, %reduce_max3A_310 : vector<16xi32>
      %reduce_max3A_312 = tpu.scan <max>, %reduce_max3A_311 masked %reduce_max3A_308 : vector<16xi32>, vector<16xi1> -> vector<16xi32>
      %reduce_max3A_313 = arith.xori %reduce_max3A_312, %reduce_max3A_310 : vector<16xi32>
      %reduce_max3A_314 = vector.extract %reduce_max3A_313[15] : i32 from vector<16xi32>
      %mul3A_315 = arith.constant 16 : i32
      %mul3A_316 = arith.muli %sub3A_262, %mul3A_315 : i32
      %add3A_317 = arith.constant 15 : i32
      %add3A_318 = arith.addi %mul3A_316, %add3A_317 : i32
      %sub3A_319 = arith.subi %add3A_318, %reduce_max3A_314 : i32
      %eq3A_320 = vector.broadcast %reduce_max3A_314 : i32 to vector<16xi32>
      %eq3A_321 = arith.cmpi eq, %iota3A, %eq3A_320 : vector<16xi32>
      %sub3A_322 = arith.subi %add3A_295, %rev3A_291 : vector<16xi32>
      %select_n3A_323 = arith.select %eq3A_321, %sub3A_322, %broadcast_in_dim3A_33 : vector<16xi1>, vector<16xi32>
      %reduce_max3A_324 = arith.constant true
      %reduce_max3A_325 = vector.broadcast %reduce_max3A_324 : i1 to vector<16xi1>
      %reduce_max3A_326 = arith.constant -2147483648 : i32
      %reduce_max3A_327 = vector.broadcast %reduce_max3A_326 : i32 to vector<16xi32>
      %reduce_max3A_328 = arith.xori %select_n3A_323, %reduce_max3A_327 : vector<16xi32>
      %reduce_max3A_329 = tpu.scan <max>, %reduce_max3A_328 masked %reduce_max3A_325 : vector<16xi32>, vector<16xi1> -> vector<16xi32>
      %reduce_max3A_330 = arith.xori %reduce_max3A_329, %reduce_max3A_327 : vector<16xi32>
      %reduce_max3A_331 = vector.extract %reduce_max3A_330[15] : i32 from vector<16xi32>
      %not3A = arith.constant true
      %not3A_332 = arith.xori %scan3A_258, %not3A : i1
      %and3A_333 = arith.andi %not3A_332, %gt3A_306 : i1
      %select_n3A_334 = arith.select %and3A_333, %sub3A_319, %scan3A_259 : i32
      %select_n3A_335 = arith.select %and3A_333, %reduce_max3A_331, %scan3A_260 : i32
      %reduce_max3A_336 = arith.constant true
      %reduce_max3A_337 = vector.broadcast %reduce_max3A_336 : i1 to vector<16xi1>
      %reduce_max3A_338 = arith.constant -2147483648 : i32
      %reduce_max3A_339 = vector.broadcast %reduce_max3A_338 : i32 to vector<16xi32>
      %reduce_max3A_340 = arith.xori %masked_cumsum3A, %reduce_max3A_339 : vector<16xi32>
      %reduce_max3A_341 = tpu.scan <max>, %reduce_max3A_340 masked %reduce_max3A_337 : vector<16xi32>, vector<16xi1> -> vector<16xi32>
      %reduce_max3A_342 = arith.xori %reduce_max3A_341, %reduce_max3A_339 : vector<16xi32>
      %reduce_max3A_343 = vector.extract %reduce_max3A_342[15] : i32 from vector<16xi32>
      %add3A_344 = arith.addi %scan3A_257, %reduce_max3A_343 : i32
      %or3A_345 = arith.ori %scan3A_258, %gt3A_306 : i1
      scf.yield %add3A_344, %or3A_345, %select_n3A_334, %select_n3A_335 : i32, i1, i32, i32
    }
    %scan3A_133 = arith.constant 16 : i32
    %shift_left3A_134 = arith.constant 8 : i32
    %shift_left3A_135 = arith.shli %or3A_102, %shift_left3A_134 : i32
    %or3A_136 = arith.ori %shift_left3A_135, %scan3A_132#2 : i32
    %sub3A_137 = arith.subi %sub3A_103, %scan3A_132#3 : i32
    %scan3A_138 = arith.constant 0 : i32
    %scan3A_139 = arith.constant 0 : i32
    %scan3A_140 = arith.constant 16 : i32
    %scan3A_141 = arith.addi %scan3A_139, %scan3A_140 : i32
    %scan3A_142 = arith.constant 1 : i32
    %scan3A_143 = scf.for %scan3A_256 = %scan3A_139 to %scan3A_141 step %scan3A_142 iter_args(%scan3A_257 = %scan3A_138) -> (i32)  : i32 {
      %mul3A_258 = arith.constant 16 : i32
      %mul3A_259 = arith.muli %scan3A_256, %mul3A_258 : i32
      %swap3A_260 = arith.index_cast %mul3A_259 : i32 to index
      %swap3A_261 = tpu.vector_load %arg6[%swap3A_260] {strides = array<i32>} : memref<256xi32, #tpu.memory_space<vmem>>, vector<16xi32>,
      tpu.vector_store %arg6[%swap3A_260], %broadcast_in_dim3A_33 {strides = array<i32>} : memref<256xi32, #tpu.memory_space<vmem>>, vector<16xi32>,
      %scan3A_262 = arith.constant 0 : i32
      scf.yield %scan3A_262 : i32
    }
    %scan3A_144 = arith.constant 16 : i32
    %scan3A_145 = arith.constant 0 : i32
    %scan3A_146 = arith.constant 0 : i32
    %scan3A_147 = arith.constant 32 : i32
    %scan3A_148 = arith.addi %scan3A_146, %scan3A_147 : i32
    %scan3A_149 = arith.constant 1 : i32
    %scan3A_150 = scf.for %scan3A_256 = %scan3A_146 to %scan3A_148 step %scan3A_149 iter_args(%scan3A_257 = %scan3A_145) -> (i32)  : i32 {
      %mul3A_258 = arith.constant 16 : i32
      %mul3A_259 = arith.muli %scan3A_256, %mul3A_258 : i32
      %get3A_260 = arith.index_cast %mul3A_259 : i32 to index
      %get3A_261 = tpu.vector_load %arg4[%get3A_260] {strides = array<i32>} : memref<512xi32, #tpu.memory_space<vmem>>, vector<16xi32>,
      %shift_right_arithmetic3A = arith.constant 0 : i32
      %shift_right_arithmetic3A_262 = vector.broadcast %shift_right_arithmetic3A : i32 to vector<16xi32>
      %shift_right_arithmetic3A_263 = arith.shrsi %get3A_261, %shift_right_arithmetic3A_262 : vector<16xi32>
      %and3A_264 = arith.constant 255 : i32
      %and3A_265 = vector.broadcast %and3A_264 : i32 to vector<16xi32>
      %and3A_266 = arith.andi %shift_right_arithmetic3A_263, %and3A_265 : vector<16xi32>
      %shift_right_logical3A = arith.constant 7 : i32
      %shift_right_logical3A_267 = vector.broadcast %shift_right_logical3A : i32 to vector<16xi32>
      %shift_right_logical3A_268 = arith.shrui %get3A_261, %shift_right_logical3A_267 : vector<16xi32>
      %eq3A_269 = vector.broadcast %or3A_136 : i32 to vector<16xi32>
      %eq3A_270 = arith.cmpi eq, %shift_right_logical3A_268, %eq3A_269 : vector<16xi32>
      tpu.vector_store_idx %arg6[%and3A_266], %broadcast_in_dim3A_35 masked %eq3A_270 {add = true} : memref<256xi32, #tpu.memory_space<vmem>>[vector<16xi32>], vector<16xi32>, vector<16xi1>
      %scan3A_271 = arith.constant 0 : i32
      scf.yield %scan3A_271 : i32
    }
    %scan3A_151 = arith.constant 32 : i32
    %mul3A_152 = arith.constant 256 : i32
    %mul3A_153 = arith.muli %arg1, %mul3A_152 : i32
    "tpu.region"() ({
      %run_scoped3A = tpu.sem_alloc : memref<!tpu.dma_semaphore, #tpu.memory_space<semaphore_mem>>
      %dma_start3A = tpu.memref_slice %arg8[%mul3A_153] : memref<4096xi32, #tpu.memory_space<vmem_shared>> -> memref<256xi32, #tpu.memory_space<vmem_shared>>
      %dma_start3A_256 = tpu.memref_slice %arg8[%mul3A_153] : memref<4096xi32, #tpu.memory_space<vmem_shared>> -> memref<256xi32, #tpu.memory_space<vmem_shared>>
      tpu.enqueue_dma source(%arg6 : memref<256xi32, #tpu.memory_space<vmem>>) target(%dma_start3A_256 : memref<256xi32, #tpu.memory_space<vmem_shared>>) target_semaphore(%run_scoped3A : memref<!tpu.dma_semaphore, #tpu.memory_space<semaphore_mem>>)
      %dma_wait3A = tpu.memref_slice %arg8[%mul3A_153] : memref<4096xi32, #tpu.memory_space<vmem_shared>> -> memref<256xi32, #tpu.memory_space<vmem_shared>>
      %dma_wait3A_257 = tpu.memref_slice %arg8[%mul3A_153] : memref<4096xi32, #tpu.memory_space<vmem_shared>> -> memref<256xi32, #tpu.memory_space<vmem_shared>>
      tpu.wait_dma2 semaphore(%run_scoped3A : memref<!tpu.dma_semaphore, #tpu.memory_space<semaphore_mem>>) src(%arg6 : memref<256xi32, #tpu.memory_space<vmem>>) dst(%dma_wait3A_257 : memref<256xi32, #tpu.memory_space<vmem_shared>>)
      tpu.yield
    }) : () -> ()
    %barrier3A_154 = arith.constant 0 : index
    tpu.barrier barrier_id(%barrier3A_154)
    %mul3A_155 = arith.constant 1024 : i32
    %mul3A_156 = arith.muli %select_n3A, %mul3A_155 : i32
    "tpu.region"() ({
      %run_scoped3A = tpu.sem_alloc : memref<!tpu.dma_semaphore, #tpu.memory_space<semaphore_mem>>
      %dma_start3A = tpu.memref_slice %arg8[%mul3A_156] : memref<4096xi32, #tpu.memory_space<vmem_shared>> -> memref<1024xi32, #tpu.memory_space<vmem_shared>>
      %dma_start3A_256 = tpu.memref_slice %arg8[%mul3A_156] : memref<4096xi32, #tpu.memory_space<vmem_shared>> -> memref<1024xi32, #tpu.memory_space<vmem_shared>>
      tpu.enqueue_dma source(%dma_start3A_256 : memref<1024xi32, #tpu.memory_space<vmem_shared>>) target(%arg7 : memref<1024xi32, #tpu.memory_space<vmem>>) target_semaphore(%run_scoped3A : memref<!tpu.dma_semaphore, #tpu.memory_space<semaphore_mem>>)
      %dma_wait3A = tpu.memref_slice %arg8[%mul3A_156] : memref<4096xi32, #tpu.memory_space<vmem_shared>> -> memref<1024xi32, #tpu.memory_space<vmem_shared>>
      %dma_wait3A_257 = tpu.memref_slice %arg8[%mul3A_156] : memref<4096xi32, #tpu.memory_space<vmem_shared>> -> memref<1024xi32, #tpu.memory_space<vmem_shared>>
      tpu.wait_dma2 semaphore(%run_scoped3A : memref<!tpu.dma_semaphore, #tpu.memory_space<semaphore_mem>>) src(%dma_wait3A_257 : memref<1024xi32, #tpu.memory_space<vmem_shared>>) dst(%arg7 : memref<1024xi32, #tpu.memory_space<vmem>>)
      tpu.yield
    }) : () -> ()
    %barrier3A_157 = arith.constant 0 : index
    tpu.barrier barrier_id(%barrier3A_157)
    %scan3A_158 = arith.constant 0 : i32
    %scan3A_159 = arith.constant false
    %scan3A_160 = arith.constant 0 : i32
    %scan3A_161 = arith.constant 0 : i32
    %scan3A_162 = arith.constant 0 : i32
    %scan3A_163 = arith.constant 16 : i32
    %scan3A_164 = arith.addi %scan3A_162, %scan3A_163 : i32
    %scan3A_165 = arith.constant 1 : i32
    %scan3A_166:4 = scf.for %scan3A_256 = %scan3A_162 to %scan3A_164 step %scan3A_165 iter_args(%scan3A_257 = %scan3A_158, %scan3A_258 = %scan3A_159, %scan3A_259 = %scan3A_160, %scan3A_260 = %scan3A_161) -> (i32, i1, i32, i32)  : i32 {
      %sub3A_261 = arith.constant 15 : i32
      %sub3A_262 = arith.subi %sub3A_261, %scan3A_256 : i32
      %mul3A_263 = arith.constant 16 : i32
      %mul3A_264 = arith.muli %sub3A_262, %mul3A_263 : i32
      %get3A_265 = arith.index_cast %mul3A_264 : i32 to index
      %get3A_266 = tpu.vector_load %arg7[%get3A_265] {strides = array<i32>} : memref<1024xi32, #tpu.memory_space<vmem>>, vector<16xi32>,
      %mul3A_267 = arith.constant 16 : i32
      %mul3A_268 = arith.muli %sub3A_262, %mul3A_267 : i32
      %add3A_269 = arith.constant 256 : i32
      %add3A_270 = arith.addi %add3A_269, %mul3A_268 : i32
      %get3A_271 = arith.index_cast %add3A_270 : i32 to index
      %get3A_272 = tpu.vector_load %arg7[%get3A_271] {strides = array<i32>} : memref<1024xi32, #tpu.memory_space<vmem>>, vector<16xi32>,
      %add3A_273 = arith.addi %get3A_266, %get3A_272 : vector<16xi32>
      %mul3A_274 = arith.constant 16 : i32
      %mul3A_275 = arith.muli %sub3A_262, %mul3A_274 : i32
      %add3A_276 = arith.constant 512 : i32
      %add3A_277 = arith.addi %add3A_276, %mul3A_275 : i32
      %get3A_278 = arith.index_cast %add3A_277 : i32 to index
      %get3A_279 = tpu.vector_load %arg7[%get3A_278] {strides = array<i32>} : memref<1024xi32, #tpu.memory_space<vmem>>, vector<16xi32>,
      %add3A_280 = arith.addi %add3A_273, %get3A_279 : vector<16xi32>
      %mul3A_281 = arith.constant 16 : i32
      %mul3A_282 = arith.muli %sub3A_262, %mul3A_281 : i32
      %add3A_283 = arith.constant 768 : i32
      %add3A_284 = arith.addi %add3A_283, %mul3A_282 : i32
      %get3A_285 = arith.index_cast %add3A_284 : i32 to index
      %get3A_286 = tpu.vector_load %arg7[%get3A_285] {strides = array<i32>} : memref<1024xi32, #tpu.memory_space<vmem>>, vector<16xi32>,
      %add3A_287 = arith.addi %add3A_280, %get3A_286 : vector<16xi32>
      %rev3A = arith.constant 15 : i32
      %rev3A_288 = vector.broadcast %rev3A : i32 to vector<16xi32>
      %rev3A_289 = tpu.iota {dimensions = array<i32: 0>} : vector<16xi32>
      %rev3A_290 = arith.subi %rev3A_288, %rev3A_289 : vector<16xi32>
      %rev3A_291 = tpu.dynamic_gather %add3A_287[%rev3A_290] in [0] : vector<16xi32>, vector<16xi32> -> vector<16xi32>
      %broadcast_in_dim3A_292 = arith.constant true
      %broadcast_in_dim3A_293 = vector.broadcast %broadcast_in_dim3A_292 : i1 to vector<16xi1>
      %masked_cumsum3A = tpu.scan <sum>, %rev3A_291 masked %broadcast_in_dim3A_293 : vector<16xi32>, vector<16xi1> -> vector<16xi32>
      %add3A_294 = vector.broadcast %scan3A_257 : i32 to vector<16xi32>
      %add3A_295 = arith.addi %add3A_294, %masked_cumsum3A : vector<16xi32>
      %ge3A = vector.broadcast %sub3A_137 : i32 to vector<16xi32>
      %ge3A_296 = arith.cmpi sge, %add3A_295, %ge3A : vector<16xi32>
      %all_reduce_population_count3A = tpu.all_reduce %ge3A_296 {dim = 0 : i64, kind = #tpu.reduction_kind<sum>} : vector<16xi1> -> vector<16xi32>
      %reduce_max3A_297 = arith.constant true
      %reduce_max3A_298 = vector.broadcast %reduce_max3A_297 : i1 to vector<16xi1>
      %reduce_max3A_299 = arith.constant -2147483648 : i32
      %reduce_max3A_300 = vector.broadcast %reduce_max3A_299 : i32 to vector<16xi32>
      %reduce_max3A_301 = arith.xori %all_reduce_population_count3A, %reduce_max3A_300 : vector<16xi32>
      %reduce_max3A_302 = tpu.scan <max>, %reduce_max3A_301 masked %reduce_max3A_298 : vector<16xi32>, vector<16xi1> -> vector<16xi32>
      %reduce_max3A_303 = arith.xori %reduce_max3A_302, %reduce_max3A_300 : vector<16xi32>
      %reduce_max3A_304 = vector.extract %reduce_max3A_303[15] : i32 from vector<16xi32>
      %gt3A_305 = arith.constant 0 : i32
      %gt3A_306 = arith.cmpi sgt, %reduce_max3A_304, %gt3A_305 : i32
      %all_reduce_ffs3A = tpu.all_reduce %ge3A_296 {dim = 0 : i64, kind = #tpu.reduction_kind<find_first_set>} : vector<16xi1> -> vector<16xi32>
      %reduce_max3A_307 = arith.constant true
      %reduce_max3A_308 = vector.broadcast %reduce_max3A_307 : i1 to vector<16xi1>
      %reduce_max3A_309 = arith.constant -2147483648 : i32
      %reduce_max3A_310 = vector.broadcast %reduce_max3A_309 : i32 to vector<16xi32>
      %reduce_max3A_311 = arith.xori %all_reduce_ffs3A, %reduce_max3A_310 : vector<16xi32>
      %reduce_max3A_312 = tpu.scan <max>, %reduce_max3A_311 masked %reduce_max3A_308 : vector<16xi32>, vector<16xi1> -> vector<16xi32>
      %reduce_max3A_313 = arith.xori %reduce_max3A_312, %reduce_max3A_310 : vector<16xi32>
      %reduce_max3A_314 = vector.extract %reduce_max3A_313[15] : i32 from vector<16xi32>
      %mul3A_315 = arith.constant 16 : i32
      %mul3A_316 = arith.muli %sub3A_262, %mul3A_315 : i32
      %add3A_317 = arith.constant 15 : i32
      %add3A_318 = arith.addi %mul3A_316, %add3A_317 : i32
      %sub3A_319 = arith.subi %add3A_318, %reduce_max3A_314 : i32
      %eq3A_320 = vector.broadcast %reduce_max3A_314 : i32 to vector<16xi32>
      %eq3A_321 = arith.cmpi eq, %iota3A, %eq3A_320 : vector<16xi32>
      %sub3A_322 = arith.subi %add3A_295, %rev3A_291 : vector<16xi32>
      %select_n3A_323 = arith.select %eq3A_321, %sub3A_322, %broadcast_in_dim3A_33 : vector<16xi1>, vector<16xi32>
      %reduce_max3A_324 = arith.constant true
      %reduce_max3A_325 = vector.broadcast %reduce_max3A_324 : i1 to vector<16xi1>
      %reduce_max3A_326 = arith.constant -2147483648 : i32
      %reduce_max3A_327 = vector.broadcast %reduce_max3A_326 : i32 to vector<16xi32>
      %reduce_max3A_328 = arith.xori %select_n3A_323, %reduce_max3A_327 : vector<16xi32>
      %reduce_max3A_329 = tpu.scan <max>, %reduce_max3A_328 masked %reduce_max3A_325 : vector<16xi32>, vector<16xi1> -> vector<16xi32>
      %reduce_max3A_330 = arith.xori %reduce_max3A_329, %reduce_max3A_327 : vector<16xi32>
      %reduce_max3A_331 = vector.extract %reduce_max3A_330[15] : i32 from vector<16xi32>
      %not3A = arith.constant true
      %not3A_332 = arith.xori %scan3A_258, %not3A : i1
      %and3A_333 = arith.andi %not3A_332, %gt3A_306 : i1
      %select_n3A_334 = arith.select %and3A_333, %sub3A_319, %scan3A_259 : i32
      %select_n3A_335 = arith.select %and3A_333, %reduce_max3A_331, %scan3A_260 : i32
      %reduce_max3A_336 = arith.constant true
      %reduce_max3A_337 = vector.broadcast %reduce_max3A_336 : i1 to vector<16xi1>
      %reduce_max3A_338 = arith.constant -2147483648 : i32
      %reduce_max3A_339 = vector.broadcast %reduce_max3A_338 : i32 to vector<16xi32>
      %reduce_max3A_340 = arith.xori %masked_cumsum3A, %reduce_max3A_339 : vector<16xi32>
      %reduce_max3A_341 = tpu.scan <max>, %reduce_max3A_340 masked %reduce_max3A_337 : vector<16xi32>, vector<16xi1> -> vector<16xi32>
      %reduce_max3A_342 = arith.xori %reduce_max3A_341, %reduce_max3A_339 : vector<16xi32>
      %reduce_max3A_343 = vector.extract %reduce_max3A_342[15] : i32 from vector<16xi32>
      %add3A_344 = arith.addi %scan3A_257, %reduce_max3A_343 : i32
      %or3A_345 = arith.ori %scan3A_258, %gt3A_306 : i1
      scf.yield %add3A_344, %or3A_345, %select_n3A_334, %select_n3A_335 : i32, i1, i32, i32
    }
    %scan3A_167 = arith.constant 16 : i32
    %shift_left3A_168 = arith.constant 7 : i32
    %shift_left3A_169 = arith.shli %or3A_136, %shift_left3A_168 : i32
    %or3A_170 = arith.ori %shift_left3A_169, %scan3A_166#2 : i32
    %sub3A_171 = arith.subi %sub3A_137, %scan3A_166#3 : i32
    %scan3A_172 = arith.constant 0 : i32
    %scan3A_173 = arith.constant 0 : i32
    %scan3A_174 = arith.constant 32 : i32
    %scan3A_175 = arith.addi %scan3A_173, %scan3A_174 : i32
    %scan3A_176 = arith.constant 1 : i32
    %scan3A_177 = scf.for %scan3A_256 = %scan3A_173 to %scan3A_175 step %scan3A_176 iter_args(%scan3A_257 = %scan3A_172) -> (i32)  : i32 {
      %mul3A_258 = arith.constant 16 : i32
      %mul3A_259 = arith.muli %scan3A_256, %mul3A_258 : i32
      %get3A_260 = arith.index_cast %mul3A_259 : i32 to index
      %get3A_261 = tpu.vector_load %arg4[%get3A_260] {strides = array<i32>} : memref<512xi32, #tpu.memory_space<vmem>>, vector<16xi32>,
      %eq3A_262 = vector.broadcast %or3A_170 : i32 to vector<16xi32>
      %eq3A_263 = arith.cmpi eq, %get3A_261, %eq3A_262 : vector<16xi32>
      %all_reduce_population_count3A = tpu.all_reduce %eq3A_263 {dim = 0 : i64, kind = #tpu.reduction_kind<sum>} : vector<16xi1> -> vector<16xi32>
      %reduce_max3A_264 = arith.constant true
      %reduce_max3A_265 = vector.broadcast %reduce_max3A_264 : i1 to vector<16xi1>
      %reduce_max3A_266 = arith.constant -2147483648 : i32
      %reduce_max3A_267 = vector.broadcast %reduce_max3A_266 : i32 to vector<16xi32>
      %reduce_max3A_268 = arith.xori %all_reduce_population_count3A, %reduce_max3A_267 : vector<16xi32>
      %reduce_max3A_269 = tpu.scan <max>, %reduce_max3A_268 masked %reduce_max3A_265 : vector<16xi32>, vector<16xi1> -> vector<16xi32>
      %reduce_max3A_270 = arith.xori %reduce_max3A_269, %reduce_max3A_267 : vector<16xi32>
      %reduce_max3A_271 = vector.extract %reduce_max3A_270[15] : i32 from vector<16xi32>
      %add3A_272 = arith.addi %scan3A_257, %reduce_max3A_271 : i32
      scf.yield %add3A_272 : i32
    }
    %scan3A_178 = arith.constant 32 : i32
    %broadcast_in_dim3A_179 = arith.constant 1 : i32
    %broadcast_in_dim3A_180 = vector.broadcast %broadcast_in_dim3A_179 : i32 to vector<16xi32>
    %mul3A_181 = vector.broadcast %scan3A_177 : i32 to vector<16xi32>
    %mul3A_182 = arith.muli %broadcast_in_dim3A_180, %mul3A_181 : vector<16xi32>
    %swap3A = arith.constant 0 : index
    %swap3A_183 = tpu.vector_load %arg6[%swap3A] {strides = array<i32>} : memref<256xi32, #tpu.memory_space<vmem>>, vector<16xi32>,
    tpu.vector_store %arg6[%swap3A], %mul3A_182 {strides = array<i32>} : memref<256xi32, #tpu.memory_space<vmem>>, vector<16xi32>,
    %mul3A_184 = arith.constant 256 : i32
    %mul3A_185 = arith.muli %arg1, %mul3A_184 : i32
    "tpu.region"() ({
      %run_scoped3A = tpu.sem_alloc : memref<!tpu.dma_semaphore, #tpu.memory_space<semaphore_mem>>
      %dma_start3A = tpu.memref_slice %arg8[%mul3A_185] : memref<4096xi32, #tpu.memory_space<vmem_shared>> -> memref<256xi32, #tpu.memory_space<vmem_shared>>
      %dma_start3A_256 = tpu.memref_slice %arg8[%mul3A_185] : memref<4096xi32, #tpu.memory_space<vmem_shared>> -> memref<256xi32, #tpu.memory_space<vmem_shared>>
      tpu.enqueue_dma source(%arg6 : memref<256xi32, #tpu.memory_space<vmem>>) target(%dma_start3A_256 : memref<256xi32, #tpu.memory_space<vmem_shared>>) target_semaphore(%run_scoped3A : memref<!tpu.dma_semaphore, #tpu.memory_space<semaphore_mem>>)
      %dma_wait3A = tpu.memref_slice %arg8[%mul3A_185] : memref<4096xi32, #tpu.memory_space<vmem_shared>> -> memref<256xi32, #tpu.memory_space<vmem_shared>>
      %dma_wait3A_257 = tpu.memref_slice %arg8[%mul3A_185] : memref<4096xi32, #tpu.memory_space<vmem_shared>> -> memref<256xi32, #tpu.memory_space<vmem_shared>>
      tpu.wait_dma2 semaphore(%run_scoped3A : memref<!tpu.dma_semaphore, #tpu.memory_space<semaphore_mem>>) src(%arg6 : memref<256xi32, #tpu.memory_space<vmem>>) dst(%dma_wait3A_257 : memref<256xi32, #tpu.memory_space<vmem_shared>>)
      tpu.yield
    }) : () -> ()
    %barrier3A_186 = arith.constant 0 : index
    tpu.barrier barrier_id(%barrier3A_186)
    %mul3A_187 = arith.constant 1024 : i32
    %mul3A_188 = arith.muli %select_n3A, %mul3A_187 : i32
    "tpu.region"() ({
      %run_scoped3A = tpu.sem_alloc : memref<!tpu.dma_semaphore, #tpu.memory_space<semaphore_mem>>
      %dma_start3A = tpu.memref_slice %arg8[%mul3A_188] : memref<4096xi32, #tpu.memory_space<vmem_shared>> -> memref<1024xi32, #tpu.memory_space<vmem_shared>>
      %dma_start3A_256 = tpu.memref_slice %arg8[%mul3A_188] : memref<4096xi32, #tpu.memory_space<vmem_shared>> -> memref<1024xi32, #tpu.memory_space<vmem_shared>>
      tpu.enqueue_dma source(%dma_start3A_256 : memref<1024xi32, #tpu.memory_space<vmem_shared>>) target(%arg7 : memref<1024xi32, #tpu.memory_space<vmem>>) target_semaphore(%run_scoped3A : memref<!tpu.dma_semaphore, #tpu.memory_space<semaphore_mem>>)
      %dma_wait3A = tpu.memref_slice %arg8[%mul3A_188] : memref<4096xi32, #tpu.memory_space<vmem_shared>> -> memref<1024xi32, #tpu.memory_space<vmem_shared>>
      %dma_wait3A_257 = tpu.memref_slice %arg8[%mul3A_188] : memref<4096xi32, #tpu.memory_space<vmem_shared>> -> memref<1024xi32, #tpu.memory_space<vmem_shared>>
      tpu.wait_dma2 semaphore(%run_scoped3A : memref<!tpu.dma_semaphore, #tpu.memory_space<semaphore_mem>>) src(%dma_wait3A_257 : memref<1024xi32, #tpu.memory_space<vmem_shared>>) dst(%arg7 : memref<1024xi32, #tpu.memory_space<vmem>>)
      tpu.yield
    }) : () -> ()
    %barrier3A_189 = arith.constant 0 : index
    tpu.barrier barrier_id(%barrier3A_189)
    %get3A = arith.constant 0 : index
    %get3A_190 = tpu.vector_load %arg7[%get3A] {strides = array<i32>} : memref<1024xi32, #tpu.memory_space<vmem>>, vector<16xi32>,
    %reduce_max3A = arith.constant true
    %reduce_max3A_191 = vector.broadcast %reduce_max3A : i1 to vector<16xi1>
    %reduce_max3A_192 = arith.constant -2147483648 : i32
    %reduce_max3A_193 = vector.broadcast %reduce_max3A_192 : i32 to vector<16xi32>
    %reduce_max3A_194 = arith.xori %get3A_190, %reduce_max3A_193 : vector<16xi32>
    %reduce_max3A_195 = tpu.scan <max>, %reduce_max3A_194 masked %reduce_max3A_191 : vector<16xi32>, vector<16xi1> -> vector<16xi32>
    %reduce_max3A_196 = arith.xori %reduce_max3A_195, %reduce_max3A_193 : vector<16xi32>
    %reduce_max3A_197 = vector.extract %reduce_max3A_196[15] : i32 from vector<16xi32>
    %gt3A = arith.constant 0 : i32
    %gt3A_198 = arith.cmpi sgt, %select_n3A_28, %gt3A : i32
    %jit3A_199 = arith.constant 0 : i32
    %select_n3A_200 = arith.select %gt3A_198, %reduce_max3A_197, %jit3A_199 : i32
    %add3A_201 = arith.constant 0 : i32
    %add3A_202 = arith.addi %add3A_201, %select_n3A_200 : i32
    %get3A_203 = arith.constant 256 : index
    %get3A_204 = tpu.vector_load %arg7[%get3A_203] {strides = array<i32>} : memref<1024xi32, #tpu.memory_space<vmem>>, vector<16xi32>,
    %reduce_max3A_205 = arith.constant true
    %reduce_max3A_206 = vector.broadcast %reduce_max3A_205 : i1 to vector<16xi1>
    %reduce_max3A_207 = arith.constant -2147483648 : i32
    %reduce_max3A_208 = vector.broadcast %reduce_max3A_207 : i32 to vector<16xi32>
    %reduce_max3A_209 = arith.xori %get3A_204, %reduce_max3A_208 : vector<16xi32>
    %reduce_max3A_210 = tpu.scan <max>, %reduce_max3A_209 masked %reduce_max3A_206 : vector<16xi32>, vector<16xi1> -> vector<16xi32>
    %reduce_max3A_211 = arith.xori %reduce_max3A_210, %reduce_max3A_208 : vector<16xi32>
    %reduce_max3A_212 = vector.extract %reduce_max3A_211[15] : i32 from vector<16xi32>
    %gt3A_213 = arith.constant 1 : i32
    %gt3A_214 = arith.cmpi sgt, %select_n3A_28, %gt3A_213 : i32
    %jit3A_215 = arith.constant 0 : i32
    %select_n3A_216 = arith.select %gt3A_214, %reduce_max3A_212, %jit3A_215 : i32
    %add3A_217 = arith.addi %add3A_202, %select_n3A_216 : i32
    %get3A_218 = arith.constant 512 : index
    %get3A_219 = tpu.vector_load %arg7[%get3A_218] {strides = array<i32>} : memref<1024xi32, #tpu.memory_space<vmem>>, vector<16xi32>,
    %reduce_max3A_220 = arith.constant true
    %reduce_max3A_221 = vector.broadcast %reduce_max3A_220 : i1 to vector<16xi1>
    %reduce_max3A_222 = arith.constant -2147483648 : i32
    %reduce_max3A_223 = vector.broadcast %reduce_max3A_222 : i32 to vector<16xi32>
    %reduce_max3A_224 = arith.xori %get3A_219, %reduce_max3A_223 : vector<16xi32>
    %reduce_max3A_225 = tpu.scan <max>, %reduce_max3A_224 masked %reduce_max3A_221 : vector<16xi32>, vector<16xi1> -> vector<16xi32>
    %reduce_max3A_226 = arith.xori %reduce_max3A_225, %reduce_max3A_223 : vector<16xi32>
    %reduce_max3A_227 = vector.extract %reduce_max3A_226[15] : i32 from vector<16xi32>
    %gt3A_228 = arith.constant 2 : i32
    %gt3A_229 = arith.cmpi sgt, %select_n3A_28, %gt3A_228 : i32
    %jit3A_230 = arith.constant 0 : i32
    %select_n3A_231 = arith.select %gt3A_229, %reduce_max3A_227, %jit3A_230 : i32
    %add3A_232 = arith.addi %add3A_217, %select_n3A_231 : i32
    %get3A_233 = arith.constant 768 : index
    %get3A_234 = tpu.vector_load %arg7[%get3A_233] {strides = array<i32>} : memref<1024xi32, #tpu.memory_space<vmem>>, vector<16xi32>,
    %reduce_max3A_235 = arith.constant true
    %reduce_max3A_236 = vector.broadcast %reduce_max3A_235 : i1 to vector<16xi1>
    %reduce_max3A_237 = arith.constant -2147483648 : i32
    %reduce_max3A_238 = vector.broadcast %reduce_max3A_237 : i32 to vector<16xi32>
    %reduce_max3A_239 = arith.xori %get3A_234, %reduce_max3A_238 : vector<16xi32>
    %reduce_max3A_240 = tpu.scan <max>, %reduce_max3A_239 masked %reduce_max3A_236 : vector<16xi32>, vector<16xi1> -> vector<16xi32>
    %reduce_max3A_241 = arith.xori %reduce_max3A_240, %reduce_max3A_238 : vector<16xi32>
    %reduce_max3A_242 = vector.extract %reduce_max3A_241[15] : i32 from vector<16xi32>
    %gt3A_243 = arith.constant 3 : i32
    %gt3A_244 = arith.cmpi sgt, %select_n3A_28, %gt3A_243 : i32
    %jit3A_245 = arith.constant 0 : i32
    %select_n3A_246 = arith.select %gt3A_244, %reduce_max3A_242, %jit3A_245 : i32
    %add3A_247 = arith.addi %add3A_232, %select_n3A_246 : i32
    %scan3A_248 = arith.constant 0 : i32
    %scan3A_249 = arith.constant 32 : i32
    %scan3A_250 = arith.addi %scan3A_248, %scan3A_249 : i32
    %scan3A_251 = arith.constant 1 : i32
    %scan3A_252 = scf.for %scan3A_256 = %scan3A_248 to %scan3A_250 step %scan3A_251 iter_args(%scan3A_257 = %add3A_247) -> (i32)  : i32 {
      %mul3A_258 = arith.constant 16 : i32
      %mul3A_259 = arith.muli %scan3A_256, %mul3A_258 : i32
      %get3A_260 = arith.index_cast %mul3A_259 : i32 to index
      %get3A_261 = tpu.vector_load %arg4[%get3A_260] {strides = array<i32>} : memref<512xi32, #tpu.memory_space<vmem>>, vector<16xi32>,
      %gt3A_262 = vector.broadcast %or3A_170 : i32 to vector<16xi32>
      %gt3A_263 = arith.cmpi sgt, %get3A_261, %gt3A_262 : vector<16xi32>
      %eq3A_264 = vector.broadcast %or3A_170 : i32 to vector<16xi32>
      %eq3A_265 = arith.cmpi eq, %get3A_261, %eq3A_264 : vector<16xi32>
      %convert_element_type3A = arith.extui %eq3A_265 : vector<16xi1> to vector<16xi32>
      %broadcast_in_dim3A_266 = arith.constant true
      %broadcast_in_dim3A_267 = vector.broadcast %broadcast_in_dim3A_266 : i1 to vector<16xi1>
      %masked_cumsum3A = tpu.scan <sum>, %convert_element_type3A masked %broadcast_in_dim3A_267 : vector<16xi32>, vector<16xi1> -> vector<16xi32>
      %add3A_268 = vector.broadcast %scan3A_257 : i32 to vector<16xi32>
      %add3A_269 = arith.addi %add3A_268, %masked_cumsum3A : vector<16xi32>
      %le3A = vector.broadcast %sub3A_171 : i32 to vector<16xi32>
      %le3A_270 = arith.cmpi sle, %add3A_269, %le3A : vector<16xi32>
      %and3A_271 = arith.andi %eq3A_265, %le3A_270 : vector<16xi1>
      %or3A_272 = arith.ori %gt3A_263, %and3A_271 : vector<16xi1>
      %select_n3A_273 = arith.select %or3A_272, %get3A_261, %broadcast_in_dim3A_33 : vector<16xi1>, vector<16xi32>
      %mul3A_274 = arith.constant 16 : i32
      %mul3A_275 = arith.muli %scan3A_256, %mul3A_274 : i32
      %swap3A_276 = arith.index_cast %mul3A_275 : i32 to index
      %swap3A_277 = tpu.vector_load %arg5[%swap3A_276] {strides = array<i32>} : memref<512xi32, #tpu.memory_space<vmem>>, vector<16xi32>,
      tpu.vector_store %arg5[%swap3A_276], %select_n3A_273 {strides = array<i32>} : memref<512xi32, #tpu.memory_space<vmem>>, vector<16xi32>,
      %all_reduce_population_count3A = tpu.all_reduce %eq3A_265 {dim = 0 : i64, kind = #tpu.reduction_kind<sum>} : vector<16xi1> -> vector<16xi32>
      %reduce_max3A_278 = arith.constant true
      %reduce_max3A_279 = vector.broadcast %reduce_max3A_278 : i1 to vector<16xi1>
      %reduce_max3A_280 = arith.constant -2147483648 : i32
      %reduce_max3A_281 = vector.broadcast %reduce_max3A_280 : i32 to vector<16xi32>
      %reduce_max3A_282 = arith.xori %all_reduce_population_count3A, %reduce_max3A_281 : vector<16xi32>
      %reduce_max3A_283 = tpu.scan <max>, %reduce_max3A_282 masked %reduce_max3A_279 : vector<16xi32>, vector<16xi1> -> vector<16xi32>
      %reduce_max3A_284 = arith.xori %reduce_max3A_283, %reduce_max3A_281 : vector<16xi32>
      %reduce_max3A_285 = vector.extract %reduce_max3A_284[15] : i32 from vector<16xi32>
      %add3A_286 = arith.addi %scan3A_257, %reduce_max3A_285 : i32
      scf.yield %add3A_286 : i32
    }
    %scan3A_253 = arith.constant 32 : i32
    %mul3A_254 = arith.constant 512 : i32
    %mul3A_255 = arith.muli %select_n3A_28, %mul3A_254 : i32
    "tpu.region"() ({
      %run_scoped3A = tpu.sem_alloc : memref<!tpu.dma_semaphore, #tpu.memory_space<semaphore_mem>>
      %dma_start3A = tpu.memref_slice %arg3[%add3A_30, %mul3A_255] : memref<8x2048xi32, #tpu.memory_space<hbm>> -> memref<1x512xi32, #tpu.memory_space<hbm>>
      %dma_start3A_256 = tpu.memref_squeeze %dma_start3A : memref<1x512xi32, #tpu.memory_space<hbm>> -> memref<512xi32, #tpu.memory_space<hbm>>
      %dma_start3A_257 = tpu.memref_slice %arg3[%add3A_30, %mul3A_255] : memref<8x2048xi32, #tpu.memory_space<hbm>> -> memref<1x512xi32, #tpu.memory_space<hbm>>
      %dma_start3A_258 = tpu.memref_squeeze %dma_start3A_257 : memref<1x512xi32, #tpu.memory_space<hbm>> -> memref<512xi32, #tpu.memory_space<hbm>>
      tpu.enqueue_dma source(%arg5 : memref<512xi32, #tpu.memory_space<vmem>>) target(%dma_start3A_258 : memref<512xi32, #tpu.memory_space<hbm>>) target_semaphore(%run_scoped3A : memref<!tpu.dma_semaphore, #tpu.memory_space<semaphore_mem>>)
      %dma_wait3A = tpu.memref_slice %arg3[%add3A_30, %mul3A_255] : memref<8x2048xi32, #tpu.memory_space<hbm>> -> memref<1x512xi32, #tpu.memory_space<hbm>>
      %dma_wait3A_259 = tpu.memref_squeeze %dma_wait3A : memref<1x512xi32, #tpu.memory_space<hbm>> -> memref<512xi32, #tpu.memory_space<hbm>>
      %dma_wait3A_260 = tpu.memref_slice %arg3[%add3A_30, %mul3A_255] : memref<8x2048xi32, #tpu.memory_space<hbm>> -> memref<1x512xi32, #tpu.memory_space<hbm>>
      %dma_wait3A_261 = tpu.memref_squeeze %dma_wait3A_260 : memref<1x512xi32, #tpu.memory_space<hbm>> -> memref<512xi32, #tpu.memory_space<hbm>>
      tpu.wait_dma2 semaphore(%run_scoped3A : memref<!tpu.dma_semaphore, #tpu.memory_space<semaphore_mem>>) src(%arg5 : memref<512xi32, #tpu.memory_space<vmem>>) dst(%dma_wait3A_261 : memref<512xi32, #tpu.memory_space<hbm>>)
      tpu.yield
    }) : () -> ()
    return
  }
}

module attributes {stable_mosaic.version = 14 : i64} {
  func.func @_ffn_body(%arg0: i32, %arg1: memref<1024x768xf32, #tpu.memory_space<vmem>>, %arg2: memref<768x768xf32, #tpu.memory_space<vmem>>, %arg3: memref<1x768xf32, #tpu.memory_space<vmem>>, %arg4: memref<1024x768xbf16, #tpu.memory_space<vmem>>) attributes {dimension_semantics = [#tpu.dimension_semantics<arbitrary>], iteration_bounds = array<i64: 2>, scalar_prefetch = 0 : i64, scratch_operands = 0 : i64, tpu.core_type = #tpu.core_type<tc>, window_params = [{transform_indices = @transform_0, window_bounds = array<i64: 1024, 768>}, {pipeline_mode = #tpu.pipeline_mode<synchronous>, transform_indices = @transform_1, window_bounds = array<i64: 768, 768>}, {pipeline_mode = #tpu.pipeline_mode<synchronous>, transform_indices = @transform_2, window_bounds = array<i64: 1, 768>}, {transform_indices = @transform_3, window_bounds = array<i64: 1024, 768>}]} {
    %get3A = arith.constant 0 : index
    %get3A_0 = arith.constant 0 : index
    %get3A_1 = vector.load %arg1[%get3A, %get3A_0] : memref<1024x768xf32, #tpu.memory_space<vmem>>, vector<1024x768xf32>
    %convert_element_type3A = arith.truncf %get3A_1 : vector<1024x768xf32> to vector<1024x768xbf16>
    %get3A_2 = arith.constant 0 : index
    %get3A_3 = arith.constant 0 : index
    %get3A_4 = vector.load %arg2[%get3A_2, %get3A_3] : memref<768x768xf32, #tpu.memory_space<vmem>>, vector<768x768xf32>
    %convert_element_type3A_5 = arith.truncf %get3A_4 : vector<768x768xf32> to vector<768x768xbf16>
    %dot_general3A = arith.constant dense<0.000000e+00> : vector<1024x768xf32>
    %dot_general3A_6 = tpu.matmul %convert_element_type3A, %convert_element_type3A_5, %dot_general3A {dimension_numbers = #tpu.dot_dimension_numbers<[1], [0], [0], [1], [0, 0, 1, 1], [], []>, transpose_lhs_hint = false} : vector<1024x768xbf16>, vector<768x768xbf16>, vector<1024x768xf32> -> vector<1024x768xf32>
    %get3A_7 = arith.constant 0 : index
    %get3A_8 = arith.constant 0 : index
    %get3A_9 = vector.load %arg3[%get3A_7, %get3A_8] : memref<1x768xf32, #tpu.memory_space<vmem>>, vector<1x768xf32>
    %add3A = vector.broadcast %get3A_9 : vector<1x768xf32> to vector<1024x768xf32>
    %add3A_10 = arith.addf %dot_general3A_6, %add3A : vector<1024x768xf32>
    %convert_element_type3A_11 = arith.truncf %add3A_10 : vector<1024x768xf32> to vector<1024x768xbf16>
    %swap3A = arith.constant 0 : index
    %swap3A_12 = arith.constant 0 : index
    %swap3A_13 = vector.load %arg4[%swap3A, %swap3A_12] : memref<1024x768xbf16, #tpu.memory_space<vmem>>, vector<1024x768xbf16>
    tpu.vector_store %arg4[%swap3A, %swap3A_12], %convert_element_type3A_11 {strides = array<i32>} : memref<1024x768xbf16, #tpu.memory_space<vmem>>, vector<1024x768xbf16>,
    return
  }
  func.func @transform_0(%arg0: i32) -> (i32, i32) {
    %c0_i32 = arith.constant 0 : i32
    %c0_i32_0 = arith.constant 0 : i32
    return %arg0, %c0_i32 : i32, i32
  }
  func.func @transform_1(%arg0: i32) -> (i32, i32) {
    %c0_i32 = arith.constant 0 : i32
    %c0_i32_0 = arith.constant 0 : i32
    %c0_i32_1 = arith.constant 0 : i32
    return %c0_i32, %c0_i32_0 : i32, i32
  }
  func.func @transform_2(%arg0: i32) -> (i32, i32) {
    %c0_i32 = arith.constant 0 : i32
    %c0_i32_0 = arith.constant 0 : i32
    %c0_i32_1 = arith.constant 0 : i32
    return %c0_i32, %c0_i32_0 : i32, i32
  }
  func.func @transform_3(%arg0: i32) -> (i32, i32) {
    %c0_i32 = arith.constant 0 : i32
    %c0_i32_0 = arith.constant 0 : i32
    return %arg0, %c0_i32 : i32, i32
  }
}

module attributes {stable_mosaic.version = 14 : i64} {
  func.func @_router_body(%arg0: memref<2048x768xf32, #tpu.memory_space<vmem>>, %arg1: memref<8x768xf32, #tpu.memory_space<vmem>>, %arg2: memref<1x8xf32, #tpu.memory_space<vmem>>, %arg3: memref<8x2048xi32, #tpu.memory_space<vmem>>) attributes {dimension_semantics = [], scalar_prefetch = 0 : i64, scratch_operands = 0 : i64, tpu.core_type = #tpu.core_type<tc>} {
    %get3A = arith.constant 0 : index
    %get3A_0 = arith.constant 0 : index
    %get3A_1 = vector.load %arg1[%get3A, %get3A_0] : memref<8x768xf32, #tpu.memory_space<vmem>>, vector<8x768xf32>
    %get3A_2 = arith.constant 0 : index
    %get3A_3 = arith.constant 0 : index
    %get3A_4 = vector.load %arg0[%get3A_2, %get3A_3] : memref<2048x768xf32, #tpu.memory_space<vmem>>, vector<2048x768xf32>
    %dot_general3A = arith.constant dense<0.000000e+00> : vector<8x2048xf32>
    %dot_general3A_5 = tpu.matmul %get3A_1, %get3A_4, %dot_general3A {dimension_numbers = #tpu.dot_dimension_numbers<[1], [1], [0], [0], [0, 0, 1, 0], [], []>, transpose_lhs_hint = false} : vector<8x768xf32>, vector<2048x768xf32>, vector<8x2048xf32> -> vector<8x2048xf32>
    %get3A_6 = arith.constant 0 : index
    %get3A_7 = arith.constant 0 : index
    %get3A_8 = vector.load %arg2[%get3A_6, %get3A_7] : memref<1x8xf32, #tpu.memory_space<vmem>>, vector<1x8xf32>
    %transpose3A = tpu.transpose %get3A_8, [1, 0] : vector<1x8xf32> -> vector<8x1xf32>
    %add3A = vector.broadcast %transpose3A : vector<8x1xf32> to vector<8x2048xf32>
    %add3A_9 = arith.addf %dot_general3A_5, %add3A : vector<8x2048xf32>
    %reduce_max3A = arith.constant dense<0xFF800000> : vector<2048xf32>
    %reduce_max3A_10 = vector.multi_reduction <maximumf>, %add3A_9, %reduce_max3A [0] : vector<8x2048xf32> to vector<2048xf32>
    %broadcast_in_dim3A = vector.shape_cast %reduce_max3A_10 : vector<2048xf32> to vector<1x2048xf32>
    %sub3A = vector.broadcast %broadcast_in_dim3A : vector<1x2048xf32> to vector<8x2048xf32>
    %sub3A_11 = arith.subf %add3A_9, %sub3A : vector<8x2048xf32>
    %exp3A = math.exp %sub3A_11 : vector<8x2048xf32>
    %reduce_sum3A = arith.constant dense<0.000000e+00> : vector<2048xf32>
    %reduce_sum3A_12 = vector.multi_reduction <add>, %exp3A, %reduce_sum3A [0] : vector<8x2048xf32> to vector<2048xf32>
    %broadcast_in_dim3A_13 = vector.shape_cast %reduce_sum3A_12 : vector<2048xf32> to vector<1x2048xf32>
    %div3A = vector.broadcast %broadcast_in_dim3A_13 : vector<1x2048xf32> to vector<8x2048xf32>
    %div3A_14 = arith.divf %exp3A, %div3A : vector<8x2048xf32>
    %bitcast_convert_type3A = tpu.bitcast %div3A_14 : vector<8x2048xf32> -> vector<8x2048xi32>
    %swap3A = arith.constant 0 : index
    %swap3A_15 = arith.constant 0 : index
    %swap3A_16 = vector.load %arg3[%swap3A, %swap3A_15] : memref<8x2048xi32, #tpu.memory_space<vmem>>, vector<8x2048xi32>
    tpu.vector_store %arg3[%swap3A, %swap3A_15], %bitcast_convert_type3A {strides = array<i32>} : memref<8x2048xi32, #tpu.memory_space<vmem>>, vector<8x2048xi32>,
    return
  }
}

module attributes {stable_mosaic.version = 14 : i64} {
  func.func @_scale_body(%arg0: i32, %arg1: memref<512x768xbf16, #tpu.memory_space<vmem>>, %arg2: memref<8x512xi32, #tpu.memory_space<vmem>>, %arg3: memref<512x768xf32, #tpu.memory_space<vmem>>) attributes {dimension_semantics = [#tpu.dimension_semantics<arbitrary>], iteration_bounds = array<i64: 4>, scalar_prefetch = 0 : i64, scratch_operands = 0 : i64, tpu.core_type = #tpu.core_type<tc>, window_params = [{transform_indices = @transform_0, window_bounds = array<i64: 512, 768>}, {transform_indices = @transform_1, window_bounds = array<i64: 8, 512>}, {transform_indices = @transform_2, window_bounds = array<i64: 512, 768>}]} {
    %get3A = arith.constant 0 : index
    %get3A_0 = arith.constant 0 : index
    %get3A_1 = vector.load %arg2[%get3A, %get3A_0] : memref<8x512xi32, #tpu.memory_space<vmem>>, vector<8x512xi32>
    %bitcast_convert_type3A = tpu.bitcast %get3A_1 : vector<8x512xi32> -> vector<8x512xf32>
    %broadcast_in_dim3A = arith.constant 1.000000e+00 : f32
    %broadcast_in_dim3A_2 = vector.broadcast %broadcast_in_dim3A : f32 to vector<8x1xf32>
    %dot_general3A = arith.constant dense<0.000000e+00> : vector<512x1xf32>
    %dot_general3A_3 = tpu.matmul %bitcast_convert_type3A, %broadcast_in_dim3A_2, %dot_general3A {dimension_numbers = #tpu.dot_dimension_numbers<[0], [0], [1], [1], [0, 1, 1, 1], [], []>, transpose_lhs_hint = false} : vector<8x512xf32>, vector<8x1xf32>, vector<512x1xf32> -> vector<512x1xf32>
    %get3A_4 = arith.constant 0 : index
    %get3A_5 = arith.constant 0 : index
    %get3A_6 = vector.load %arg1[%get3A_4, %get3A_5] : memref<512x768xbf16, #tpu.memory_space<vmem>>, vector<512x768xbf16>
    %convert_element_type3A = arith.extf %get3A_6 : vector<512x768xbf16> to vector<512x768xf32>
    %mul3A = vector.broadcast %dot_general3A_3 : vector<512x1xf32> to vector<512x768xf32>
    %mul3A_7 = arith.mulf %convert_element_type3A, %mul3A : vector<512x768xf32>
    %swap3A = arith.constant 0 : index
    %swap3A_8 = arith.constant 0 : index
    %swap3A_9 = vector.load %arg3[%swap3A, %swap3A_8] : memref<512x768xf32, #tpu.memory_space<vmem>>, vector<512x768xf32>
    tpu.vector_store %arg3[%swap3A, %swap3A_8], %mul3A_7 {strides = array<i32>} : memref<512x768xf32, #tpu.memory_space<vmem>>, vector<512x768xf32>,
    return
  }
  func.func @transform_0(%arg0: i32) -> (i32, i32) {
    %c0_i32 = arith.constant 0 : i32
    %c0_i32_0 = arith.constant 0 : i32
    return %arg0, %c0_i32 : i32, i32
  }
  func.func @transform_1(%arg0: i32) -> (i32, i32) {
    %c0_i32 = arith.constant 0 : i32
    %c0_i32_0 = arith.constant 0 : i32
    return %c0_i32, %arg0 : i32, i32
  }
  func.func @transform_2(%arg0: i32) -> (i32, i32) {
    %c0_i32 = arith.constant 0 : i32
    %c0_i32_0 = arith.constant 0 : i32
    return %arg0, %c0_i32 : i32, i32
  }
}

</mosaic_0001>

<sc_bundles>
// kernel: kernel.6.cloned.1.call-start
scs
__scs_entry_jumppad:
0x0: {  	(pc) =	sbr.rel $0x88, $3  }
0x1: {  	(tag) =	ssettag $0x0;
	lr =	simm.s32 $0x1  }
0x2: {  	[smem:$0x3F9C] =	sst lr;
	_ =	strace $0xD0000000  }
0x3: {  	_ = 	snop  }
0x4: {  	_ = 	snop  }
0x5: {  	_ = 	snop  }
0x6: {  	_ = 	snop  }
0x7: {  	_ = 	snop  }
__scs_overlays_trampoline_lowered:
0x8: {  	[smem:$0x3FAB] =	sst s0  }
0x9: {  	[smem:$0x3FAC] =	sst s1  }
0xa: {  	[smem:$0x3FAD] =	sst s2  }
0xb: {  	[smem:$0x3FAE] =	sst s3  }
0xc: {  	[smem:$0x3FAF] =	sst s4  }
0xd: {  	[smem:$0x3FB0] =	sst s5  }
0xe: {  	[smem:$0x3FB1] =	sst s6  }
0xf: {  	[smem:$0x3FB2] =	sst s7  }
0x10: {  	[smem:$0x3FB3] =	sst s8  }
0x11: {  	[smem:$0x3FB4] =	sst s9;
	s0 =	simm.s32 @!p0 $0x0  }
0x12: {  	s1 =	sld [smem:$0x3F9A];
	s0 =	simm.s32 @p0 $0x1  }
0x13: {  	[smem:$0x3FB5] =	sst s0;
	s0 =	simm.s32 @!p1 $0x0  }
0x14: {  	s2 =	sld [smem:$0x3F99];
	s0 =	simm.s32 @p1 $0x1  }
0x15: {  	[smem:$0x3FB6] =	sst s0;
	s0 =	simm.s32 @!p2 $0x0  }
0x16: {  	s3 =	sld [smem:$0x3FDB];
	s0 =	simm.s32 @p2 $0x1  }
0x17: {  	s4 =	simm.s32 $0x1BF5;
	[smem:$0x3FB8] =	sst s0  }
0x18: {  	s0 =	sld [smem:$0x3F9B];
	_ =	swait.ge [sflag:s4], $0x0  }
0x19: {  	s7 =	sld [smem:$0x3F9C]  }
0x1a: {  	s8 =	sadd.s32 $0xFFFFE003, lr  }
0x1b: {  	s9 =	sadd.s32 $0xFFFFFEF7, lr;
	s5 =	simm.s32 $0xFFFFFFFF;
	p2 =	slt.u32 s8, $0xFFFFF086  }
0x1c: {  	p1 =	slt.u32 s9, $0xF7A;
	s5 =	simm.s32 @!p2 $0x0  }
0x1d: {  	s5 =	simm.s32 @p1 $0x1;
	p0 =	seq.s32 s7, s2  }
0x1e: {  	s7 =	smul.u32 @!p0 $0xF7A, s2;
	p2 =	seq.s32 @!p0 s5, $0x0  }
0x1f: {  	s9 =	smul.u32 $0xF7A, s1;
	s8 =	simm.s32 @!p0 $0x1BF5;
	p2 =	por !p2, p0  }
0x20: {  	[sflag:s8] =	ssyncset.s32 @!p0 $0xFFFFF086;
	s6 =	sadd.s32 @!p0 s3, s7;
	s7 =	simm.s32 @!p0 $0x108  }
0x21: {  	s3 =	sadd.s32 s3, s9;
	s6 =	sadd.s32 @!p0 $0x88, s6;
	s7 =	simm.s32 @p2 $0x1082  }
0x22: {  	[simem:s7], [sflag:s8] =	dma.local @!p0 [hbm:s6], $0xF7A  }
0x23: {  	s9 =	sor.u32 $0xD0000000, s2;
	s6 =	simm.s32 $0x108;
	_ =	swait.ge @!p0 [sflag:s8], $0x0  }
0x24: {  	s3 =	sadd.s32 $0x88, s3;
	s6 =	simm.s32 @!p1 $0x1082;
	[sflag:s4] =	ssyncset.s32 $0xFFFFF086  }
0x25: {  	[simem:s6], [sflag:s4] =	dma.local [hbm:s3], $0xF7A  }
0x26: {  	[smem:$0x3F9C] =	sst s1;
	(tag) =	ssettag s2;
	_ =	strace s9  }
0x27: {  	s1 =	sld [smem:$0x3FAC]  }
0x28: {  	s2 =	sld [smem:$0x3FAD]  }
0x29: {  	s4 =	sld [smem:$0x3FAF]  }
0x2a: {  	p0 =	seq.s32 s5, $0x0;
	s5 =	sld [smem:$0x3FB0]  }
0x2b: {  	s6 =	sld [smem:$0x3FB1]  }
0x2c: {  	s7 =	sld [smem:$0x3FB2]  }
0x2d: {  	s3 =	simm.s32 $0x108;
	s8 =	sld [smem:$0x3FB3]  }
0x2e: {  	s3 =	simm.s32 @!p0 $0x1082;
	s9 =	sld [smem:$0x3FB4]  }
0x2f: {  	lr =	sadd.s32 s0, s3;
	s0 =	sld [smem:$0x3FAB]  }
0x30: {  	s3 =	sld [smem:$0x3FAE]  }
0x31: {  	[smem:$0x3FB7] =	sst s10  }
0x32: {  	s10 =	sld [smem:$0x3FB5];
	_ =	sdelay $0x3  }
0x33: {  	p0 =	seq.s32 s10, $0x1;
	s10 =	sld [smem:$0x3FB7];
	_ =	sdelay $0x3  }
0x34: {  	[smem:$0x3FB7] =	sst s10  }
0x35: {  	s10 =	sld [smem:$0x3FB6];
	_ =	sdelay $0x3  }
0x36: {  	p1 =	seq.s32 s10, $0x1;
	s10 =	sld [smem:$0x3FB7];
	_ =	sdelay $0x3  }
0x37: {  	[smem:$0x3FB7] =	sst s10  }
0x38: {  	s10 =	sld [smem:$0x3FB8]  }
0x39: {  	_ = 	snop;
	(pc) =	sbr.ind lr, $3  }
0x3a: {  	_ = 	snop  }
0x3b: {  	_ = 	snop  }
0x3c: {  	p2 =	seq.s32 s10, $0x1;
	s10 =	sld [smem:$0x3FB7]  }
0x3d: {  	_ =	shalt  }
0x3e: {  	_ =	shalt  }
0x3f: {  	_ =	shalt  }
0x40: {  	_ =	shalt  }
0x41: {  	_ =	shalt  }
0x42: {  	_ =	shalt  }
0x43: {  	_ =	shalt  }
0x44: {  	_ =	shalt  }
0x45: {  	_ =	shalt  }
0x46: {  	_ =	shalt  }
0x47: {  	_ =	shalt  }
0x48: {  	_ =	shalt  }
0x49: {  	_ =	shalt  }
0x4a: {  	_ =	shalt  }
0x4b: {  	_ =	shalt  }
0x4c: {  	_ =	shalt  }
0x4d: {  	_ =	shalt  }
0x4e: {  	_ =	shalt  }
0x4f: {  	_ =	shalt  }
0x50: {  	_ =	shalt  }
0x51: {  	_ =	shalt  }
0x52: {  	_ =	shalt  }
0x53: {  	_ =	shalt  }
0x54: {  	_ =	shalt  }
0x55: {  	_ =	shalt  }
0x56: {  	_ =	shalt  }
0x57: {  	_ =	shalt  }
0x58: {  	_ =	shalt  }
0x59: {  	_ =	shalt  }
0x5a: {  	_ =	shalt  }
0x5b: {  	_ =	shalt  }
0x5c: {  	_ =	shalt  }
0x5d: {  	_ =	shalt  }
0x5e: {  	_ =	shalt  }
0x5f: {  	_ =	shalt  }
0x60: {  	_ =	shalt  }
0x61: {  	_ =	shalt  }
0x62: {  	_ =	shalt  }
0x63: {  	_ =	shalt  }
0x64: {  	_ =	shalt  }
0x65: {  	_ =	shalt  }
0x66: {  	_ =	shalt  }
0x67: {  	_ =	shalt  }
0x68: {  	_ =	shalt  }
0x69: {  	_ =	shalt  }
0x6a: {  	_ =	shalt  }
0x6b: {  	_ =	shalt  }
0x6c: {  	_ =	shalt  }
0x6d: {  	_ =	shalt  }
0x6e: {  	_ =	shalt  }
0x6f: {  	_ =	shalt  }
0x70: {  	_ =	shalt  }
0x71: {  	_ =	shalt  }
0x72: {  	_ =	shalt  }
0x73: {  	_ =	shalt  }
0x74: {  	_ =	shalt  }
0x75: {  	_ =	shalt  }
0x76: {  	_ =	shalt  }
0x77: {  	_ =	shalt  }
0x78: {  	_ =	shalt  }
0x79: {  	_ =	shalt  }
0x7a: {  	_ =	shalt  }
0x7b: {  	_ =	shalt  }
0x7c: {  	_ =	shalt  }
0x7d: {  	_ =	shalt  }
0x7e: {  	_ =	shalt  }
0x7f: {  	_ =	shalt  }
0x80: {  	_ =	shalt  }
0x81: {  	_ =	shalt  }
0x82: {  	_ =	shalt  }
0x83: {  	_ =	shalt  }
0x84: {  	_ =	shalt  }
0x85: {  	_ =	shalt  }
0x86: {  	_ =	shalt  }
0x87: {  	_ =	shalt  }
.Lfunc_end0:
.L_simem_size_0:
called_computation_lowered:
.L_overlay_start_0:
0x88: {  	s2 =	sld [smem:$0x3FD9]  }
0x89: {  	s3 =	sld [smem:$0x3FFE];
	_ =	sdelay $0x1  }
0x8a: {  	s1 =	srdreg.scid  }
0x8b: {  	s0 =	sand.u32 $0x1, s1  }
0x8c: {  	s17 =	sshll.u32 s0, $0xA;
	s2 =	sadd.s32 s3, s2  }
0x8d: {  	s2 =	sadd.s32 s2, s17  }
0x8e: {  	[smem:$0x3FC3] =	sst s2  }
0x8f: {  	_ = 	snop  }
0x90: {  	s2 =	sld [smem:$0x3FD0];
	(tm) =	ssettm $0x1  }
0x91: {  	s18 =	sld [smem:$0x3FFB];
	_ =	sdelay $0x3  }
0x92: {  	_ =	strace s18  }
0x93: {  	s3 =	sld [smem:$0x3FFC];
	_ =	sdelay $0x3  }
0x94: {  	_ =	strace s3  }
0x95: {  	s3 =	sld [smem:$0x3FFD];
	_ =	sdelay $0x3  }
0x96: {  	_ =	strace s3  }
0x97: {  	_ =	strace $0x8FFFFFFF  }
0x98: {  	s19 =	sld [smem:$0x3FDB];
	_ =	sdelay $0x1  }
0x99: {  	s4 =	simm.s32 $_scs_section_size  }
0x9a: {  	s5 =	simm.s32 $_size__tile_overlayer_lowered;
	s6 =	simm.s32 $_tile_overlayer_lowered  }
0x9b: {  	s22 =	simm.s32 $0x1BFF;
	s21 =	sshll.u32 s6, $0x1;
	s3 =	sadd.s32 s4, s19  }
0x9c: {  	s7 =	simm.s32 $0x0;
	s20 =	sshll.u32 s5, $0x1;
	s5 =	sadd.s32 s21, s3  }
0x9d: {  	[timem:s7], [sflag:s22] =	dma.local [hbm:s5], s20  }
0x9e: {  	_ =	swait.ge [sflag:s22], s20  }
0x9f: {  	s4 =	ssub.s32 $0x0, s20;
	[sflag:s22] =	ssyncset.done $0x0  }
0xa0: {  	[sflag:s22] =	ssyncadd.s32 s4;
	_ =	sdelay $0x1  }
0xa1: {  	s23 =	simm.s32 $0x1B8B  }
0xa2: {  	_ =	swait.ge [sflag:s23], $0x1  }
0xa3: {  	[sflag:s23] =	ssyncset.done $0x0  }
0xa4: {  	s25 =	simm.s32 $0x1B8E;
	s24 =	sld [smem:$0x3FFE];
	[sflag:s23] =	ssyncadd.s32 $0xFFFFFFFF  }
0xa5: {  	s26 =	simm.s32 $execute0_lowered;
	[smem:$0x3FD2] =	sst s25  }
0xa6: {  	s5 =	sshll.u32 s26, $0x1;
	_ =	strace $0x80000046;
	[dreg:$0x1] =	wrdreg $0xFFFFFFFF  }
0xa7: {  	s28 =	simm.s32 $_size_execute0_lowered;
	s3 =	sadd.s32 s3, s5;
	[dreg:$0x0] =	wrdreg $0x0  }
0xa8: {  	s5 =	sshll.u32 s28, $0x1;
	[dreg:$0x2] =	wrdreg s3  }
0xa9: {  	[dreg:$0x3] =	wrdreg s5  }
0xaa: {  	[dreg:$0x4] =	wrdreg $0xC0  }
0xab: {  	_ =	task [dreg:s7], $0x5FFFF  }
0xac: {  	[dreg:$0x1] =	wrdreg $0xFFFFFFFF  }
0xad: {  	[dreg:$0x0] =	wrdreg $0x60  }
0xae: {  	[dreg:$0x2] =	wrdreg s2  }
0xaf: {  	[dreg:$0x3] =	wrdreg s24  }
0xb0: {  	[dreg:$0x4] =	wrdreg $0x9000  }
0xb1: {  	[dreg:$0x5] =	wrdreg $0x9  }
0xb2: {  	_ =	task.clear_ibuf [dreg:s7], $0x6FFFF;
	_ =	strace $0x90000046  }
0xb3: {  	s29 =	simm.s32 $0x9;
	_ =	strace $0x80000048  }
0xb4: {  	_ =	swait.ge [sflag:s29], $0x1  }
0xb5: {  	[sflag:s29] =	ssyncadd.s32 $0xFFFFFFFF  }
0xb6: {  	_ =	strace $0x90000048  }
0xb7: {  	_ =	sfence  }
0xb8: {  	s30 =	sld [smem:$0x0];
	_ =	sdelay $0x2  }
0xb9: {  	s31 =	sshll.u32 s1, $0xD;
	s1 =	sshrl.u32 s1, $0x2  }
0xba: {  	s3 =	sand.u32 $0x4000, s31;
	s1 =	sadd.s32 s1, s30  }
0xbb: {  	s0 =	sor.u32 s3, s0;
	s1 =	sshll.u32 s1, $0x11  }
0xbc: {  	s0 =	sor.u32 s1, s0  }
0xbd: {  	s0 =	sadd.s32 $0x8F2B, s0  }
0xbe: {  	[sflag:s0] =	ssyncadd.remote.s32 $0x1  }
0xbf: {  	_ =	sfence.sel $0xFFFF  }
0xc0: {  	[dreg:$0x0] =	wrdreg $0xFFFFFFFF;
	(pc) =	sbr.abs _section_cstart, $3  }
0xc1: {  	[dreg:$0x1] =	wrdreg $0xFFFFFFFF  }
0xc2: {  	_ =	task.clear_ibuf [dreg:s7], $0x2FFFF;
	_ =	strace $0x9FFFFFFF  }
0xc3: {  	(tm) =	ssettm $0x7FFFFFFF  }
tec
execute0_lowered:
.L_overlay_start_1:
0x0: {  	(tag) =	ssettag $0x1  }
0x1: {  	s0 =	rddreg [dreg:$0x0]  }
0x2: {  	s1 =	rddreg [dreg:$0x1]  }
0x3: {  	s2 =	rddreg [dreg:$0x2]  }
0x4: {  	s4 =	simm.s32 $0x0;
	s3 =	srdreg.scid;
	s9 =	stileid.u32  }
0x5: {  	[smem:$0x7FF] =	sst s4;
	s3 =	sand.u32 $0x1, s3;
	s24 =	sshrl.u32 s9, $0x2  }
0x6: {  	s5 =	sand.u32 $0x3, s9;
	s26 =	sshll.u32 s9, $0x8;
	s9 =	simm.s32 $0x400  }
0x7: {  	s6 =	sshll.u32 s3, $0x6;
	s7 =	sshll.u32 s24, $0x4;
	s8 =	sshll.u32 s5, $0x9  }
0x8: {  	s3 =	ssub.s32 $0x2, s3;
	_ =	strace $0x80000047;
	s6 =	sor.u32 s6, s7  }
0x9: {  	s28 =	sadd.s32 s26, s2;
	s29 =	sshll.u32 s24, $0xA;
	s6 =	sor.u32 s8, s6  }
0xa: {  	p0 =	seq.s32 s5, $0x3;
	[dreg:$0x5] =	wrdreg s28;
	s0 =	sadd.s32 s0, s6  }
0xb: {  	s25 =	sshrl.u32 s3, $0x1;
	[dreg:$0x4] =	wrdreg s0;
	s0 =	sadd.s32 s29, s2  }
0xc: {  	s3 =	ssub.s32 s3, s25;
	[dreg:$0x6] =	wrdreg s0;
	s0 =	simm.s32 @!p0 $0x0  }
0xd: {  	s1 =	sadd.s32 s6, s1;
	s0 =	simm.s32 @p0 $0x1;
	p0 =	sgt.u32 s5, $0x1  }
0xe: {  	s31 =	smax.u32 s3, $0x1;
	[smem:$0x7FB] =	sst s0;
	s0 =	simm.s32 @!p0 $0x0  }
0xf: {  	v0 =	vlaneseq.u32;
	[dreg:$0x8] =	wrdreg s31;
	s0 =	simm.s32 @p0 $0x1;
	p0 =	seq.s32 s5, $0x0  }
0x10: {  	v3 =	vmul.u32 $0xFFFFFFFF, v0;
	s30 =	sadd.s32 $0x1400, s1;
	[smem:$0x7FC] =	sst s0;
	s0 =	simm.s32 @!p0 $0x0  }
0x11: {  	s6 =	simm.s32 $0x1;
	[dreg:$0x7] =	wrdreg s30;
	s0 =	simm.s32 @p0 $0x1  }
0x12: {  	v1 =	vimm.s32 $0x0;
	v2 =	vimm.s32 $0x1;
	v3 =	vadd.s32 $0xF, v3;
	s2 =	simm.s32 $0x80;
	s1 =	simm.s32 $0x0;
	[smem:$0x7FD] =	sst s0  }
.LBB2_1:
0x13: {  	[dreg:$0x9] =	wrdreg s1  }
0x14: {  	s0 =	simm.s32 $0x0;
	s31 =	rddreg [dreg:$0x4]  }
0x15: {  	[tilespmem:s0], [sflag:$0x1] =	stream.strided.gather [hbm4b:s31+s2], $0x200, s9, s2, $0x38;
	[tilespmem:$0xA00] =	vst v63  }
0x16: {  	_ =	swait.ge [sflag:s6], $0x200  }
0x17: {  	[sflag:s6] =	ssyncset.done $0x0  }
0x18: {  	[sflag:s6] =	ssyncadd.s32 $0xFFFFFE00  }
0x19: {  	[tilespmem:$0x400] =	vst v1  }
0x1a: {  	[tilespmem:$0x410] =	vst v1  }
0x1b: {  	[tilespmem:$0x420] =	vst v1  }
0x1c: {  	[tilespmem:$0x430] =	vst v1  }
0x1d: {  	[tilespmem:$0x440] =	vst v1  }
0x1e: {  	[tilespmem:$0x450] =	vst v1  }
0x1f: {  	[tilespmem:$0x460] =	vst v1  }
0x20: {  	[tilespmem:$0x470] =	vst v1  }
0x21: {  	[tilespmem:$0x480] =	vst v1  }
0x22: {  	[tilespmem:$0x490] =	vst v1  }
0x23: {  	[tilespmem:$0x4A0] =	vst v1  }
0x24: {  	[tilespmem:$0x4B0] =	vst v1  }
0x25: {  	[tilespmem:$0x4C0] =	vst v1  }
0x26: {  	[tilespmem:$0x4D0] =	vst v1  }
0x27: {  	[tilespmem:$0x4E0] =	vst v1  }
0x28: {  	s1 =	simm.s32 $0x0;
	s0 =	simm.s32 $0x40;
	[tilespmem:$0x4F0] =	vst v1  }
.LBB2_2:
0x29: {  	p0 =	sne.s32 s0, $0x7C0;
	v4 =	vld [tilespmem:s1+$0x0];
	_ =	sdelay $0x4  }
0x2a: {  	v5 =	vshrl.u32 v4, $0x17;
	vm0 =	vgt.s32 v4, $0xFFFFFFFF  }
0x2b: {  	v4 =	vand.u32 $0xFF, v5  }
.Ltmp0:
0x2c: {  	(pc) =	sbr.rel @p0 .LBB2_2-.Ltmp0, $2  }
0x2d: {  	_ =	sdelay $0x2  }
0x2e: {  	s1 =	sshra.s32 s0, $0x2;
	s0 =	sadd.s32 $0x40, s0;
	[tilespmem:v4+s9+$0x0] =	vst.idx.add.s32.msk vm0, v2  }
0x2f: {  	v4 =	vld [tilespmem:s1+$0x0];
	_ =	sdelay $0x4  }
0x30: {  	v5 =	vshrl.u32 v4, $0x17;
	vm0 =	vgt.s32 v4, $0xFFFFFFFF  }
0x31: {  	v4 =	vand.u32 $0xFF, v5;
	_ =	sdelay $0x4  }
0x32: {  	s0 =	rddreg [dreg:$0x5];
	[tilespmem:v4+s9+$0x0] =	vst.idx.add.s32.msk vm0, v2  }
0x33: {  	[spmem:s0] =	stream.linear.scatter [tilespmem:s9], [sflag:$0x1], $0x100, $0x38;
	[tilespmem:$0xA00] =	vst v63  }
0x34: {  	_ =	swait.ge [sflag:s6], $0x100  }
0x35: {  	[sflag:s6] =	ssyncset.done $0x0  }
0x36: {  	[sflag:s6] =	ssyncadd.s32 $0xFFFFFF00  }
0x37: {  	[bflag:$0x0] =	sbarrier.arrive $0xFFFF  }
0x38: {  	s29 =	simm.s32 $0x500;
	s28 =	rddreg [dreg:$0x6]  }
0x39: {  	[tilespmem:s29], [sflag:$0x1] =	stream.linear.gather [spmem:s28], $0x400, $0x38;
	[tilespmem:$0xA00] =	vst v63  }
0x3a: {  	_ =	swait.ge [sflag:s6], $0x400  }
0x3b: {  	[sflag:s6] =	ssyncset.done $0x0  }
0x3c: {  	[sflag:s6] =	ssyncadd.s32 $0xFFFFFC00  }
0x3d: {  	s30 =	simm.s32 $0x7F0;
	[bflag:$0x0] =	sbarrier.arrive $0xFFFF  }
0x3e: {  	v4 =	vld [tilespmem:s30+$0xFFFFFE00]  }
0x3f: {  	v5 =	vld [tilespmem:s30+$0xFFFFFF00]  }
0x40: {  	v6 =	vld [tilespmem:s30+$0x0]  }
0x41: {  	v7 =	vld [tilespmem:s30+$0x100];
	_ =	sdelay $0x2  }
0x42: {  	v4 =	vadd.s32 v4, v5  }
0x43: {  	v4 =	vadd.s32 v6, v4  }
0x44: {  	v4 =	vadd.s32 v7, v4  }
0x45: {  	s31 =	simm.s32 $0x7E0;
	v6 =	vperm.xlane v4, v3  }
0x46: {  	v5 =	vld [tilespmem:s31+$0xFFFFFF00]  }
0x47: {  	v4 =	vld [tilespmem:s31+$0xFFFFFE00];
	(xrf0) =	vadd.scan.msk.s32 $0xffff, v6  }
0x48: {  	v7 =	vld [tilespmem:s31+$0x0]  }
0x49: {  	v8 =	vld [tilespmem:s31+$0x100];
	_ =	sdelay $0x2  }
0x4a: {  	v4 =	vadd.s32 v4, v5  }
0x4b: {  	v4 =	vadd.s32 v7, v4;
	v5, _, _ =	vpop (xrf0)  }
0x4c: {  	s1 =	simm.s32 $0x7D0;
	v4 =	vadd.s32 v8, v4;
	v7 =	vxor.u32 $0x80000000, v5  }
0x4d: {  	v8 =	vld [tilespmem:s1+$0xFFFFFF00];
	v4 =	vperm.xlane v4, v3;
	(xrf0) =	vmax.scan.msk.u32 $0xffff, v7  }
0x4e: {  	v7 =	vld [tilespmem:s1+$0xFFFFFE00]  }
0x4f: {  	v9 =	vld [tilespmem:s1+$0x0];
	(xrf0) =	vadd.scan.msk.s32 $0xffff, v4  }
0x50: {  	v10 =	vld [tilespmem:s1+$0x100];
	_ =	sdelay $0x2  }
0x51: {  	v7 =	vadd.s32 v7, v8;
	v11, _, _ =	vpop (xrf0)  }
0x52: {  	v7 =	vadd.s32 v9, v7;
	(v2sf) =	vpush v11, $0xF  }
0x53: {  	v9, _, _ =	vpop (xrf0);
	v7 =	vadd.s32 v10, v7  }
0x54: {  	s2 =	simm.s32 $0x7C0;
	v8 =	vxor.u32 $0x80000000, v9;
	v7 =	vperm.xlane v7, v3  }
0x55: {  	v10 =	vld [tilespmem:s2+$0xFFFFFF00];
	(xrf0) =	vmax.scan.msk.u32 $0xffff, v8  }
0x56: {  	v8 =	vld [tilespmem:s2+$0xFFFFFE00];
	(xrf0) =	vadd.scan.msk.s32 $0xffff, v7  }
0x57: {  	v11 =	vld [tilespmem:s2+$0x0]  }
0x58: {  	v12 =	vld [tilespmem:s2+$0x100]  }
0x59: {  	s15 =	simm.s32 $0x0  }
0x5a: {  	v13 =	vadd.s32 s15, v5  }
0x5b: {  	vm8 =	vgt.s32 v13, $0xFF;
	v8 =	vadd.s32 v8, v10;
	v5, _, _ =	vpop (xrf0)  }
0x5c: {  	v8 =	vadd.s32 v11, v8;
	(v2sf) =	vpush v5, $0xF;
	v5 =	vmctz.xlane vm8;
	v10, _, _ =	vpop (xrf0)  }
0x5d: {  	v8 =	vadd.s32 v12, v8;
	v11 =	vxor.u32 $0x80000000, v10  }
0x5e: {  	s3 =	simm.s32 $0x7B0;
	v8 =	vperm.xlane v8, v3;
	v5 =	vxor.u32 $0x80000000, v5;
	(xrf0) =	vmax.scan.msk.u32 $0xffff, v11  }
0x5f: {  	v11 =	vld [tilespmem:s3+$0xFFFFFE00];
	(xrf0) =	vmax.scan.msk.u32 $0xffff, v5  }
0x60: {  	v5 =	vld [tilespmem:s3+$0xFFFFFF00];
	(xrf0) =	vadd.scan.msk.s32 $0xffff, v8  }
0x61: {  	v12 =	vld [tilespmem:s3+$0x0];
	s4 =	spop (v2sf)  }
0x62: {  	v14 =	vld [tilespmem:s3+$0x100];
	s1 =	sadd.s32 $0x0, s4  }
0x63: {  	v15 =	vmpcnt.ones.xlane vm8;
	s5 =	sadd.s32 $0x80000000, s1  }
0x64: {  	v16 =	vadd.s32 s5, v9;
	v9, _, _ =	vpop (xrf0)  }
0x65: {  	v15 =	vxor.u32 $0x80000000, v15;
	v5 =	vadd.s32 v11, v5;
	vm9 =	vgt.s32 v16, $0xFF;
	v11, _, _ =	vpop (xrf0)  }
0x66: {  	v5 =	vadd.s32 v12, v5;
	(v2sf) =	vpush v9, $0xF;
	v9 =	vmctz.xlane vm9;
	v12, _, _ =	vpop (xrf0)  }
0x67: {  	(xrf0) =	vmax.scan.msk.u32 $0xffff, v15;
	v5 =	vadd.s32 v14, v5;
	v14 =	vxor.u32 $0x80000000, v12  }
0x68: {  	s6 =	simm.s32 $0x7A0;
	v15 =	vxor.u32 $0x80000000, v9;
	v9 =	vperm.xlane v5, v3;
	(xrf0) =	vmax.scan.msk.u32 $0xffff, v14  }
0x69: {  	v5 =	vld [tilespmem:s6+$0xFFFFFE00];
	(xrf0) =	vmax.scan.msk.u32 $0xffff, v15  }
0x6a: {  	v14 =	vld [tilespmem:s6+$0xFFFFFF00];
	(xrf0) =	vadd.scan.msk.s32 $0xffff, v9  }
0x6b: {  	v15 =	vld [tilespmem:s6+$0x0];
	s2 =	spop (v2sf)  }
0x6c: {  	v18 =	vld [tilespmem:s6+$0x100];
	v17 =	vmpcnt.ones.xlane vm9;
	s0 =	sadd.s32 s2, s5  }
0x6d: {  	v19, _, _ =	vpop (xrf0);
	s0 =	sadd.s32 $0x80000000, s0  }
0x6e: {  	(v2sf) =	vpush v11, $0xF;
	v11 =	vxor.u32 $0x80000000, v17;
	v17 =	vadd.s32 s0, v10;
	v10, _, _ =	vpop (xrf0)  }
0x6f: {  	(v2sf) =	vpush v19, $0xF;
	v5 =	vadd.s32 v5, v14;
	vm10 =	vgt.s32 v17, $0xFF;
	v14, _, _ =	vpop (xrf0)  }
0x70: {  	v5 =	vadd.s32 v15, v5;
	(v2sf) =	vpush v10, $0xF;
	v10 =	vmctz.xlane vm10;
	v15, _, _ =	vpop (xrf0)  }
0x71: {  	(xrf0) =	vmax.scan.msk.u32 $0xffff, v11;
	v5 =	vadd.s32 v18, v5;
	v11 =	vxor.u32 $0x80000000, v15  }
0x72: {  	v18 =	vxor.u32 $0x80000000, v10;
	v10 =	vperm.xlane v5, v3;
	(xrf0) =	vmax.scan.msk.u32 $0xffff, v11  }
0x73: {  	s7 =	simm.s32 $0x790;
	(xrf0) =	vmax.scan.msk.u32 $0xffff, v18  }
0x74: {  	v5 =	vld [tilespmem:s7+$0xFFFFFE00];
	(xrf0) =	vadd.scan.msk.s32 $0xffff, v10  }
0x75: {  	v11 =	vmpcnt.ones.xlane vm10;
	v18 =	vld [tilespmem:s7+$0xFFFFFF00];
	s8 =	spop (v2sf)  }
0x76: {  	v19 =	vld [tilespmem:s7+$0x0];
	(v2sf) =	vpush v14, $0xF;
	s0 =	sadd.s32 s8, s0  }
0x77: {  	v20 =	vld [tilespmem:s7+$0x100];
	v14, _, _ =	vpop (xrf0);
	v11 =	vxor.u32 $0x80000000, v11;
	s0 =	sadd.s32 $0x80000000, s0  }
0x78: {  	(v2sf) =	vpush v14, $0xF;
	(xrf0) =	vmax.scan.msk.u32 $0xffff, v11;
	v11 =	vadd.s32 s0, v12;
	v12, _, _ =	vpop (xrf0)  }
0x79: {  	vm11 =	vgt.s32 v11, $0xFF;
	(v2sf) =	vpush v12, $0xF;
	v12, _, _ =	vpop (xrf0)  }
0x7a: {  	v5 =	vadd.s32 v5, v18;
	v14 =	vmctz.xlane vm11;
	v18, _, _ =	vpop (xrf0)  }
0x7b: {  	v5 =	vadd.s32 v19, v5;
	(v2sf) =	vpush v12, $0xF;
	v12 =	vxor.u32 $0x80000000, v18  }
0x7c: {  	v5 =	vadd.s32 v20, v5  }
0x7d: {  	s10 =	simm.s32 $0x780;
	v14 =	vxor.u32 $0x80000000, v14;
	v5 =	vperm.xlane v5, v3;
	(xrf0) =	vmax.scan.msk.u32 $0xffff, v12  }
0x7e: {  	s11 =	spop (v2sf);
	v19 =	vld [tilespmem:s10+$0xFFFFFE00];
	(xrf0) =	vmax.scan.msk.u32 $0xffff, v14;
	v12, _, _ =	vpop (xrf0)  }
0x7f: {  	v6 =	vsub.s32 v13, v6;
	s5 =	sxor.u32 $0x80000000, s11;
	s3 =	spop (v2sf);
	v13 =	vmpcnt.ones.xlane vm11;
	(xrf0) =	vadd.scan.msk.s32 $0xffff, v5;
	(v2sf) =	vpush v12, $0xF;
	v12 =	vld [tilespmem:s10+$0xFFFFFF00]  }
0x80: {  	v21 =	vmov s5;
	v14 =	vld [tilespmem:s10+$0x0];
	s4 =	spop (v2sf)  }
0x81: {  	v62 =	vld [tilespmem:s10+$0x100];
	v6 =	vxor.u32 $0x80000000, v6;
	vm12 =	veq.s32 v21, v0;
	v13 =	vxor.u32 $0x80000000, v13;
	s0 =	sadd.s32 s4, s0  }
0x82: {  	v6 =	vnsel vm12, $0x80000000, v6;
	s0 =	sadd.s32 $0x80000000, s0  }
0x83: {  	s25 =	simm.s32 $0x800000CF;
	s24 =	simm.s32 $0x800000BF;
	v4 =	vsub.s32 v16, v4;
	v15 =	vadd.s32 s0, v15;
	v63, _, _ =	vpop (xrf0)  }
0x84: {  	s23 =	simm.s32 $0x800000AF;
	s22 =	simm.s32 $0x8000009F;
	v7 =	vsub.s32 v17, v7;
	(xrf0) =	vmax.scan.msk.u32 $0xffff, v13;
	vm13 =	vgt.s32 v15, $0xFF;
	v13, _, _ =	vpop (xrf0);
	v12 =	vadd.s32 v19, v12  }
0x85: {  	s21 =	simm.s32 $0x8000008F;
	s20 =	simm.s32 $0x8000007F;
	v17 =	vxor.u32 $0x80000000, v7;
	s12 =	spop (v2sf);
	(xrf0) =	vmax.scan.msk.u32 $0xffff, v6;
	v16 =	vmctz.xlane vm13;
	v6, _, _ =	vpop (xrf0);
	v12 =	vadd.s32 v14, v12  }
0x86: {  	p0 =	por $0x0, $0x0;
	s18 =	simm.s32 $0x8000006F;
	s19 =	sxor.u32 $0x80000000, s12;
	(v2sf) =	vpush v63, $0xF;
	v14 =	vxor.u32 $0x80000000, v6;
	v12 =	vadd.s32 v62, v12  }
0x87: {  	s14 =	simm.s32 $0x0;
	s13 =	simm.s32 $0x770;
	s17 =	simm.s32 $0x8000005F;
	(xrf0) =	vmax.scan.msk.u32 $0xffff, v14;
	v14 =	vxor.u32 $0x80000000, v4;
	v4 =	vperm.xlane v12, v3;
	v12 =	vmov s19  }
0x88: {  	s16 =	simm.s32 $0x8000004F;
	p1 =	por !p0, !p0;
	v7 =	vsub.s32 v11, v8;
	v11 =	vld [tilespmem:s13+$0xFFFFFE00];
	s26 =	spop (v2sf);
	v8 =	vmpcnt.ones.xlane vm13;
	v16 =	vxor.u32 $0x80000000, v16  }
0x89: {  	s1 =	ssub.s32 $0x800000FF, s11;
	p2 =	sgt.u32 s3, $0x80000000;
	v9 =	vsub.s32 v15, v9;
	v15 =	vld [tilespmem:s13+$0xFFFFFF00];
	(v2sf) =	vpush v13, $0xF;
	(xrf0) =	vmax.scan.msk.u32 $0xffff, v16;
	s28 =	spop (v2sf)  }
0x8a: {  	p1 =	por !p2, !p1;
	p0 =	por p0, p2;
	v13 =	vld [tilespmem:s13+$0x0];
	v8 =	vxor.u32 $0x80000000, v8;
	vm14 =	veq.s32 v12, v0;
	(xrf0) =	vadd.scan.msk.s32 $0xffff, v4;
	s29 =	spop (v2sf);
	v12, _, _ =	vpop (xrf0)  }
0x8b: {  	p1 =	por !p1, !p1;
	s0 =	sadd.s32 s28, s0;
	v14 =	vnsel vm14, $0x80000000, v14;
	(xrf0) =	vmax.scan.msk.u32 $0xffff, v8;
	s30 =	sxor.u32 $0x80000000, s29;
	(v2sf) =	vpush v12, $0xF  }
0x8c: {  	p2 =	por !p0, !p0;
	p3 =	sgt.u32 s26, $0x80000000;
	s0 =	sadd.s32 $0x80000000, s0;
	v12, _, _ =	vpop (xrf0);
	(xrf0) =	vmax.scan.msk.u32 $0xffff, v14;
	v14 =	vmov s30  }
0x8d: {  	s14 =	smov.u32 @p1 s1;
	p1 =	por p1, p1;
	p2 =	por !p3, !p2;
	v8 =	vld [tilespmem:s13+$0x100];
	(v2sf) =	vpush v12, $0xF;
	v12 =	vadd.s32 s0, v18  }
0x8e: {  	s1 =	simm.s32 $0x760;
	s2 =	ssub.s32 $0x800000EF, s12;
	p2 =	por !p2, !p2;
	v11 =	vadd.s32 v11, v15;
	v16, _, _ =	vpop (xrf0)  }
0x8f: {  	v7 =	vxor.u32 $0x80000000, v7;
	p4 =	por p1, p1;
	s14 =	smov.u32 @p2 s2;
	p2 =	por p2, p2;
	v11 =	vadd.s32 v13, v11;
	vm15 =	veq.s32 v14, v0;
	v14, _, _ =	vpop (xrf0)  }
0x90: {  	p0 =	por p0, p3;
	s2 =	simm.s32 @!p2 $0x0;
	vm1 =	vgt.s32 v12, $0xFF;
	v10 =	vsub.s32 v12, v10;
	(v2sf) =	vpush v16, $0xF;
	s31 =	spop (v2sf);
	v12, _, _ =	vpop (xrf0)  }
0x91: {  	p5 =	por !p0, !p0;
	s2 =	simm.s32 @p2 $0x1;
	v15 =	vmctz.xlane vm1;
	v13 =	vmpcnt.ones.xlane vm1;
	p3 =	sgt.u32 s31, $0x80000000;
	(v2sf) =	vpush v14, $0xF;
	v18, _, _ =	vpop (xrf0)  }
0x92: {  	s19 =	simm.s32 $0x8000003F;
	[smem:$0x7FA] =	sst s2;
	v8 =	vadd.s32 v8, v11;
	p6 =	por !p3, !p5;
	v11 =	vxor.u32 $0x80000000, v12;
	(v2sf) =	vpush v18, $0xF  }
0x93: {  	v9 =	vxor.u32 $0x80000000, v9;
	s2 =	ssub.s32 $0x800000DF, s29;
	v10 =	vxor.u32 $0x80000000, v10;
	p5 =	por p0, p3;
	v15 =	vxor.u32 $0x80000000, v15;
	p0 =	por !p6, !p6;
	(xrf0) =	vmax.scan.msk.u32 $0xffff, v11  }
0x94: {  	v8 =	vperm.xlane v8, v3;
	v14 =	vxor.u32 $0x80000000, v13;
	v13 =	vld [tilespmem:s1+$0xFFFFFE00];
	p6 =	por !p5, !p5;
	v16, _, _ =	vpop (xrf0);
	s14 =	smov.u32 @p0 s2;
	s2 =	simm.s32 $0x8000002F;
	(xrf0) =	vmax.scan.msk.u32 $0xffff, v15;
	v15 =	vnsel vm15, $0x80000000, v17  }
.LBB2_4:
0x95: {  	p1 =	sne.s32 s2, $0x8000000F;
	s4 =	spop (v2sf);
	s3 =	smov.u32 s16  }
0x96: {  	v11 =	vld [tilespmem:s1+$0xFFFFFF00];
	s16 =	smov.u32 s19;
	s19 =	smov.u32 s2;
	p2 =	por p4, p4  }
0x97: {  	v18 =	vmov v7;
	v7 =	vmov v9;
	v9 =	vmov v10;
	s5 =	sld [smem:$0x7FA];
	v10 =	vld [tilespmem:s1+$0x100];
	s2 =	sadd.s32 $0xFFFFFFF0, s2;
	s0 =	sadd.s32 s4, s0  }
0x98: {  	(xrf0) =	vadd.scan.msk.s32 $0xffff, v8;
	v17 =	vmov v8;
	v8 =	vld [tilespmem:s1+$0x0];
	s28 =	spop (v2sf);
	s1 =	sadd.s32 $0xFFFFFFF0, s1;
	s0 =	sadd.s32 $0x80000000, s0  }
0x99: {  	(xrf0) =	vmax.scan.msk.u32 $0xffff, v14;
	s29 =	sxor.u32 $0x80000000, s28;
	s4 =	ssub.s32 s25, s28;
	s25 =	smov.u32 s24  }
0x9a: {  	s24 =	smov.u32 s23;
	s23 =	smov.u32 s22;
	s30 =	spop (v2sf);
	(xrf0) =	vmax.scan.msk.u32 $0xffff, v15  }
0x9b: {  	(v2sf) =	vpush v16, $0xF;
	s22 =	smov.u32 s21;
	s21 =	smov.u32 s20;
	p3 =	seq.s32 s5, $0x1;
	v16 =	vadd.s32 s0, v6;
	v15 =	vmov s29;
	v6 =	vmovc v12  }
0x9c: {  	s20 =	smov.u32 s18;
	s18 =	smov.u32 s17;
	p4 =	por p3, p3;
	v12, _, _ =	vpop (xrf0);
	vm1 =	vgt.s32 v16, $0xFF;
	v5 =	vsub.s32 v16, v5;
	v11 =	vadd.s32 v13, v11  }
.Ltmp1:
0x9d: {  	p3 =	por p0, p0;
	vm0 =	veq.s32 v15, v0;
	p0 =	sgt.u32 s30, $0x80000000;
	v13 =	vmctz.xlane vm1;
	v14, _, _ =	vpop (xrf0);
	v8 =	vadd.s32 v8, v11;
	(pc) =	sbr.rel @p1 .LBB2_4-.Ltmp1, $4  }
0x9e: {  	s17 =	smov.u32 s3;
	s5 =	simm.s32 @!p3 $0x0;
	(v2sf) =	vpush v12, $0xF;
	p5 =	por p5, p0;
	v11 =	vmpcnt.ones.xlane vm1;
	v12, _, _ =	vpop (xrf0);
	v8 =	vadd.s32 v10, v8  }
0x9f: {  	s5 =	simm.s32 @p3 $0x1;
	p3 =	por !p0, !p6;
	v15 =	vxor.u32 $0x80000000, v13;
	v10 =	vxor.u32 $0x80000000, v12;
	v19, _, _ =	vpop (xrf0);
	v8 =	vperm.xlane v8, v3;
	s31 =	spop (v2sf)  }
0xa0: {  	[smem:$0x7FA] =	sst s5;
	p0 =	por !p3, !p3;
	(v2sf) =	vpush v14, $0xF;
	(xrf0) =	vmax.scan.msk.u32 $0xffff, v10;
	v14 =	vxor.u32 $0x80000000, v11;
	v10 =	vxor.u32 $0x80000000, v5;
	v16, _, _ =	vpop (xrf0);
	s5 =	sxor.u32 $0x80000000, s31  }
0xa1: {  	p6 =	por !p5, !p5;
	v13 =	vld [tilespmem:s1+$0xFFFFFE00];
	s14 =	smov.u32 @p0 s4;
	v5 =	vmovc v4;
	v4 =	vmov v17;
	(xrf0) =	vmax.scan.msk.u32 $0xffff, v15;
	(v2sf) =	vpush v19, $0xF;
	v15 =	vnsel vm0, $0x80000000, v18;
	s15 =	smov.u32 @p2 s5  }
0xa2: {  	v17 =	vld [tilespmem:s1+$0xFFFFFF00];
	(xrf0) =	vadd.scan.msk.s32 $0xffff, v8  }
0xa3: {  	s2 =	spop (v2sf);
	v18 =	vld [tilespmem:s1+$0x0]  }
0xa4: {  	v19 =	vld [tilespmem:s1+$0x100];
	s0 =	sadd.s32 s2, s0  }
0xa5: {  	s0 =	sadd.s32 $0x80000000, s0  }
0xa6: {  	v11 =	vadd.s32 s0, v6;
	v6, _, _ =	vpop (xrf0)  }
0xa7: {  	(v2sf) =	vpush v16, $0xF;
	vm0 =	vgt.s32 v11, $0xFF;
	v13 =	vadd.s32 v13, v17;
	v37, _, _ =	vpop (xrf0)  }
0xa8: {  	(xrf0) =	vmax.scan.msk.u32 $0xffff, v14;
	(v2sf) =	vpush v6, $0xF;
	v6 =	vmctz.xlane vm0;
	v13 =	vadd.s32 v18, v13;
	v38, _, _ =	vpop (xrf0)  }
0xa9: {  	(xrf0) =	vmax.scan.msk.u32 $0xffff, v15;
	v13 =	vadd.s32 v19, v13;
	v39 =	vxor.u32 $0x80000000, v38  }
0xaa: {  	s11 =	sadd.s32 $0xFFFFFFF0, s1;
	s26 =	spop (v2sf);
	v40 =	vxor.u32 $0x80000000, v6;
	v6 =	vperm.xlane v13, v3;
	(xrf0) =	vmax.scan.msk.u32 $0xffff, v39  }
0xab: {  	v41 =	vld [tilespmem:s11+$0xFFFFFE00];
	s12 =	spop (v2sf);
	(xrf0) =	vmax.scan.msk.u32 $0xffff, v40  }
0xac: {  	v42 =	vld [tilespmem:s11+$0xFFFFFF00];
	s13 =	spop (v2sf);
	(xrf0) =	vadd.scan.msk.s32 $0xffff, v6  }
0xad: {  	v43 =	vld [tilespmem:s11+$0x0];
	s28 =	spop (v2sf)  }
0xae: {  	v20 =	vld [tilespmem:s11+$0x100];
	s3 =	sxor.u32 $0x80000000, s26;
	v44, _, _ =	vpop (xrf0);
	s0 =	sadd.s32 s28, s0  }
0xaf: {  	v45 =	vmov s3;
	v21 =	vmpcnt.ones.xlane vm0;
	v22, _, _ =	vpop (xrf0);
	s2 =	sadd.s32 $0x80000000, s0  }
0xb0: {  	vm13 =	veq.s32 v45, v0;
	v13 =	vadd.s32 s2, v12;
	v46, _, _ =	vpop (xrf0)  }
0xb1: {  	v15 =	vadd.s32 v41, v42;
	v21 =	vxor.u32 $0x80000000, v21;
	vm1 =	vgt.s32 v13, $0xFF;
	v47, _, _ =	vpop (xrf0)  }
0xb2: {  	v7 =	vnsel vm13, $0x80000000, v7;
	v15 =	vadd.s32 v43, v15;
	(xrf0) =	vmax.scan.msk.u32 $0xffff, v21;
	v48 =	vmctz.xlane vm1;
	v49, _, _ =	vpop (xrf0)  }
0xb3: {  	s1 =	sadd.s32 $0xFFFFFFF0, s11;
	(v2sf) =	vpush v37, $0xF;
	(xrf0) =	vmax.scan.msk.u32 $0xffff, v7;
	v7 =	vadd.s32 v20, v15;
	v50 =	vxor.u32 $0x80000000, v49  }
0xb4: {  	v52 =	vld [tilespmem:s1+$0xFFFFFE00];
	s31 =	spop (v2sf);
	v7 =	vperm.xlane v7, v3;
	v51 =	vxor.u32 $0x80000000, v48;
	(xrf0) =	vmax.scan.msk.u32 $0xffff, v50  }
0xb5: {  	v53 =	vld [tilespmem:s1+$0xFFFFFF00];
	s29 =	spop (v2sf);
	(xrf0) =	vmax.scan.msk.u32 $0xffff, v51  }
0xb6: {  	s30 =	spop (v2sf);
	(xrf0) =	vadd.scan.msk.s32 $0xffff, v7  }
0xb7: {  	v54 =	vld [tilespmem:s1+$0x0];
	s0 =	spop (v2sf)  }
0xb8: {  	v23 =	vld [tilespmem:s1+$0x100];
	v55, _, _ =	vpop (xrf0);
	s2 =	sadd.s32 s0, s2  }
0xb9: {  	s4 =	sxor.u32 $0x80000000, s31;
	v25 =	vmpcnt.ones.xlane vm1;
	v26, _, _ =	vpop (xrf0);
	s2 =	sadd.s32 $0x80000000, s2  }
0xba: {  	v15 =	vadd.s32 v52, v53;
	v24 =	vmov s4;
	v14 =	vadd.s32 s2, v38;
	v56, _, _ =	vpop (xrf0)  }
0xbb: {  	vm14 =	veq.s32 v24, v0;
	v25 =	vxor.u32 $0x80000000, v25;
	vm15 =	vgt.s32 v14, $0xFF;
	v57, _, _ =	vpop (xrf0)  }
0xbc: {  	v15 =	vadd.s32 v54, v15;
	v9 =	vnsel vm14, $0x80000000, v9;
	(xrf0) =	vmax.scan.msk.u32 $0xffff, v25;
	v58 =	vmctz.xlane vm15;
	v59, _, _ =	vpop (xrf0)  }
0xbd: {  	(v2sf) =	vpush v44, $0xF;
	v60 =	vadd.s32 v23, v15;
	(xrf0) =	vmax.scan.msk.u32 $0xffff, v9;
	v61 =	vxor.u32 $0x80000000, v59  }
0xbe: {  	(v2sf) =	vpush v22, $0xF;
	v9 =	vperm.xlane v60, v3;
	v62 =	vxor.u32 $0x80000000, v58;
	(xrf0) =	vmax.scan.msk.u32 $0xffff, v61  }
0xbf: {  	(v2sf) =	vpush v46, $0xF;
	(xrf0) =	vmax.scan.msk.u32 $0xffff, v62  }
0xc0: {  	(xrf0) =	vadd.scan.msk.s32 $0xffff, v9;
	_ =	sdelay $0x1  }
0xc1: {  	[dreg:$0x12] =	wrdreg s12;
	s12 =	spop (v2sf);
	v63, _, _ =	vpop (xrf0)  }
0xc2: {  	s4 =	sxor.u32 $0x80000000, s12;
	v25 =	vmpcnt.ones.xlane vm15;
	v27, _, _ =	vpop (xrf0)  }
0xc3: {  	(v2sf) =	vpush v47, $0xF;
	v28 =	vmov s4;
	v29, _, _ =	vpop (xrf0)  }
0xc4: {  	(v2sf) =	vpush v55, $0xF;
	vm4 =	veq.s32 v28, v0;
	v15 =	vxor.u32 $0x80000000, v25;
	v30, _, _ =	vpop (xrf0)  }
0xc5: {  	(v2sf) =	vpush v26, $0xF;
	v10 =	vnsel vm4, $0x80000000, v10;
	(xrf0) =	vmax.scan.msk.u32 $0xffff, v15;
	v31, _, _ =	vpop (xrf0)  }
0xc6: {  	(v2sf) =	vpush v56, $0xF;
	(xrf0) =	vmax.scan.msk.u32 $0xffff, v10;
	v32 =	vxor.u32 $0x80000000, v31  }
0xc7: {  	(v2sf) =	vpush v57, $0xF;
	(xrf0) =	vmax.scan.msk.u32 $0xffff, v32  }
0xc8: {  	(v2sf) =	vpush v63, $0xF  }
0xc9: {  	(v2sf) =	vpush v27, $0xF  }
0xca: {  	s1 =	sadd.s32 $0xFFFFFFF0, s1;
	(v2sf) =	vpush v29, $0xF  }
0xcb: {  	v33 =	vld [tilespmem:s1+$0xFFFFFE00];
	s11 =	spop (v2sf);
	(v2sf) =	vpush v30, $0xF;
	v34, _, _ =	vpop (xrf0)  }
0xcc: {  	v35 =	vld [tilespmem:s1+$0xFFFFFF00];
	s7 =	spop (v2sf);
	v36, _, _ =	vpop (xrf0);
	(v2sf) =	vpush v34, $0xF  }
0xcd: {  	v37 =	vld [tilespmem:s1+$0x0];
	s5 =	spop (v2sf);
	(v2sf) =	vpush v36, $0xF;
	v38, _, _ =	vpop (xrf0)  }
0xce: {  	v39 =	vld [tilespmem:s1+$0x100];
	s2 =	sadd.s32 s5, s2;
	(v2sf) =	vpush v38, $0xF  }
0xcf: {  	s6 =	sadd.s32 $0x80000000, s2  }
0xd0: {  	v40 =	vadd.s32 s6, v49  }
0xd1: {  	vm5 =	vgt.s32 v40, $0xFF;
	v10 =	vadd.s32 v33, v35  }
0xd2: {  	[dreg:$0xf] =	wrdreg s13;
	s13 =	spop (v2sf);
	v41 =	vmctz.xlane vm5;
	v10 =	vadd.s32 v37, v10  }
0xd3: {  	s10 =	spop (v2sf);
	v10 =	vadd.s32 v39, v10  }
0xd4: {  	s5 =	spop (v2sf);
	v16 =	vxor.u32 $0x80000000, v41;
	v10 =	vperm.xlane v10, v3  }
0xd5: {  	[dreg:$0x17] =	wrdreg s30;
	(xrf0) =	vmax.scan.msk.u32 $0xffff, v16;
	s30 =	spop (v2sf)  }
0xd6: {  	v42 =	vmpcnt.ones.xlane vm5;
	(xrf0) =	vadd.scan.msk.s32 $0xffff, v10;
	s4 =	spop (v2sf)  }
0xd7: {  	s28 =	spop (v2sf)  }
0xd8: {  	v5 =	vsub.s32 v11, v5;
	[dreg:$0x18] =	wrdreg s29;
	v44 =	vxor.u32 $0x80000000, v42;
	s2 =	sadd.s32 s30, s6;
	s29 =	spop (v2sf)  }
0xd9: {  	v5 =	vxor.u32 $0x80000000, v5;
	v4 =	vsub.s32 v13, v4;
	s8 =	sxor.u32 $0x80000000, s13;
	(xrf0) =	vmax.scan.msk.u32 $0xffff, v44;
	s1 =	sadd.s32 $0x80000000, s2;
	s0 =	spop (v2sf)  }
0xda: {  	v4 =	vxor.u32 $0x80000000, v4;
	v43 =	vmov s8;
	v47 =	vadd.s32 s1, v59;
	s6 =	spop (v2sf)  }
0xdb: {  	v51 =	vsub.s32 v14, v8;
	vm6 =	veq.s32 v43, v0;
	vm7 =	vgt.s32 v47, $0xFF;
	v45, _, _ =	vpop (xrf0);
	s3 =	sadd.s32 s0, s1;
	s8 =	spop (v2sf)  }
0xdc: {  	v5 =	vnsel vm6, $0x80000000, v5;
	v52 =	vmctz.xlane vm7;
	v53 =	vmpcnt.ones.xlane vm7;
	v46, _, _ =	vpop (xrf0);
	s3 =	sadd.s32 $0x80000000, s3;
	s30 =	spop (v2sf)  }
0xdd: {  	(xrf0) =	vmax.scan.msk.u32 $0xffff, v5;
	(v2sf) =	vpush v45, $0xF;
	v5 =	vxor.u32 $0x80000000, v46;
	s1 =	sxor.u32 $0x80000000, s4;
	v49 =	vadd.s32 s3, v31;
	s2 =	spop (v2sf)  }
0xde: {  	v13 =	vxor.u32 $0x80000000, v52;
	(xrf0) =	vmax.scan.msk.u32 $0xffff, v5;
	v48 =	vmov s1;
	vm9 =	vgt.s32 v49, $0xFF;
	s2 =	sadd.s32 s2, s3  }
0xdf: {  	v54, _, _ =	vpop (xrf0);
	v14 =	vxor.u32 $0x80000000, v53;
	(xrf0) =	vmax.scan.msk.u32 $0xffff, v13;
	vm8 =	veq.s32 v48, v0;
	v57 =	vmctz.xlane vm9;
	s2 =	sadd.s32 $0x80000000, s2  }
0xe0: {  	(xrf0) =	vmax.scan.msk.u32 $0xffff, v14;
	(v2sf) =	vpush v54, $0xF;
	v4 =	vnsel vm8, $0x80000000, v4;
	v5 =	vadd.s32 s2, v46  }
0xe1: {  	s0 =	sxor.u32 $0x80000000, s6;
	v58 =	vmpcnt.ones.xlane vm9;
	(xrf0) =	vmax.scan.msk.u32 $0xffff, v4;
	v4 =	vxor.u32 $0x80000000, v57;
	vm10 =	vgt.s32 v5, $0xFF  }
0xe2: {  	v50 =	vmov s0;
	(xrf0) =	vmax.scan.msk.u32 $0xffff, v4;
	v4 =	vmctz.xlane vm10  }
0xe3: {  	v8 =	vxor.u32 $0x80000000, v51;
	vm11 =	veq.s32 v50, v0;
	v13 =	vxor.u32 $0x80000000, v58  }
0xe4: {  	v55, _, _ =	vpop (xrf0);
	v8 =	vnsel vm11, $0x80000000, v8;
	(xrf0) =	vmax.scan.msk.u32 $0xffff, v13;
	v4 =	vxor.u32 $0x80000000, v4  }
0xe5: {  	p0 =	por p0, p0;
	s0 =	ssub.s32 s25, s26;
	s25 =	rddreg [dreg:$0xf];
	v56, _, _ =	vpop (xrf0);
	(v2sf) =	vpush v55, $0xF;
	(xrf0) =	vmax.scan.msk.u32 $0xffff, v8  }
0xe6: {  	p0 =	por p0, p0;
	s26 =	sld [smem:$0x7FA];
	v59, _, _ =	vpop (xrf0);
	(v2sf) =	vpush v56, $0xF;
	(xrf0) =	vmax.scan.msk.u32 $0xffff, v4  }
0xe7: {  	p3 =	por p4, p4;
	p0 =	por p0, p0;
	s1 =	sxor.u32 $0x80000000, s25;
	(v2sf) =	vpush v59, $0xF;
	v4, _, _ =	vpop (xrf0)  }
0xe8: {  	s15 =	smov.u32 @p3 s1;
	s1 =	ssub.s32 s24, s31;
	s3 =	rddreg [dreg:$0x12];
	v60, _, _ =	vpop (xrf0);
	(v2sf) =	vpush v4, $0xF  }
0xe9: {  	s31 =	rddreg [dreg:$0x18];
	p4 =	seq.s32 s26, $0x1;
	p2 =	sgt.u32 s3, $0x80000000;
	(v2sf) =	vpush v60, $0xF;
	v4, _, _ =	vpop (xrf0)  }
0xea: {  	p3 =	por p4, p4;
	p1 =	por !p2, !p6;
	p2 =	por p5, p2;
	(v2sf) =	vpush v4, $0xF;
	v4, _, _ =	vpop (xrf0)  }
0xeb: {  	p5 =	por p3, p3;
	p6 =	sgt.u32 s31, $0x80000000;
	s2 =	rddreg [dreg:$0x17];
	v61, _, _ =	vpop (xrf0);
	(v2sf) =	vpush v4, $0xF  }
0xec: {  	p1 =	por !p1, !p1;
	p4 =	por !p2, !p2;
	s2 =	sxor.u32 $0x80000000, s2;
	(v2sf) =	vpush v61, $0xF;
	v4, _, _ =	vpop (xrf0)  }
0xed: {  	p2 =	por p2, p6;
	s14 =	smov.u32 @p1 s0;
	s0 =	spop (v2sf);
	(v2sf) =	vpush v4, $0xF  }
0xee: {  	p4 =	por !p6, !p4;
	s15 =	smov.u32 @p5 s2;
	p5 =	sgt.u32 s11, $0x80000000  }
0xef: {  	p1 =	por p1, p1;
	p6 =	por !p2, !p2;
	s2 =	sxor.u32 $0x80000000, s7  }
0xf0: {  	s24 =	spop (v2sf);
	p4 =	por !p4, !p4;
	p1 =	por p1, p1  }
0xf1: {  	p6 =	por !p5, !p6;
	p2 =	por p2, p5;
	s15 =	smov.u32 @p0 s2  }
0xf2: {  	s2 =	sxor.u32 $0x80000000, s5;
	s14 =	smov.u32 @p4 s1;
	s1 =	ssub.s32 s23, s12  }
0xf3: {  	p3 =	por p4, p4;
	p5 =	por !p2, !p2;
	p6 =	por !p6, !p6  }
0xf4: {  	p1 =	por p1, p1;
	p4 =	sgt.u32 s10, $0x80000000;
	s12 =	spop (v2sf)  }
0xf5: {  	s10 =	sxor.u32 $0x80000000, s0;
	s0 =	ssub.s32 s18, s0;
	s3 =	spop (v2sf)  }
0xf6: {  	s14 =	smov.u32 @p6 s1;
	s1 =	ssub.s32 s22, s13;
	s11 =	spop (v2sf)  }
0xf7: {  	p5 =	por !p4, !p5;
	p2 =	por p2, p4;
	v4 =	vmpcnt.ones.xlane vm10;
	s22 =	spop (v2sf)  }
0xf8: {  	v6 =	vsub.s32 v40, v6;
	s15 =	smov.u32 @p1 s2;
	v62 =	vmov s10;
	p4 =	sgt.u32 s28, $0x80000000;
	s13 =	spop (v2sf)  }
0xf9: {  	v6 =	vxor.u32 $0x80000000, v6;
	p3 =	por p3, p3;
	p0 =	por !p5, !p5;
	vm12 =	veq.s32 v62, v0;
	v4 =	vxor.u32 $0x80000000, v4;
	s26 =	spop (v2sf)  }
0xfa: {  	v63 =	vsub.s32 v49, v9;
	s14 =	smov.u32 @p0 s1;
	v6 =	vnsel vm12, $0x80000000, v6;
	s3 =	sxor.u32 $0x80000000, s11;
	(xrf0) =	vmax.scan.msk.u32 $0xffff, v4;
	s31 =	spop (v2sf)  }
0xfb: {  	v8 =	vxor.u32 $0x80000000, v63;
	s1 =	ssub.s32 s21, s4;
	v4 =	vsub.s32 v47, v7;
	(xrf0) =	vmax.scan.msk.u32 $0xffff, v6;
	v6 =	vmov s3;
	s21 =	sxor.u32 $0x80000000, s26;
	s4 =	spop (v2sf)  }
0xfc: {  	s2 =	sxor.u32 $0x80000000, s29;
	p1 =	por !p2, !p2;
	v4 =	vxor.u32 $0x80000000, v4;
	vm13 =	veq.s32 v6, v0;
	v6 =	vmov s21;
	s23 =	spop (v2sf)  }
0xfd: {  	v5 =	vsub.s32 v5, v10;
	p2 =	por p2, p4;
	p5 =	por !p4, !p1;
	v4 =	vnsel vm13, $0x80000000, v4;
	vm14 =	veq.s32 v6, v0;
	s25 =	sxor.u32 $0x80000000, s23  }
0xfe: {  	p1 =	por p3, p3;
	p4 =	sgt.u32 s8, $0x80000000;
	p0 =	por p0, p0;
	(xrf0) =	vmax.scan.msk.u32 $0xffff, v4;
	v4 =	vxor.u32 $0x80000000, v5;
	v5 =	vnsel vm14, $0x80000000, v8;
	v7 =	vmov s25  }
0xff: {  	p3 =	por !p5, !p5;
	s15 =	smov.u32 @p1 s2;
	p5 =	por p6, p6;
	vm15 =	veq.s32 v7, v0  }
0x100: {  	p6 =	por !p2, !p2;
	s2 =	sxor.u32 $0x80000000, s30;
	p0 =	por p0, p0;
	v6, _, _ =	vpop (xrf0);
	(xrf0) =	vmax.scan.msk.u32 $0xffff, v5;
	v4 =	vnsel vm15, $0x80000000, v4  }
0x101: {  	s14 =	smov.u32 @p3 s1;
	s1 =	ssub.s32 s20, s6;
	p1 =	por p5, p5;
	v5, _, _ =	vpop (xrf0);
	(xrf0) =	vmax.scan.msk.u32 $0xffff, v4  }
0x102: {  	p5 =	por !p4, !p6;
	p3 =	por p3, p3;
	p4 =	por p2, p4;
	(v2sf) =	vpush v6, $0xF  }
0x103: {  	p6 =	por p1, p1;
	p1 =	por !p5, !p5;
	p5 =	por !p4, !p4;
	(v2sf) =	vpush v5, $0xF  }
0x104: {  	s15 =	smov.u32 @p6 s2;
	s14 =	smov.u32 @p1 s1;
	p6 =	por p0, p0;
	v4, _, _ =	vpop (xrf0)  }
0x105: {  	p0 =	por p3, p3;
	p2 =	por p1, p1;
	p3 =	sgt.u32 s24, $0x80000000;
	(v2sf) =	vpush v4, $0xF  }
0x106: {  	s1 =	sxor.u32 $0x80000000, s12;
	p5 =	por !p3, !p5;
	p1 =	por p4, p3;
	v4, _, _ =	vpop (xrf0)  }
0x107: {  	s15 =	smov.u32 @p6 s1;
	p0 =	por p0, p0;
	p3 =	por !p5, !p5;
	(v2sf) =	vpush v4, $0xF;
	v4, _, _ =	vpop (xrf0)  }
0x108: {  	p2 =	por p2, p2;
	p4 =	por !p1, !p1;
	s14 =	smov.u32 @p3 s0;
	(v2sf) =	vpush v4, $0xF  }
0x109: {  	p3 =	por p3, p3;
	s0 =	ssub.s32 s17, s11;
	p6 =	sgt.u32 s22, $0x80000000  }
0x10a: {  	[tilespmem:$0x400] =	vst v1;
	p4 =	por !p6, !p4;
	p1 =	por p1, p6;
	s1 =	sxor.u32 $0x80000000, s13  }
0x10b: {  	[tilespmem:$0x410] =	vst v1;
	p6 =	por p2, p2;
	p2 =	por p3, p3;
	p5 =	por !p1, !p1  }
0x10c: {  	[tilespmem:$0x420] =	vst v1;
	p4 =	por !p4, !p4;
	s15 =	smov.u32 @p0 s1;
	p2 =	por p2, p2  }
0x10d: {  	[tilespmem:$0x430] =	vst v1;
	s14 =	smov.u32 @p4 s0;
	p0 =	por p4, p4;
	p4 =	sgt.u32 s31, $0x80000000  }
0x10e: {  	[tilespmem:$0x440] =	vst v1;
	s0 =	ssub.s32 s16, s26;
	p5 =	por !p4, !p5;
	p1 =	por p1, p4  }
0x10f: {  	[tilespmem:$0x450] =	vst v1;
	s1 =	sxor.u32 $0x80000000, s4;
	p0 =	por p0, p0;
	p1 =	por !p1, !p1  }
0x110: {  	[tilespmem:$0x460] =	vst v1;
	p3 =	por !p5, !p5;
	s15 =	smov.u32 @p6 s1;
	s1 =	ssub.s32 s19, s23  }
0x111: {  	[tilespmem:$0x470] =	vst v1;
	p0 =	por p0, p0;
	s14 =	smov.u32 @p3 s0;
	s26 =	spop (v2sf)  }
0x112: {  	[tilespmem:$0x480] =	vst v1;
	p3 =	por p3, p3;
	p5 =	sgt.u32 s26, $0x80000000;
	s28 =	spop (v2sf)  }
0x113: {  	[tilespmem:$0x490] =	vst v1;
	p6 =	por p3, p3;
	p1 =	por !p5, !p1;
	s0 =	sxor.u32 $0x80000000, s28  }
0x114: {  	[tilespmem:$0x4A0] =	vst v1;
	p1 =	por !p1, !p1;
	s15 =	smov.u32 @p2 s0;
	s29 =	spop (v2sf)  }
0x115: {  	[tilespmem:$0x4B0] =	vst v1;
	s14 =	smov.u32 @p1 s1;
	p1 =	por p1, p1;
	s0 =	sxor.u32 $0x80000000, s29  }
0x116: {  	[tilespmem:$0x4C0] =	vst v1;
	p1 =	por p1, p1;
	s30 =	spop (v2sf);
	s15 =	smov.u32 @p0 s0  }
0x117: {  	[tilespmem:$0x4D0] =	vst v1;
	p0 =	por p6, p6;
	s0 =	sxor.u32 $0x80000000, s30;
	s31 =	spop (v2sf)  }
0x118: {  	[tilespmem:$0x4E0] =	vst v1;
	s15 =	smov.u32 @p0 s0;
	p0 =	por p1, p1;
	s0 =	sxor.u32 $0x80000000, s31  }
0x119: {  	[tilespmem:$0x4F0] =	vst v1;
	s1 =	simm.s32 $0x0;
	v4 =	vmov s14;
	s15 =	smov.u32 @p0 s0;
	s0 =	simm.s32 $0x40  }
.LBB2_6:
0x11a: {  	p0 =	sne.s32 s0, $0x7C0;
	v5 =	vld [tilespmem:s1+$0x0];
	_ =	sdelay $0x4  }
0x11b: {  	v6 =	vshrl.u32 v5, $0x17  }
0x11c: {  	v5 =	vshrl.u32 v5, $0xF;
	vm0 =	veq.s32 v6, v4  }
0x11d: {  	v5 =	vand.u32 $0xFF, v5  }
.Ltmp2:
0x11e: {  	(pc) =	sbr.rel @p0 .LBB2_6-.Ltmp2, $2  }
0x11f: {  	_ =	sdelay $0x2  }
0x120: {  	s1 =	sshra.s32 s0, $0x2;
	s0 =	sadd.s32 $0x40, s0;
	[tilespmem:v5+s9+$0x0] =	vst.idx.add.s32.msk vm0, v2  }
0x121: {  	v5 =	vld [tilespmem:s1+$0x0];
	_ =	sdelay $0x4  }
0x122: {  	v6 =	vshrl.u32 v5, $0x17  }
0x123: {  	v5 =	vshrl.u32 v5, $0xF;
	vm0 =	veq.s32 v6, v4  }
0x124: {  	v4 =	vand.u32 $0xFF, v5;
	_ =	sdelay $0x4  }
0x125: {  	s0 =	rddreg [dreg:$0x5];
	s22 =	simm.s32 $0x1;
	[tilespmem:v4+s9+$0x0] =	vst.idx.add.s32.msk vm0, v2  }
0x126: {  	[spmem:s0] =	stream.linear.scatter [tilespmem:s9], [sflag:$0x1], $0x100, $0x38;
	[tilespmem:$0xA00] =	vst v63  }
0x127: {  	_ =	swait.ge [sflag:s22], $0x100  }
0x128: {  	[sflag:s22] =	ssyncset.done $0x0  }
0x129: {  	[sflag:s22] =	ssyncadd.s32 $0xFFFFFF00  }
0x12a: {  	[bflag:$0x0] =	sbarrier.arrive $0xFFFF  }
0x12b: {  	s2 =	simm.s32 $0x500;
	s23 =	rddreg [dreg:$0x6]  }
0x12c: {  	[tilespmem:s2], [sflag:$0x1] =	stream.linear.gather [spmem:s23], $0x400, $0x38;
	[tilespmem:$0xA00] =	vst v63  }
0x12d: {  	_ =	swait.ge [sflag:s22], $0x400  }
0x12e: {  	[sflag:s22] =	ssyncset.done $0x0  }
0x12f: {  	[sflag:s22] =	ssyncadd.s32 $0xFFFFFC00  }
0x130: {  	s24 =	simm.s32 $0x7F0;
	[bflag:$0x0] =	sbarrier.arrive $0xFFFF  }
0x131: {  	v4 =	vld [tilespmem:s24+$0xFFFFFE00]  }
0x132: {  	v5 =	vld [tilespmem:s24+$0xFFFFFF00]  }
0x133: {  	v6 =	vld [tilespmem:s24+$0x0]  }
0x134: {  	v7 =	vld [tilespmem:s24+$0x100];
	_ =	sdelay $0x2  }
0x135: {  	v4 =	vadd.s32 v4, v5  }
0x136: {  	v4 =	vadd.s32 v6, v4  }
0x137: {  	v4 =	vadd.s32 v7, v4  }
0x138: {  	s25 =	simm.s32 $0x7E0;
	v7 =	vperm.xlane v4, v3  }
0x139: {  	v5 =	vld [tilespmem:s25+$0xFFFFFF00]  }
0x13a: {  	v4 =	vld [tilespmem:s25+$0xFFFFFE00];
	(xrf0) =	vadd.scan.msk.s32 $0xffff, v7  }
0x13b: {  	v6 =	vld [tilespmem:s25+$0x0]  }
0x13c: {  	v8 =	vld [tilespmem:s25+$0x100];
	_ =	sdelay $0x2  }
0x13d: {  	v4 =	vadd.s32 v4, v5  }
0x13e: {  	v4 =	vadd.s32 v6, v4;
	v6, _, _ =	vpop (xrf0)  }
0x13f: {  	s26 =	simm.s32 $0x7D0;
	v4 =	vadd.s32 v8, v4;
	v8 =	vxor.u32 $0x80000000, v6  }
0x140: {  	v5 =	vperm.xlane v4, v3;
	v4 =	vld [tilespmem:s26+$0xFFFFFE00];
	(xrf0) =	vmax.scan.msk.u32 $0xffff, v8  }
0x141: {  	v8 =	vld [tilespmem:s26+$0xFFFFFF00]  }
0x142: {  	v9 =	vld [tilespmem:s26+$0x0];
	(xrf0) =	vadd.scan.msk.s32 $0xffff, v5  }
0x143: {  	v10 =	vld [tilespmem:s26+$0x100];
	_ =	sdelay $0x2  }
0x144: {  	v4 =	vadd.s32 v4, v8;
	v11, _, _ =	vpop (xrf0)  }
0x145: {  	v4 =	vadd.s32 v9, v4;
	(v2sf) =	vpush v11, $0xF  }
0x146: {  	v11, _, _ =	vpop (xrf0);
	v4 =	vadd.s32 v10, v4  }
0x147: {  	s29 =	simm.s32 $0x7C0;
	v9 =	vxor.u32 $0x80000000, v11;
	v8 =	vperm.xlane v4, v3  }
0x148: {  	v10 =	vld [tilespmem:s29+$0xFFFFFF00];
	(xrf0) =	vmax.scan.msk.u32 $0xffff, v9  }
0x149: {  	v9 =	vld [tilespmem:s29+$0xFFFFFE00];
	(xrf0) =	vadd.scan.msk.s32 $0xffff, v8  }
0x14a: {  	v12 =	vld [tilespmem:s29+$0x0]  }
0x14b: {  	v13 =	vld [tilespmem:s29+$0x100]  }
0x14c: {  	s30 =	ssub.s32 $0x100, s15;
	s16 =	simm.s32 $0x0  }
0x14d: {  	v14 =	vadd.s32 s16, v6;
	v4 =	vmov s30  }
0x14e: {  	vm8 =	vge.s32 v14, v4;
	v9 =	vadd.s32 v9, v10;
	v6, _, _ =	vpop (xrf0)  }
0x14f: {  	v9 =	vadd.s32 v12, v9;
	(v2sf) =	vpush v6, $0xF;
	v6 =	vmctz.xlane vm8;
	v12, _, _ =	vpop (xrf0)  }
0x150: {  	v9 =	vadd.s32 v13, v9;
	v10 =	vxor.u32 $0x80000000, v12  }
0x151: {  	s31 =	simm.s32 $0x7B0;
	v9 =	vperm.xlane v9, v3;
	v6 =	vxor.u32 $0x80000000, v6;
	(xrf0) =	vmax.scan.msk.u32 $0xffff, v10  }
0x152: {  	v10 =	vld [tilespmem:s31+$0xFFFFFE00];
	(xrf0) =	vmax.scan.msk.u32 $0xffff, v6  }
0x153: {  	v6 =	vld [tilespmem:s31+$0xFFFFFF00];
	(xrf0) =	vadd.scan.msk.s32 $0xffff, v9  }
0x154: {  	v13 =	vld [tilespmem:s31+$0x0];
	s2 =	spop (v2sf)  }
0x155: {  	v15 =	vld [tilespmem:s31+$0x100];
	s1 =	sadd.s32 $0x0, s2  }
0x156: {  	s3 =	sadd.s32 $0x80000000, s1  }
0x157: {  	v16 =	vmpcnt.ones.xlane vm8;
	v17 =	vadd.s32 s3, v11;
	v11, _, _ =	vpop (xrf0)  }
0x158: {  	v6 =	vadd.s32 v10, v6;
	vm9 =	vge.s32 v17, v4;
	v18, _, _ =	vpop (xrf0)  }
0x159: {  	v16 =	vxor.u32 $0x80000000, v16;
	v6 =	vadd.s32 v13, v6;
	v10 =	vmctz.xlane vm9;
	v13, _, _ =	vpop (xrf0)  }
0x15a: {  	(xrf0) =	vmax.scan.msk.u32 $0xffff, v16;
	(v2sf) =	vpush v11, $0xF;
	v6 =	vadd.s32 v15, v6;
	v11 =	vxor.u32 $0x80000000, v13  }
0x15b: {  	s4 =	simm.s32 $0x7A0;
	v15 =	vxor.u32 $0x80000000, v10;
	v10 =	vperm.xlane v6, v3;
	(xrf0) =	vmax.scan.msk.u32 $0xffff, v11  }
0x15c: {  	v6 =	vld [tilespmem:s4+$0xFFFFFE00];
	(xrf0) =	vmax.scan.msk.u32 $0xffff, v15  }
0x15d: {  	v11 =	vld [tilespmem:s4+$0xFFFFFF00];
	(xrf0) =	vadd.scan.msk.s32 $0xffff, v10  }
0x15e: {  	v15 =	vld [tilespmem:s4+$0x0];
	s5 =	spop (v2sf)  }
0x15f: {  	v19 =	vld [tilespmem:s4+$0x100];
	s0 =	sadd.s32 s5, s3  }
0x160: {  	v16 =	vmpcnt.ones.xlane vm9;
	v20, _, _ =	vpop (xrf0);
	s0 =	sadd.s32 $0x80000000, s0  }
0x161: {  	(v2sf) =	vpush v18, $0xF;
	v12 =	vadd.s32 s0, v12;
	v18, _, _ =	vpop (xrf0)  }
0x162: {  	v16 =	vxor.u32 $0x80000000, v16;
	v6 =	vadd.s32 v6, v11;
	vm10 =	vge.s32 v12, v4;
	v59, _, _ =	vpop (xrf0)  }
0x163: {  	(v2sf) =	vpush v20, $0xF;
	v6 =	vadd.s32 v15, v6;
	v11 =	vmctz.xlane vm10;
	v15, _, _ =	vpop (xrf0)  }
0x164: {  	(xrf0) =	vmax.scan.msk.u32 $0xffff, v16;
	(v2sf) =	vpush v18, $0xF;
	v6 =	vadd.s32 v19, v6;
	v16 =	vxor.u32 $0x80000000, v15  }
0x165: {  	s6 =	simm.s32 $0x790;
	v18 =	vxor.u32 $0x80000000, v11;
	v11 =	vperm.xlane v6, v3;
	(xrf0) =	vmax.scan.msk.u32 $0xffff, v16  }
0x166: {  	v6 =	vld [tilespmem:s6+$0xFFFFFE00];
	v16 =	vmpcnt.ones.xlane vm10;
	(xrf0) =	vmax.scan.msk.u32 $0xffff, v18  }
0x167: {  	v18 =	vld [tilespmem:s6+$0xFFFFFF00];
	(xrf0) =	vadd.scan.msk.s32 $0xffff, v11  }
0x168: {  	v19 =	vld [tilespmem:s6+$0x0];
	v16 =	vxor.u32 $0x80000000, v16  }
0x169: {  	(v2sf) =	vpush v59, $0xF;
	s7 =	spop (v2sf)  }
0x16a: {  	v21 =	vld [tilespmem:s6+$0x100];
	v60, _, _ =	vpop (xrf0);
	s0 =	sadd.s32 s7, s0  }
0x16b: {  	(v2sf) =	vpush v60, $0xF;
	(xrf0) =	vmax.scan.msk.u32 $0xffff, v16;
	s0 =	sadd.s32 $0x80000000, s0;
	v16, _, _ =	vpop (xrf0)  }
0x16c: {  	v13 =	vadd.s32 s0, v13;
	v6 =	vadd.s32 v6, v18;
	(v2sf) =	vpush v16, $0xF;
	v16, _, _ =	vpop (xrf0)  }
0x16d: {  	vm11 =	vge.s32 v13, v4;
	v6 =	vadd.s32 v19, v6;
	v19, _, _ =	vpop (xrf0)  }
0x16e: {  	v18 =	vmctz.xlane vm11;
	(v2sf) =	vpush v16, $0xF;
	v16 =	vxor.u32 $0x80000000, v19  }
0x16f: {  	v6 =	vadd.s32 v21, v6  }
0x170: {  	s8 =	simm.s32 $0x780;
	v18 =	vxor.u32 $0x80000000, v18;
	v6 =	vperm.xlane v6, v3;
	(xrf0) =	vmax.scan.msk.u32 $0xffff, v16  }
0x171: {  	v61 =	vld [tilespmem:s8+$0xFFFFFE00];
	s10 =	spop (v2sf);
	(xrf0) =	vmax.scan.msk.u32 $0xffff, v18;
	v16, _, _ =	vpop (xrf0)  }
0x172: {  	s5 =	sxor.u32 $0x80000000, s10;
	s3 =	spop (v2sf);
	(xrf0) =	vadd.scan.msk.s32 $0xffff, v6;
	(v2sf) =	vpush v16, $0xF;
	v16 =	vld [tilespmem:s8+$0xFFFFFF00]  }
0x173: {  	v7 =	vsub.s32 v14, v7;
	v22 =	vmov s5;
	v18 =	vld [tilespmem:s8+$0x0];
	s4 =	spop (v2sf)  }
0x174: {  	v62 =	vld [tilespmem:s8+$0x100];
	v7 =	vxor.u32 $0x80000000, v7;
	vm12 =	veq.s32 v22, v0;
	v14 =	vmpcnt.ones.xlane vm11;
	s0 =	sadd.s32 s4, s0  }
0x175: {  	v7 =	vnsel vm12, $0x80000000, v7;
	s0 =	sadd.s32 $0x80000000, s0  }
0x176: {  	s28 =	simm.s32 $0x800000CF;
	p0 =	por $0x0, $0x0;
	v5 =	vsub.s32 v17, v5;
	v14 =	vxor.u32 $0x80000000, v14;
	v15 =	vadd.s32 s0, v15;
	v63, _, _ =	vpop (xrf0)  }
0x177: {  	s20 =	simm.s32 $0x8000006F;
	s17 =	simm.s32 $0x0;
	s19 =	simm.s32 $0x8000005F;
	v8 =	vsub.s32 v12, v8;
	(xrf0) =	vmax.scan.msk.u32 $0xffff, v14;
	vm13 =	vge.s32 v15, v4;
	v14 =	vadd.s32 v61, v16;
	v16, _, _ =	vpop (xrf0)  }
0x178: {  	s18 =	simm.s32 $0x8000004F;
	s23 =	simm.s32 $0x8000007F;
	s11 =	spop (v2sf);
	(xrf0) =	vmax.scan.msk.u32 $0xffff, v7;
	v10 =	vsub.s32 v15, v10;
	v17 =	vmctz.xlane vm13;
	v14 =	vadd.s32 v18, v14;
	v7, _, _ =	vpop (xrf0)  }
0x179: {  	s12 =	simm.s32 $0x770;
	s22 =	simm.s32 $0x8000008F;
	s13 =	sxor.u32 $0x80000000, s11;
	(v2sf) =	vpush v63, $0xF;
	v12 =	vadd.s32 v62, v14;
	v14 =	vxor.u32 $0x80000000, v7  }
0x17a: {  	p1 =	por !p0, !p0;
	s24 =	simm.s32 $0x8000009F;
	s25 =	simm.s32 $0x800000AF;
	v15 =	vmov s13;
	v17 =	vxor.u32 $0x80000000, v17;
	(xrf0) =	vmax.scan.msk.u32 $0xffff, v14;
	v14 =	vxor.u32 $0x80000000, v5  }
0x17b: {  	[dreg:$0xb] =	wrdreg s30;
	s26 =	simm.s32 $0x800000BF;
	p2 =	sgt.u32 s3, $0x80000000;
	v5 =	vperm.xlane v12, v3;
	v12 =	vxor.u32 $0x80000000, v8;
	v8 =	vsub.s32 v13, v9;
	v13 =	vld [tilespmem:s12+$0xFFFFFE00]  }
0x17c: {  	s1 =	ssub.s32 $0x800000FF, s10;
	p1 =	por !p2, !p1;
	s15 =	spop (v2sf);
	v9 =	vmpcnt.ones.xlane vm13;
	(xrf0) =	vmax.scan.msk.u32 $0xffff, v17;
	v17 =	vld [tilespmem:s12+$0xFFFFFF00]  }
0x17d: {  	p0 =	por p0, p2;
	p1 =	por !p1, !p1;
	(v2sf) =	vpush v16, $0xF;
	s21 =	spop (v2sf)  }
0x17e: {  	s17 =	smov.u32 @p1 s1;
	p1 =	por p1, p1;
	vm14 =	veq.s32 v15, v0;
	v15, _, _ =	vpop (xrf0);
	(xrf0) =	vadd.scan.msk.s32 $0xffff, v5;
	s0 =	sadd.s32 s21, s0;
	v9 =	vxor.u32 $0x80000000, v9  }
0x17f: {  	p2 =	por !p0, !p0;
	p4 =	por p1, p1;
	v16 =	vld [tilespmem:s12+$0x0];
	(v2sf) =	vpush v15, $0xF;
	v14 =	vnsel vm14, $0x80000000, v14;
	(xrf0) =	vmax.scan.msk.u32 $0xffff, v9;
	s0 =	sadd.s32 $0x80000000, s0  }
0x180: {  	s2 =	ssub.s32 $0x800000EF, s11;
	p3 =	sgt.u32 s15, $0x80000000;
	v15, _, _ =	vpop (xrf0);
	s29 =	spop (v2sf);
	(xrf0) =	vmax.scan.msk.u32 $0xffff, v14;
	v14 =	vadd.s32 s0, v19  }
0x181: {  	v10 =	vxor.u32 $0x80000000, v10;
	p0 =	por p0, p3;
	v8 =	vxor.u32 $0x80000000, v8;
	v9 =	vld [tilespmem:s12+$0x100];
	s30 =	sxor.u32 $0x80000000, s29;
	v13 =	vadd.s32 v13, v17;
	s31 =	spop (v2sf)  }
0x182: {  	p2 =	por !p3, !p2;
	p5 =	por !p0, !p0;
	(v2sf) =	vpush v15, $0xF;
	v15 =	vmov s30;
	vm1 =	vge.s32 v14, v4;
	v18, _, _ =	vpop (xrf0);
	p1 =	sgt.u32 s31, $0x80000000  }
0x183: {  	p2 =	por !p2, !p2;
	v11 =	vsub.s32 v14, v11;
	vm15 =	veq.s32 v15, v0;
	v17 =	vmpcnt.ones.xlane vm1;
	v14, _, _ =	vpop (xrf0);
	p6 =	por !p1, !p5;
	p5 =	por p0, p1  }
0x184: {  	s1 =	simm.s32 $0x760;
	s17 =	smov.u32 @p2 s2;
	v15 =	vmctz.xlane vm1;
	(v2sf) =	vpush v18, $0xF;
	v16 =	vadd.s32 v16, v13;
	v13, _, _ =	vpop (xrf0);
	p0 =	por !p5, !p5  }
0x185: {  	p3 =	por p2, p2;
	s21 =	simm.s32 $0x8000003F;
	v11 =	vxor.u32 $0x80000000, v11;
	(v2sf) =	vpush v14, $0xF;
	v14 =	vxor.u32 $0x80000000, v13;
	v18, _, _ =	vpop (xrf0);
	s3 =	simm.s32 @!p0 $0x0  }
0x186: {  	s2 =	ssub.s32 $0x800000DF, s29;
	v9 =	vadd.s32 v9, v16;
	v16 =	vxor.u32 $0x80000000, v15;
	p6 =	por !p6, !p6;
	(xrf0) =	vmax.scan.msk.u32 $0xffff, v14;
	(v2sf) =	vpush v18, $0xF;
	s3 =	simm.s32 @p0 $0x1  }
0x187: {  	v15 =	vxor.u32 $0x80000000, v17;
	v9 =	vperm.xlane v9, v3;
	s17 =	smov.u32 @p6 s2;
	v17, _, _ =	vpop (xrf0);
	s2 =	simm.s32 $0x8000002F;
	v14 =	vld [tilespmem:s1+$0xFFFFFE00];
	(xrf0) =	vmax.scan.msk.u32 $0xffff, v16;
	v16 =	vnsel vm15, $0x80000000, v12;
	[smem:$0x7F9] =	sst s3  }
.LBB2_8:
0x188: {  	p1 =	sne.s32 s2, $0x8000000F;
	s4 =	spop (v2sf)  }
0x189: {  	s3 =	smov.u32 s18;
	s18 =	smov.u32 s21;
	s21 =	smov.u32 s2  }
0x18a: {  	v12 =	vld [tilespmem:s1+$0xFFFFFF00];
	p2 =	por p4, p4;
	p0 =	por p3, p3;
	p4 =	por p6, p6  }
0x18b: {  	v19 =	vmov v8;
	v8 =	vmov v10;
	v10 =	vmov v11;
	v11 =	vld [tilespmem:s1+$0x100];
	s6 =	sld [smem:$0x7F9];
	s2 =	sadd.s32 $0xFFFFFFF0, s2;
	s0 =	sadd.s32 s4, s0  }
0x18c: {  	(xrf0) =	vadd.scan.msk.s32 $0xffff, v9;
	v18 =	vmov v9;
	v9 =	vld [tilespmem:s1+$0x0];
	s29 =	spop (v2sf);
	s1 =	sadd.s32 $0xFFFFFFF0, s1;
	s0 =	sadd.s32 $0x80000000, s0  }
0x18d: {  	(xrf0) =	vmax.scan.msk.u32 $0xffff, v15;
	s5 =	sxor.u32 $0x80000000, s29;
	s4 =	ssub.s32 s28, s29;
	s28 =	smov.u32 s26  }
0x18e: {  	s26 =	smov.u32 s25;
	s25 =	smov.u32 s24;
	s30 =	spop (v2sf);
	(xrf0) =	vmax.scan.msk.u32 $0xffff, v16  }
0x18f: {  	(v2sf) =	vpush v17, $0xF;
	s24 =	smov.u32 s22;
	s22 =	smov.u32 s23;
	v17 =	vadd.s32 s0, v7;
	v16 =	vmov s5;
	v7 =	vmovc v13;
	p6 =	sgt.u32 s30, $0x80000000  }
0x190: {  	s23 =	smov.u32 s20;
	p3 =	seq.s32 s6, $0x1;
	v13, _, _ =	vpop (xrf0);
	vm1 =	vge.s32 v17, v4;
	v6 =	vsub.s32 v17, v6;
	p5 =	por p5, p6;
	v12 =	vadd.s32 v14, v12  }
.Ltmp3:
0x191: {  	vm0 =	veq.s32 v16, v0;
	p3 =	por !p6, !p3;
	v14 =	vmctz.xlane vm1;
	v15, _, _ =	vpop (xrf0);
	p6 =	por !p5, !p5;
	v9 =	vadd.s32 v9, v12;
	(pc) =	sbr.rel @p1 .LBB2_8-.Ltmp3, $4  }
0x192: {  	s20 =	smov.u32 s19;
	s19 =	smov.u32 s3;
	(v2sf) =	vpush v13, $0xF;
	v12 =	vmpcnt.ones.xlane vm1;
	s6 =	simm.s32 @!p6 $0x0;
	v13, _, _ =	vpop (xrf0);
	v9 =	vadd.s32 v11, v9  }
0x193: {  	v16 =	vxor.u32 $0x80000000, v14;
	s6 =	simm.s32 @p6 $0x1;
	p6 =	por !p3, !p3;
	v11 =	vxor.u32 $0x80000000, v13;
	v20, _, _ =	vpop (xrf0);
	v9 =	vperm.xlane v9, v3;
	s31 =	spop (v2sf)  }
0x194: {  	p3 =	por p4, p4;
	p4 =	por p0, p0;
	(v2sf) =	vpush v15, $0xF;
	(xrf0) =	vmax.scan.msk.u32 $0xffff, v11;
	v15 =	vxor.u32 $0x80000000, v12;
	v11 =	vxor.u32 $0x80000000, v6;
	v17, _, _ =	vpop (xrf0);
	s5 =	sxor.u32 $0x80000000, s31  }
0x195: {  	v14 =	vld [tilespmem:s1+$0xFFFFFE00];
	[smem:$0x7F9] =	sst s6;
	s17 =	smov.u32 @p6 s4;
	v6 =	vmovc v5;
	v5 =	vmov v18;
	(xrf0) =	vmax.scan.msk.u32 $0xffff, v16;
	(v2sf) =	vpush v20, $0xF;
	v16 =	vnsel vm0, $0x80000000, v19;
	s16 =	smov.u32 @p2 s5  }
0x196: {  	v18 =	vld [tilespmem:s1+$0xFFFFFF00];
	(xrf0) =	vadd.scan.msk.s32 $0xffff, v9  }
0x197: {  	s2 =	spop (v2sf);
	v19 =	vld [tilespmem:s1+$0x0]  }
0x198: {  	v20 =	vld [tilespmem:s1+$0x100];
	s0 =	sadd.s32 s2, s0  }
0x199: {  	s0 =	sadd.s32 $0x80000000, s0  }
0x19a: {  	v12 =	vadd.s32 s0, v7;
	v7, _, _ =	vpop (xrf0)  }
0x19b: {  	(v2sf) =	vpush v17, $0xF;
	vm0 =	vge.s32 v12, v4;
	v14 =	vadd.s32 v14, v18;
	v39, _, _ =	vpop (xrf0)  }
0x19c: {  	(xrf0) =	vmax.scan.msk.u32 $0xffff, v15;
	(v2sf) =	vpush v7, $0xF;
	v7 =	vmctz.xlane vm0;
	v14 =	vadd.s32 v19, v14;
	v40, _, _ =	vpop (xrf0)  }
0x19d: {  	(xrf0) =	vmax.scan.msk.u32 $0xffff, v16;
	v14 =	vadd.s32 v20, v14;
	v41 =	vxor.u32 $0x80000000, v40  }
0x19e: {  	s13 =	sadd.s32 $0xFFFFFFF0, s1;
	s29 =	spop (v2sf);
	v42 =	vxor.u32 $0x80000000, v7;
	v7 =	vperm.xlane v14, v3;
	(xrf0) =	vmax.scan.msk.u32 $0xffff, v41  }
0x19f: {  	v43 =	vld [tilespmem:s13+$0xFFFFFE00];
	s15 =	spop (v2sf);
	(xrf0) =	vmax.scan.msk.u32 $0xffff, v42  }
0x1a0: {  	v44 =	vld [tilespmem:s13+$0xFFFFFF00];
	s30 =	spop (v2sf);
	(xrf0) =	vadd.scan.msk.s32 $0xffff, v7  }
0x1a1: {  	v45 =	vld [tilespmem:s13+$0x0];
	s31 =	spop (v2sf)  }
0x1a2: {  	v47 =	vld [tilespmem:s13+$0x100];
	s3 =	sxor.u32 $0x80000000, s29;
	v46, _, _ =	vpop (xrf0);
	s0 =	sadd.s32 s31, s0  }
0x1a3: {  	v21 =	vmov s3;
	v22 =	vmpcnt.ones.xlane vm0;
	v23, _, _ =	vpop (xrf0);
	s0 =	sadd.s32 $0x80000000, s0  }
0x1a4: {  	vm13 =	veq.s32 v21, v0;
	v13 =	vadd.s32 s0, v13;
	v48, _, _ =	vpop (xrf0)  }
0x1a5: {  	v22 =	vxor.u32 $0x80000000, v22;
	v14 =	vadd.s32 v43, v44;
	vm1 =	vge.s32 v13, v4;
	v49, _, _ =	vpop (xrf0)  }
0x1a6: {  	v8 =	vnsel vm13, $0x80000000, v8;
	v14 =	vadd.s32 v45, v14;
	(xrf0) =	vmax.scan.msk.u32 $0xffff, v22;
	v50 =	vmctz.xlane vm1;
	v51, _, _ =	vpop (xrf0)  }
0x1a7: {  	s5 =	sadd.s32 $0xFFFFFFF0, s13;
	(v2sf) =	vpush v39, $0xF;
	v52 =	vadd.s32 v47, v14;
	(xrf0) =	vmax.scan.msk.u32 $0xffff, v8;
	v53 =	vxor.u32 $0x80000000, v51  }
0x1a8: {  	v55 =	vld [tilespmem:s5+$0xFFFFFE00];
	v8 =	vperm.xlane v52, v3;
	s8 =	spop (v2sf);
	v54 =	vxor.u32 $0x80000000, v50;
	(xrf0) =	vmax.scan.msk.u32 $0xffff, v53  }
0x1a9: {  	v56 =	vld [tilespmem:s5+$0xFFFFFF00];
	s12 =	spop (v2sf);
	(xrf0) =	vmax.scan.msk.u32 $0xffff, v54  }
0x1aa: {  	s6 =	spop (v2sf);
	(xrf0) =	vadd.scan.msk.s32 $0xffff, v8  }
0x1ab: {  	v57 =	vld [tilespmem:s5+$0x0];
	s7 =	spop (v2sf)  }
0x1ac: {  	v24 =	vld [tilespmem:s5+$0x100];
	v58, _, _ =	vpop (xrf0);
	s2 =	sadd.s32 s7, s0  }
0x1ad: {  	s4 =	sxor.u32 $0x80000000, s8;
	v26 =	vmpcnt.ones.xlane vm1;
	v27, _, _ =	vpop (xrf0);
	s2 =	sadd.s32 $0x80000000, s2  }
0x1ae: {  	v14 =	vadd.s32 v55, v56;
	v25 =	vmov s4;
	v15 =	vadd.s32 s2, v40;
	v59, _, _ =	vpop (xrf0)  }
0x1af: {  	vm14 =	veq.s32 v25, v0;
	v26 =	vxor.u32 $0x80000000, v26;
	vm15 =	vge.s32 v15, v4;
	v60, _, _ =	vpop (xrf0)  }
0x1b0: {  	v14 =	vadd.s32 v57, v14;
	v10 =	vnsel vm14, $0x80000000, v10;
	(xrf0) =	vmax.scan.msk.u32 $0xffff, v26;
	v61 =	vmctz.xlane vm15;
	v62, _, _ =	vpop (xrf0)  }
0x1b1: {  	v63 =	vadd.s32 v24, v14;
	(v2sf) =	vpush v46, $0xF;
	(xrf0) =	vmax.scan.msk.u32 $0xffff, v10;
	v24 =	vxor.u32 $0x80000000, v62  }
0x1b2: {  	(v2sf) =	vpush v23, $0xF;
	v10 =	vperm.xlane v63, v3;
	v28 =	vxor.u32 $0x80000000, v61;
	(xrf0) =	vmax.scan.msk.u32 $0xffff, v24  }
0x1b3: {  	(v2sf) =	vpush v48, $0xF;
	(xrf0) =	vmax.scan.msk.u32 $0xffff, v28  }
0x1b4: {  	(xrf0) =	vadd.scan.msk.s32 $0xffff, v10;
	_ =	sdelay $0x1  }
0x1b5: {  	s7 =	spop (v2sf);
	v29, _, _ =	vpop (xrf0)  }
0x1b6: {  	s10 =	sxor.u32 $0x80000000, s7;
	v30 =	vmpcnt.ones.xlane vm15;
	v31, _, _ =	vpop (xrf0)  }
0x1b7: {  	(v2sf) =	vpush v49, $0xF;
	v32 =	vmov s10;
	v33, _, _ =	vpop (xrf0)  }
0x1b8: {  	(v2sf) =	vpush v58, $0xF;
	vm4 =	veq.s32 v32, v0;
	v34 =	vxor.u32 $0x80000000, v30;
	v35, _, _ =	vpop (xrf0)  }
0x1b9: {  	(v2sf) =	vpush v27, $0xF;
	v11 =	vnsel vm4, $0x80000000, v11;
	(xrf0) =	vmax.scan.msk.u32 $0xffff, v34;
	v36, _, _ =	vpop (xrf0)  }
0x1ba: {  	(v2sf) =	vpush v59, $0xF;
	(xrf0) =	vmax.scan.msk.u32 $0xffff, v11;
	v37 =	vxor.u32 $0x80000000, v36  }
0x1bb: {  	(v2sf) =	vpush v60, $0xF;
	(xrf0) =	vmax.scan.msk.u32 $0xffff, v37  }
0x1bc: {  	(v2sf) =	vpush v29, $0xF  }
0x1bd: {  	(v2sf) =	vpush v31, $0xF  }
0x1be: {  	s11 =	sadd.s32 $0xFFFFFFF0, s5;
	(v2sf) =	vpush v33, $0xF  }
0x1bf: {  	v39 =	vld [tilespmem:s11+$0xFFFFFE00];
	s13 =	spop (v2sf);
	(v2sf) =	vpush v35, $0xF;
	v38, _, _ =	vpop (xrf0)  }
0x1c0: {  	v41 =	vld [tilespmem:s11+$0xFFFFFF00];
	s10 =	spop (v2sf);
	v40, _, _ =	vpop (xrf0);
	(v2sf) =	vpush v38, $0xF  }
0x1c1: {  	[dreg:$0x13] =	wrdreg s15;
	v43 =	vld [tilespmem:s11+$0x0];
	s15 =	spop (v2sf);
	(v2sf) =	vpush v40, $0xF;
	v42, _, _ =	vpop (xrf0)  }
0x1c2: {  	v44 =	vld [tilespmem:s11+$0x100];
	s2 =	sadd.s32 s15, s2;
	(v2sf) =	vpush v42, $0xF  }
0x1c3: {  	s2 =	sadd.s32 $0x80000000, s2  }
0x1c4: {  	v45 =	vadd.s32 s2, v51  }
0x1c5: {  	vm5 =	vge.s32 v45, v4;
	v11 =	vadd.s32 v39, v41  }
0x1c6: {  	s5 =	spop (v2sf);
	v46 =	vmctz.xlane vm5;
	v11 =	vadd.s32 v43, v11  }
0x1c7: {  	s4 =	spop (v2sf);
	v11 =	vadd.s32 v44, v11  }
0x1c8: {  	s15 =	spop (v2sf);
	v17 =	vxor.u32 $0x80000000, v46;
	v11 =	vperm.xlane v11, v3  }
0x1c9: {  	[dreg:$0x10] =	wrdreg s30;
	(xrf0) =	vmax.scan.msk.u32 $0xffff, v17;
	s30 =	spop (v2sf)  }
0x1ca: {  	(xrf0) =	vadd.scan.msk.s32 $0xffff, v11;
	s11 =	spop (v2sf)  }
0x1cb: {  	s31 =	spop (v2sf)  }
0x1cc: {  	v6 =	vsub.s32 v12, v6;
	v5 =	vsub.s32 v13, v5;
	s2 =	sadd.s32 s30, s2;
	s30 =	sxor.u32 $0x80000000, s5;
	s1 =	spop (v2sf)  }
0x1cd: {  	v6 =	vxor.u32 $0x80000000, v6;
	v5 =	vxor.u32 $0x80000000, v5;
	v47 =	vmpcnt.ones.xlane vm5;
	s0 =	sadd.s32 $0x80000000, s2;
	[dreg:$0x1f] =	wrdreg s1;
	s1 =	spop (v2sf)  }
0x1ce: {  	[dreg:$0x19] =	wrdreg s6;
	v56 =	vsub.s32 v15, v9;
	v48 =	vmov s30;
	v52 =	vadd.s32 s0, v62;
	s6 =	spop (v2sf)  }
0x1cf: {  	v49 =	vxor.u32 $0x80000000, v47;
	s2 =	sxor.u32 $0x80000000, s11;
	vm6 =	veq.s32 v48, v0;
	vm7 =	vge.s32 v52, v4;
	v50, _, _ =	vpop (xrf0);
	s1 =	sadd.s32 s1, s0;
	s30 =	spop (v2sf)  }
0x1d0: {  	(xrf0) =	vmax.scan.msk.u32 $0xffff, v49;
	v53 =	vmov s2;
	v6 =	vnsel vm6, $0x80000000, v6;
	v57 =	vmctz.xlane vm7;
	v51, _, _ =	vpop (xrf0);
	s1 =	sadd.s32 $0x80000000, s1;
	s3 =	spop (v2sf)  }
0x1d1: {  	(xrf0) =	vmax.scan.msk.u32 $0xffff, v6;
	v58 =	vmpcnt.ones.xlane vm7;
	v6 =	vxor.u32 $0x80000000, v51;
	v54 =	vadd.s32 s1, v36;
	[dreg:$0x1d] =	wrdreg s3;
	s3 =	spop (v2sf)  }
0x1d2: {  	(v2sf) =	vpush v50, $0xF;
	v13 =	vxor.u32 $0x80000000, v57;
	(xrf0) =	vmax.scan.msk.u32 $0xffff, v6;
	vm9 =	vge.s32 v54, v4;
	s3 =	sadd.s32 s3, s1  }
0x1d3: {  	vm8 =	veq.s32 v53, v0;
	v15 =	vxor.u32 $0x80000000, v58;
	(xrf0) =	vmax.scan.msk.u32 $0xffff, v13;
	v61 =	vmctz.xlane vm9;
	s3 =	sadd.s32 $0x80000000, s3  }
0x1d4: {  	v5 =	vnsel vm8, $0x80000000, v5;
	(xrf0) =	vmax.scan.msk.u32 $0xffff, v15;
	v6 =	vadd.s32 s3, v51  }
0x1d5: {  	(xrf0) =	vmax.scan.msk.u32 $0xffff, v5;
	s0 =	sxor.u32 $0x80000000, s6;
	v63 =	vmpcnt.ones.xlane vm9;
	v5 =	vxor.u32 $0x80000000, v61;
	vm10 =	vge.s32 v6, v4  }
0x1d6: {  	v59, _, _ =	vpop (xrf0);
	v55 =	vmov s0;
	(xrf0) =	vmax.scan.msk.u32 $0xffff, v5;
	v5 =	vmctz.xlane vm10  }
0x1d7: {  	v9 =	vxor.u32 $0x80000000, v56;
	vm11 =	veq.s32 v55, v0;
	v4 =	vxor.u32 $0x80000000, v63  }
0x1d8: {  	p2 =	por p4, p4;
	p3 =	por p3, p3;
	s2 =	sld [smem:$0x7F9];
	v60, _, _ =	vpop (xrf0);
	v9 =	vnsel vm11, $0x80000000, v9;
	(v2sf) =	vpush v59, $0xF;
	(xrf0) =	vmax.scan.msk.u32 $0xffff, v4;
	v4 =	vxor.u32 $0x80000000, v5  }
0x1d9: {  	p6 =	por p6, p6;
	p4 =	sgt.u32 s12, $0x80000000;
	v62, _, _ =	vpop (xrf0);
	(v2sf) =	vpush v60, $0xF;
	s1 =	rddreg [dreg:$0x13];
	(xrf0) =	vmax.scan.msk.u32 $0xffff, v9  }
0x1da: {  	(v2sf) =	vpush v62, $0xF;
	p1 =	sgt.u32 s1, $0x80000000;
	s1 =	ssub.s32 s28, s29;
	s28 =	rddreg [dreg:$0x19];
	v5, _, _ =	vpop (xrf0);
	(xrf0) =	vmax.scan.msk.u32 $0xffff, v4  }
0x1db: {  	p0 =	seq.s32 s2, $0x1;
	s2 =	ssub.s32 s25, s7;
	s3 =	rddreg [dreg:$0x10];
	v4, _, _ =	vpop (xrf0);
	(v2sf) =	vpush v5, $0xF  }
0x1dc: {  	p0 =	por !p1, !p0;
	p1 =	por p5, p1;
	s0 =	sxor.u32 $0x80000000, s3;
	v5, _, _ =	vpop (xrf0);
	(v2sf) =	vpush v4, $0xF  }
0x1dd: {  	p0 =	por !p0, !p0;
	p5 =	por !p1, !p1;
	p1 =	por p1, p4;
	(v2sf) =	vpush v5, $0xF;
	v4, _, _ =	vpop (xrf0)  }
0x1de: {  	s3 =	sxor.u32 $0x80000000, s10;
	s16 =	smov.u32 @p2 s0;
	s17 =	smov.u32 @p0 s1;
	(v2sf) =	vpush v4, $0xF;
	v4, _, _ =	vpop (xrf0)  }
0x1df: {  	s0 =	ssub.s32 s26, s8;
	p2 =	por p3, p3;
	p3 =	por !p4, !p5;
	v5, _, _ =	vpop (xrf0);
	(v2sf) =	vpush v4, $0xF  }
0x1e0: {  	s1 =	sxor.u32 $0x80000000, s28;
	p5 =	por p6, p6;
	p4 =	sgt.u32 s13, $0x80000000;
	(v2sf) =	vpush v5, $0xF;
	v4, _, _ =	vpop (xrf0)  }
0x1e1: {  	p6 =	por !p1, !p1;
	s16 =	smov.u32 @p2 s1;
	s1 =	spop (v2sf);
	(v2sf) =	vpush v4, $0xF  }
0x1e2: {  	p0 =	por p0, p0;
	p2 =	por !p3, !p3;
	p3 =	por p5, p5  }
0x1e3: {  	p6 =	por !p4, !p6;
	p0 =	por p0, p0;
	p4 =	por p1, p4  }
0x1e4: {  	s17 =	smov.u32 @p2 s0;
	s16 =	smov.u32 @p3 s3;
	p1 =	por !p6, !p6  }
0x1e5: {  	p2 =	por p2, p2;
	p5 =	por !p4, !p4;
	p6 =	por p0, p0  }
0x1e6: {  	s3 =	sxor.u32 $0x80000000, s15;
	s8 =	sxor.u32 $0x80000000, s1;
	s1 =	ssub.s32 s20, s1  }
0x1e7: {  	s17 =	smov.u32 @p1 s2;
	p3 =	por p2, p2;
	s7 =	spop (v2sf)  }
0x1e8: {  	p2 =	sgt.u32 s4, $0x80000000;
	s2 =	ssub.s32 s24, s5;
	s0 =	spop (v2sf)  }
0x1e9: {  	s16 =	smov.u32 @p6 s3;
	s3 =	ssub.s32 s22, s11;
	s29 =	spop (v2sf)  }
0x1ea: {  	s24 =	rddreg [dreg:$0x1d];
	p5 =	por !p2, !p5;
	v4 =	vmpcnt.ones.xlane vm10;
	s5 =	spop (v2sf)  }
0x1eb: {  	p2 =	por p4, p2;
	p4 =	sgt.u32 s31, $0x80000000;
	s12 =	spop (v2sf)  }
0x1ec: {  	p0 =	por !p5, !p5;
	p6 =	por !p2, !p2;
	v5 =	vsub.s32 v45, v7;
	v7 =	vmov s8;
	v4 =	vxor.u32 $0x80000000, v4;
	s13 =	spop (v2sf)  }
0x1ed: {  	p5 =	por p3, p3;
	s17 =	smov.u32 @p0 s2;
	v5 =	vxor.u32 $0x80000000, v5;
	vm12 =	veq.s32 v7, v0;
	(xrf0) =	vmax.scan.msk.u32 $0xffff, v4;
	s15 =	spop (v2sf)  }
0x1ee: {  	p6 =	por !p4, !p6;
	v5 =	vnsel vm12, $0x80000000, v5;
	s10 =	sxor.u32 $0x80000000, s5;
	s25 =	spop (v2sf)  }
0x1ef: {  	s2 =	sxor.u32 $0x80000000, s24;
	v4 =	vsub.s32 v52, v8;
	(xrf0) =	vmax.scan.msk.u32 $0xffff, v5;
	v5 =	vmov s10;
	s26 =	sxor.u32 $0x80000000, s15;
	s28 =	spop (v2sf)  }
0x1f0: {  	p0 =	por p0, p0;
	p3 =	por !p6, !p6;
	v4 =	vxor.u32 $0x80000000, v4;
	vm13 =	veq.s32 v5, v0;
	v7 =	vmov s26;
	s31 =	spop (v2sf)  }
0x1f1: {  	v6 =	vsub.s32 v6, v11;
	p6 =	por p1, p1;
	p1 =	por p2, p4;
	v5 =	vsub.s32 v54, v10;
	v4 =	vnsel vm13, $0x80000000, v4;
	s22 =	sxor.u32 $0x80000000, s31  }
0x1f2: {  	p2 =	sgt.u32 s30, $0x80000000;
	p0 =	por p0, p0;
	s29 =	rddreg [dreg:$0x1f];
	v5 =	vxor.u32 $0x80000000, v5;
	(xrf0) =	vmax.scan.msk.u32 $0xffff, v4;
	vm14 =	veq.s32 v7, v0;
	v4 =	vmov s22  }
0x1f3: {  	v6 =	vxor.u32 $0x80000000, v6;
	s17 =	smov.u32 @p3 s3;
	s3 =	ssub.s32 s23, s6;
	s8 =	sxor.u32 $0x80000000, s29;
	v5 =	vnsel vm14, $0x80000000, v5;
	v7, _, _ =	vpop (xrf0);
	vm15 =	veq.s32 v4, v0  }
0x1f4: {  	s16 =	smov.u32 @p5 s8;
	p5 =	por p6, p6;
	p6 =	por !p1, !p1;
	(xrf0) =	vmax.scan.msk.u32 $0xffff, v5;
	(v2sf) =	vpush v7, $0xF;
	v5 =	vnsel vm15, $0x80000000, v6  }
0x1f5: {  	s0 =	sxor.u32 $0x80000000, s0;
	p4 =	por p5, p5;
	p5 =	por !p2, !p6;
	v4, _, _ =	vpop (xrf0);
	(xrf0) =	vmax.scan.msk.u32 $0xffff, v5  }
0x1f6: {  	p2 =	por p1, p2;
	p6 =	por p3, p3;
	s16 =	smov.u32 @p4 s2  }
0x1f7: {  	p4 =	por !p5, !p5;
	p3 =	por !p2, !p2;
	p5 =	por p0, p0;
	(v2sf) =	vpush v4, $0xF  }
0x1f8: {  	s17 =	smov.u32 @p4 s3;
	p1 =	por p4, p4;
	p4 =	sgt.u32 s7, $0x80000000;
	v4, _, _ =	vpop (xrf0)  }
0x1f9: {  	p6 =	por p6, p6;
	s16 =	smov.u32 @p5 s0;
	p3 =	por !p4, !p3;
	(v2sf) =	vpush v4, $0xF  }
0x1fa: {  	p0 =	por p2, p4;
	p4 =	por p6, p6;
	p3 =	por !p3, !p3;
	v4, _, _ =	vpop (xrf0)  }
0x1fb: {  	p5 =	por p1, p1;
	p2 =	por !p0, !p0;
	s17 =	smov.u32 @p3 s1;
	(v2sf) =	vpush v4, $0xF;
	v4, _, _ =	vpop (xrf0)  }
0x1fc: {  	p3 =	por p3, p3;
	s0 =	ssub.s32 s19, s5;
	p6 =	sgt.u32 s12, $0x80000000;
	(v2sf) =	vpush v4, $0xF  }
0x1fd: {  	p2 =	por !p6, !p2;
	p1 =	por p0, p6;
	s1 =	sxor.u32 $0x80000000, s13  }
0x1fe: {  	[tilespmem:$0x400] =	vst v1;
	p6 =	por !p1, !p1;
	p0 =	por !p2, !p2;
	s16 =	smov.u32 @p4 s1  }
0x1ff: {  	[tilespmem:$0x410] =	vst v1;
	p4 =	por p5, p5;
	p2 =	por p3, p3;
	s17 =	smov.u32 @p0 s0  }
0x200: {  	[tilespmem:$0x420] =	vst v1;
	p0 =	por p0, p0;
	p5 =	sgt.u32 s25, $0x80000000;
	s0 =	ssub.s32 s18, s15  }
0x201: {  	[tilespmem:$0x430] =	vst v1;
	p2 =	por p2, p2;
	p6 =	por !p5, !p6;
	s1 =	sxor.u32 $0x80000000, s28  }
0x202: {  	[tilespmem:$0x440] =	vst v1;
	p3 =	por p1, p5;
	p0 =	por p0, p0;
	p1 =	por !p6, !p6  }
0x203: {  	[tilespmem:$0x450] =	vst v1;
	s16 =	smov.u32 @p4 s1;
	p3 =	por !p3, !p3;
	s25 =	spop (v2sf)  }
0x204: {  	[tilespmem:$0x460] =	vst v1;
	s1 =	ssub.s32 s21, s31;
	p0 =	por p0, p0;
	p6 =	sgt.u32 s25, $0x80000000  }
0x205: {  	[tilespmem:$0x470] =	vst v1;
	s31 =	sshll.u32 s14, $0x8;
	s17 =	smov.u32 @p1 s0;
	p3 =	por !p6, !p3  }
0x206: {  	[tilespmem:$0x480] =	vst v1;
	p1 =	por p1, p1;
	s26 =	spop (v2sf);
	p3 =	por !p3, !p3  }
0x207: {  	[tilespmem:$0x490] =	vst v1;
	p1 =	por p1, p1;
	s0 =	sxor.u32 $0x80000000, s26;
	s17 =	smov.u32 @p3 s1  }
0x208: {  	[tilespmem:$0x4A0] =	vst v1;
	s28 =	spop (v2sf);
	p5 =	por p3, p3;
	s16 =	smov.u32 @p2 s0  }
0x209: {  	[tilespmem:$0x4B0] =	vst v1;
	s0 =	sxor.u32 $0x80000000, s28;
	p6 =	por p5, p5;
	s1 =	sor.u32 s31, s17  }
0x20a: {  	[tilespmem:$0x4C0] =	vst v1;
	s16 =	smov.u32 @p0 s0;
	s29 =	spop (v2sf);
	p0 =	por p1, p1  }
0x20b: {  	[tilespmem:$0x4D0] =	vst v1;
	[dreg:$0xd] =	wrdreg s1;
	s0 =	sxor.u32 $0x80000000, s29;
	s30 =	spop (v2sf)  }
0x20c: {  	[tilespmem:$0x4E0] =	vst v1;
	s16 =	smov.u32 @p0 s0;
	p0 =	por p6, p6;
	s0 =	sxor.u32 $0x80000000, s30  }
0x20d: {  	[tilespmem:$0x4F0] =	vst v1;
	v4 =	vmov s1;
	s1 =	simm.s32 $0x0;
	s16 =	smov.u32 @p0 s0;
	s0 =	simm.s32 $0x40  }
.LBB2_10:
0x20e: {  	p0 =	sne.s32 s0, $0x7C0;
	v5 =	vld [tilespmem:s1+$0x0];
	_ =	sdelay $0x4  }
0x20f: {  	v6 =	vshrl.u32 v5, $0xF  }
0x210: {  	v5 =	vshrl.u32 v5, $0x7;
	vm0 =	veq.s32 v6, v4  }
0x211: {  	v5 =	vand.u32 $0xFF, v5  }
.Ltmp4:
0x212: {  	(pc) =	sbr.rel @p0 .LBB2_10-.Ltmp4, $2  }
0x213: {  	_ =	sdelay $0x2  }
0x214: {  	s1 =	sshra.s32 s0, $0x2;
	s0 =	sadd.s32 $0x40, s0;
	[tilespmem:v5+s9+$0x0] =	vst.idx.add.s32.msk vm0, v2  }
0x215: {  	v5 =	vld [tilespmem:s1+$0x0];
	_ =	sdelay $0x4  }
0x216: {  	v6 =	vshrl.u32 v5, $0xF  }
0x217: {  	v5 =	vshrl.u32 v5, $0x7;
	vm0 =	veq.s32 v6, v4  }
0x218: {  	v4 =	vand.u32 $0xFF, v5;
	_ =	sdelay $0x4  }
0x219: {  	s0 =	rddreg [dreg:$0x5];
	s24 =	simm.s32 $0x1;
	[tilespmem:v4+s9+$0x0] =	vst.idx.add.s32.msk vm0, v2  }
0x21a: {  	[spmem:s0] =	stream.linear.scatter [tilespmem:s9], [sflag:$0x1], $0x100, $0x38;
	[tilespmem:$0xA00] =	vst v63  }
0x21b: {  	_ =	swait.ge [sflag:s24], $0x100  }
0x21c: {  	[sflag:s24] =	ssyncset.done $0x0  }
0x21d: {  	[sflag:s24] =	ssyncadd.s32 $0xFFFFFF00  }
0x21e: {  	[bflag:$0x0] =	sbarrier.arrive $0xFFFF  }
0x21f: {  	s2 =	simm.s32 $0x500;
	s25 =	rddreg [dreg:$0x6]  }
0x220: {  	[tilespmem:s2], [sflag:$0x1] =	stream.linear.gather [spmem:s25], $0x400, $0x38;
	[tilespmem:$0xA00] =	vst v63  }
0x221: {  	_ =	swait.ge [sflag:s24], $0x400  }
0x222: {  	[sflag:s24] =	ssyncset.done $0x0  }
0x223: {  	[sflag:s24] =	ssyncadd.s32 $0xFFFFFC00  }
0x224: {  	s26 =	simm.s32 $0x7F0;
	[bflag:$0x0] =	sbarrier.arrive $0xFFFF  }
0x225: {  	v4 =	vld [tilespmem:s26+$0xFFFFFE00]  }
0x226: {  	v5 =	vld [tilespmem:s26+$0xFFFFFF00]  }
0x227: {  	v6 =	vld [tilespmem:s26+$0x0]  }
0x228: {  	v7 =	vld [tilespmem:s26+$0x100];
	_ =	sdelay $0x2  }
0x229: {  	v4 =	vadd.s32 v4, v5  }
0x22a: {  	v4 =	vadd.s32 v6, v4  }
0x22b: {  	v4 =	vadd.s32 v7, v4  }
0x22c: {  	s29 =	simm.s32 $0x7E0;
	v7 =	vperm.xlane v4, v3  }
0x22d: {  	v5 =	vld [tilespmem:s29+$0xFFFFFF00]  }
0x22e: {  	v4 =	vld [tilespmem:s29+$0xFFFFFE00];
	(xrf0) =	vadd.scan.msk.s32 $0xffff, v7  }
0x22f: {  	v6 =	vld [tilespmem:s29+$0x0]  }
0x230: {  	v8 =	vld [tilespmem:s29+$0x100];
	_ =	sdelay $0x2  }
0x231: {  	v4 =	vadd.s32 v4, v5  }
0x232: {  	v4 =	vadd.s32 v6, v4;
	v6, _, _ =	vpop (xrf0)  }
0x233: {  	s30 =	simm.s32 $0x7D0;
	v4 =	vadd.s32 v8, v4;
	v8 =	vxor.u32 $0x80000000, v6  }
0x234: {  	v5 =	vperm.xlane v4, v3;
	v4 =	vld [tilespmem:s30+$0xFFFFFE00];
	(xrf0) =	vmax.scan.msk.u32 $0xffff, v8  }
0x235: {  	v8 =	vld [tilespmem:s30+$0xFFFFFF00]  }
0x236: {  	v9 =	vld [tilespmem:s30+$0x0];
	(xrf0) =	vadd.scan.msk.s32 $0xffff, v5  }
0x237: {  	v10 =	vld [tilespmem:s30+$0x100];
	_ =	sdelay $0x2  }
0x238: {  	v4 =	vadd.s32 v4, v8;
	v11, _, _ =	vpop (xrf0)  }
0x239: {  	v4 =	vadd.s32 v9, v4;
	(v2sf) =	vpush v11, $0xF  }
0x23a: {  	v11, _, _ =	vpop (xrf0);
	v4 =	vadd.s32 v10, v4  }
0x23b: {  	s31 =	simm.s32 $0x7C0;
	v9 =	vxor.u32 $0x80000000, v11;
	v8 =	vperm.xlane v4, v3  }
0x23c: {  	v10 =	vld [tilespmem:s31+$0xFFFFFF00];
	(xrf0) =	vmax.scan.msk.u32 $0xffff, v9  }
0x23d: {  	v9 =	vld [tilespmem:s31+$0xFFFFFE00];
	(xrf0) =	vadd.scan.msk.s32 $0xffff, v8  }
0x23e: {  	v12 =	vld [tilespmem:s31+$0x0]  }
0x23f: {  	v13 =	vld [tilespmem:s31+$0x100];
	s1 =	rddreg [dreg:$0xb]  }
0x240: {  	s15 =	simm.s32 $0x0;
	s0 =	ssub.s32 s1, s16  }
0x241: {  	v14 =	vadd.s32 s15, v6;
	v4 =	vmov s0  }
0x242: {  	vm8 =	vge.s32 v14, v4;
	v9 =	vadd.s32 v9, v10;
	v6, _, _ =	vpop (xrf0)  }
0x243: {  	v9 =	vadd.s32 v12, v9;
	(v2sf) =	vpush v6, $0xF;
	v6 =	vmctz.xlane vm8;
	v12, _, _ =	vpop (xrf0)  }
0x244: {  	v9 =	vadd.s32 v13, v9;
	v10 =	vxor.u32 $0x80000000, v12  }
0x245: {  	s2 =	simm.s32 $0x7B0;
	v9 =	vperm.xlane v9, v3;
	v6 =	vxor.u32 $0x80000000, v6;
	(xrf0) =	vmax.scan.msk.u32 $0xffff, v10  }
0x246: {  	v10 =	vld [tilespmem:s2+$0xFFFFFE00];
	(xrf0) =	vmax.scan.msk.u32 $0xffff, v6  }
0x247: {  	v6 =	vld [tilespmem:s2+$0xFFFFFF00];
	(xrf0) =	vadd.scan.msk.s32 $0xffff, v9  }
0x248: {  	v13 =	vld [tilespmem:s2+$0x0];
	s3 =	spop (v2sf)  }
0x249: {  	v15 =	vld [tilespmem:s2+$0x100];
	s1 =	sadd.s32 $0x0, s3  }
0x24a: {  	s4 =	sadd.s32 $0x80000000, s1  }
0x24b: {  	v16 =	vmpcnt.ones.xlane vm8;
	v17 =	vadd.s32 s4, v11;
	v11, _, _ =	vpop (xrf0)  }
0x24c: {  	v6 =	vadd.s32 v10, v6;
	vm9 =	vge.s32 v17, v4;
	v18, _, _ =	vpop (xrf0)  }
0x24d: {  	v16 =	vxor.u32 $0x80000000, v16;
	v6 =	vadd.s32 v13, v6;
	v10 =	vmctz.xlane vm9;
	v13, _, _ =	vpop (xrf0)  }
0x24e: {  	(xrf0) =	vmax.scan.msk.u32 $0xffff, v16;
	(v2sf) =	vpush v11, $0xF;
	v6 =	vadd.s32 v15, v6;
	v11 =	vxor.u32 $0x80000000, v13  }
0x24f: {  	s5 =	simm.s32 $0x7A0;
	v15 =	vxor.u32 $0x80000000, v10;
	v10 =	vperm.xlane v6, v3;
	(xrf0) =	vmax.scan.msk.u32 $0xffff, v11  }
0x250: {  	v6 =	vld [tilespmem:s5+$0xFFFFFE00];
	(xrf0) =	vmax.scan.msk.u32 $0xffff, v15  }
0x251: {  	v11 =	vld [tilespmem:s5+$0xFFFFFF00];
	(xrf0) =	vadd.scan.msk.s32 $0xffff, v10  }
0x252: {  	v15 =	vld [tilespmem:s5+$0x0];
	s6 =	spop (v2sf)  }
0x253: {  	v19 =	vld [tilespmem:s5+$0x100];
	[dreg:$0xc] =	wrdreg s0;
	s0 =	sadd.s32 s6, s4  }
0x254: {  	v16 =	vmpcnt.ones.xlane vm9;
	v20, _, _ =	vpop (xrf0);
	s0 =	sadd.s32 $0x80000000, s0  }
0x255: {  	(v2sf) =	vpush v18, $0xF;
	v12 =	vadd.s32 s0, v12;
	v18, _, _ =	vpop (xrf0)  }
0x256: {  	v16 =	vxor.u32 $0x80000000, v16;
	v6 =	vadd.s32 v6, v11;
	vm10 =	vge.s32 v12, v4;
	v59, _, _ =	vpop (xrf0)  }
0x257: {  	(v2sf) =	vpush v20, $0xF;
	v6 =	vadd.s32 v15, v6;
	v11 =	vmctz.xlane vm10;
	v15, _, _ =	vpop (xrf0)  }
0x258: {  	(xrf0) =	vmax.scan.msk.u32 $0xffff, v16;
	(v2sf) =	vpush v18, $0xF;
	v6 =	vadd.s32 v19, v6;
	v16 =	vxor.u32 $0x80000000, v15  }
0x259: {  	s7 =	simm.s32 $0x790;
	v18 =	vxor.u32 $0x80000000, v11;
	v11 =	vperm.xlane v6, v3;
	(xrf0) =	vmax.scan.msk.u32 $0xffff, v16  }
0x25a: {  	v6 =	vld [tilespmem:s7+$0xFFFFFE00];
	v16 =	vmpcnt.ones.xlane vm10;
	(xrf0) =	vmax.scan.msk.u32 $0xffff, v18  }
0x25b: {  	v18 =	vld [tilespmem:s7+$0xFFFFFF00];
	(xrf0) =	vadd.scan.msk.s32 $0xffff, v11  }
0x25c: {  	v19 =	vld [tilespmem:s7+$0x0];
	v16 =	vxor.u32 $0x80000000, v16  }
0x25d: {  	(v2sf) =	vpush v59, $0xF;
	s8 =	spop (v2sf)  }
0x25e: {  	v21 =	vld [tilespmem:s7+$0x100];
	v60, _, _ =	vpop (xrf0);
	s0 =	sadd.s32 s8, s0  }
0x25f: {  	(v2sf) =	vpush v60, $0xF;
	(xrf0) =	vmax.scan.msk.u32 $0xffff, v16;
	s0 =	sadd.s32 $0x80000000, s0;
	v16, _, _ =	vpop (xrf0)  }
0x260: {  	v13 =	vadd.s32 s0, v13;
	v6 =	vadd.s32 v6, v18;
	(v2sf) =	vpush v16, $0xF;
	v16, _, _ =	vpop (xrf0)  }
0x261: {  	vm11 =	vge.s32 v13, v4;
	v6 =	vadd.s32 v19, v6;
	v19, _, _ =	vpop (xrf0)  }
0x262: {  	v18 =	vmctz.xlane vm11;
	(v2sf) =	vpush v16, $0xF;
	v16 =	vxor.u32 $0x80000000, v19  }
0x263: {  	v6 =	vadd.s32 v21, v6  }
0x264: {  	s10 =	simm.s32 $0x780;
	v18 =	vxor.u32 $0x80000000, v18;
	v6 =	vperm.xlane v6, v3;
	(xrf0) =	vmax.scan.msk.u32 $0xffff, v16  }
0x265: {  	v61 =	vld [tilespmem:s10+$0xFFFFFE00];
	s11 =	spop (v2sf);
	(xrf0) =	vmax.scan.msk.u32 $0xffff, v18;
	v16, _, _ =	vpop (xrf0)  }
0x266: {  	s5 =	sxor.u32 $0x80000000, s11;
	s3 =	spop (v2sf);
	(xrf0) =	vadd.scan.msk.s32 $0xffff, v6;
	(v2sf) =	vpush v16, $0xF;
	v16 =	vld [tilespmem:s10+$0xFFFFFF00]  }
0x267: {  	v7 =	vsub.s32 v14, v7;
	v22 =	vmov s5;
	v18 =	vld [tilespmem:s10+$0x0];
	s4 =	spop (v2sf)  }
0x268: {  	v62 =	vld [tilespmem:s10+$0x100];
	v7 =	vxor.u32 $0x80000000, v7;
	vm12 =	veq.s32 v22, v0;
	v14 =	vmpcnt.ones.xlane vm11;
	s0 =	sadd.s32 s4, s0  }
0x269: {  	v7 =	vnsel vm12, $0x80000000, v7;
	s0 =	sadd.s32 $0x80000000, s0  }
0x26a: {  	s28 =	simm.s32 $0x800000CF;
	v5 =	vsub.s32 v17, v5;
	v14 =	vxor.u32 $0x80000000, v14;
	v15 =	vadd.s32 s0, v15;
	v63, _, _ =	vpop (xrf0)  }
0x26b: {  	p0 =	por $0x0, $0x0;
	s22 =	simm.s32 $0x8000008F;
	s23 =	simm.s32 $0x8000007F;
	v8 =	vsub.s32 v12, v8;
	(xrf0) =	vmax.scan.msk.u32 $0xffff, v14;
	vm13 =	vge.s32 v15, v4;
	v14 =	vadd.s32 v61, v16;
	v16, _, _ =	vpop (xrf0)  }
0x26c: {  	s20 =	simm.s32 $0x8000006F;
	s19 =	simm.s32 $0x8000005F;
	s12 =	spop (v2sf);
	(xrf0) =	vmax.scan.msk.u32 $0xffff, v7;
	v10 =	vsub.s32 v15, v10;
	v17 =	vmctz.xlane vm13;
	v14 =	vadd.s32 v18, v14;
	v7, _, _ =	vpop (xrf0)  }
0x26d: {  	s13 =	simm.s32 $0x770;
	s18 =	simm.s32 $0x8000004F;
	s14 =	sxor.u32 $0x80000000, s12;
	(v2sf) =	vpush v63, $0xF;
	v12 =	vadd.s32 v62, v14;
	v14 =	vxor.u32 $0x80000000, v7  }
0x26e: {  	p1 =	por !p0, !p0;
	s25 =	simm.s32 $0x800000AF;
	s24 =	simm.s32 $0x8000009F;
	v15 =	vmov s14;
	v17 =	vxor.u32 $0x80000000, v17;
	(xrf0) =	vmax.scan.msk.u32 $0xffff, v14;
	v14 =	vxor.u32 $0x80000000, v5  }
0x26f: {  	s26 =	simm.s32 $0x800000BF;
	s16 =	simm.s32 $0x0;
	p2 =	sgt.u32 s3, $0x80000000;
	v5 =	vperm.xlane v12, v3;
	v12 =	vxor.u32 $0x80000000, v8;
	v8 =	vsub.s32 v13, v9;
	v13 =	vld [tilespmem:s13+$0xFFFFFE00]  }
0x270: {  	s1 =	ssub.s32 $0x800000FF, s11;
	p1 =	por !p2, !p1;
	s17 =	spop (v2sf);
	v9 =	vmpcnt.ones.xlane vm13;
	(xrf0) =	vmax.scan.msk.u32 $0xffff, v17;
	v17 =	vld [tilespmem:s13+$0xFFFFFF00]  }
0x271: {  	p0 =	por p0, p2;
	p1 =	por !p1, !p1;
	(v2sf) =	vpush v16, $0xF;
	s21 =	spop (v2sf)  }
0x272: {  	s16 =	smov.u32 @p1 s1;
	p1 =	por p1, p1;
	vm14 =	veq.s32 v15, v0;
	v15, _, _ =	vpop (xrf0);
	(xrf0) =	vadd.scan.msk.s32 $0xffff, v5;
	s0 =	sadd.s32 s21, s0;
	v9 =	vxor.u32 $0x80000000, v9  }
0x273: {  	p2 =	por !p0, !p0;
	p4 =	por p1, p1;
	v16 =	vld [tilespmem:s13+$0x0];
	(v2sf) =	vpush v15, $0xF;
	v14 =	vnsel vm14, $0x80000000, v14;
	(xrf0) =	vmax.scan.msk.u32 $0xffff, v9;
	s0 =	sadd.s32 $0x80000000, s0  }
0x274: {  	s2 =	ssub.s32 $0x800000EF, s12;
	p3 =	sgt.u32 s17, $0x80000000;
	v15, _, _ =	vpop (xrf0);
	s29 =	spop (v2sf);
	(xrf0) =	vmax.scan.msk.u32 $0xffff, v14;
	v14 =	vadd.s32 s0, v19  }
0x275: {  	v10 =	vxor.u32 $0x80000000, v10;
	p0 =	por p0, p3;
	v8 =	vxor.u32 $0x80000000, v8;
	v9 =	vld [tilespmem:s13+$0x100];
	s30 =	sxor.u32 $0x80000000, s29;
	v13 =	vadd.s32 v13, v17;
	s31 =	spop (v2sf)  }
0x276: {  	p2 =	por !p3, !p2;
	p5 =	por !p0, !p0;
	(v2sf) =	vpush v15, $0xF;
	v15 =	vmov s30;
	vm1 =	vge.s32 v14, v4;
	v18, _, _ =	vpop (xrf0);
	p1 =	sgt.u32 s31, $0x80000000  }
0x277: {  	p2 =	por !p2, !p2;
	v11 =	vsub.s32 v14, v11;
	vm15 =	veq.s32 v15, v0;
	v17 =	vmpcnt.ones.xlane vm1;
	v14, _, _ =	vpop (xrf0);
	p6 =	por !p1, !p5;
	p5 =	por p0, p1  }
0x278: {  	s1 =	simm.s32 $0x760;
	s16 =	smov.u32 @p2 s2;
	v15 =	vmctz.xlane vm1;
	(v2sf) =	vpush v18, $0xF;
	v16 =	vadd.s32 v16, v13;
	v13, _, _ =	vpop (xrf0);
	p0 =	por !p5, !p5  }
0x279: {  	p3 =	por p2, p2;
	s21 =	simm.s32 $0x8000003F;
	v11 =	vxor.u32 $0x80000000, v11;
	(v2sf) =	vpush v14, $0xF;
	v14 =	vxor.u32 $0x80000000, v13;
	v18, _, _ =	vpop (xrf0);
	s3 =	simm.s32 @!p0 $0x0  }
0x27a: {  	s2 =	ssub.s32 $0x800000DF, s29;
	v9 =	vadd.s32 v9, v16;
	v16 =	vxor.u32 $0x80000000, v15;
	p6 =	por !p6, !p6;
	(xrf0) =	vmax.scan.msk.u32 $0xffff, v14;
	(v2sf) =	vpush v18, $0xF;
	s3 =	simm.s32 @p0 $0x1  }
0x27b: {  	v15 =	vxor.u32 $0x80000000, v17;
	v9 =	vperm.xlane v9, v3;
	s16 =	smov.u32 @p6 s2;
	v17, _, _ =	vpop (xrf0);
	s2 =	simm.s32 $0x8000002F;
	v14 =	vld [tilespmem:s1+$0xFFFFFE00];
	(xrf0) =	vmax.scan.msk.u32 $0xffff, v16;
	v16 =	vnsel vm15, $0x80000000, v12;
	[smem:$0x7F8] =	sst s3  }
.LBB2_12:
0x27c: {  	p1 =	sne.s32 s2, $0x8000000F;
	s4 =	spop (v2sf)  }
0x27d: {  	s3 =	smov.u32 s18;
	s18 =	smov.u32 s21;
	s21 =	smov.u32 s2  }
0x27e: {  	v12 =	vld [tilespmem:s1+$0xFFFFFF00];
	p2 =	por p4, p4;
	p0 =	por p3, p3;
	p4 =	por p6, p6  }
0x27f: {  	v19 =	vmov v8;
	v8 =	vmov v10;
	v10 =	vmov v11;
	v11 =	vld [tilespmem:s1+$0x100];
	s6 =	sld [smem:$0x7F8];
	s2 =	sadd.s32 $0xFFFFFFF0, s2;
	s0 =	sadd.s32 s4, s0  }
0x280: {  	(xrf0) =	vadd.scan.msk.s32 $0xffff, v9;
	v18 =	vmov v9;
	v9 =	vld [tilespmem:s1+$0x0];
	s29 =	spop (v2sf);
	s1 =	sadd.s32 $0xFFFFFFF0, s1;
	s0 =	sadd.s32 $0x80000000, s0  }
0x281: {  	(xrf0) =	vmax.scan.msk.u32 $0xffff, v15;
	s5 =	sxor.u32 $0x80000000, s29;
	s4 =	ssub.s32 s28, s29;
	s28 =	smov.u32 s26  }
0x282: {  	s26 =	smov.u32 s25;
	s25 =	smov.u32 s24;
	s30 =	spop (v2sf);
	(xrf0) =	vmax.scan.msk.u32 $0xffff, v16  }
0x283: {  	(v2sf) =	vpush v17, $0xF;
	s24 =	smov.u32 s22;
	s22 =	smov.u32 s23;
	v17 =	vadd.s32 s0, v7;
	v16 =	vmov s5;
	v7 =	vmovc v13;
	p6 =	sgt.u32 s30, $0x80000000  }
0x284: {  	s23 =	smov.u32 s20;
	p3 =	seq.s32 s6, $0x1;
	v13, _, _ =	vpop (xrf0);
	vm1 =	vge.s32 v17, v4;
	v6 =	vsub.s32 v17, v6;
	p5 =	por p5, p6;
	v12 =	vadd.s32 v14, v12  }
.Ltmp5:
0x285: {  	vm0 =	veq.s32 v16, v0;
	p3 =	por !p6, !p3;
	v14 =	vmctz.xlane vm1;
	v15, _, _ =	vpop (xrf0);
	p6 =	por !p5, !p5;
	v9 =	vadd.s32 v9, v12;
	(pc) =	sbr.rel @p1 .LBB2_12-.Ltmp5, $4  }
0x286: {  	s20 =	smov.u32 s19;
	s19 =	smov.u32 s3;
	(v2sf) =	vpush v13, $0xF;
	v12 =	vmpcnt.ones.xlane vm1;
	s6 =	simm.s32 @!p6 $0x0;
	v13, _, _ =	vpop (xrf0);
	v9 =	vadd.s32 v11, v9  }
0x287: {  	v16 =	vxor.u32 $0x80000000, v14;
	s6 =	simm.s32 @p6 $0x1;
	p6 =	por !p3, !p3;
	v11 =	vxor.u32 $0x80000000, v13;
	v20, _, _ =	vpop (xrf0);
	v9 =	vperm.xlane v9, v3;
	s31 =	spop (v2sf)  }
0x288: {  	p3 =	por p4, p4;
	p4 =	por p0, p0;
	(v2sf) =	vpush v15, $0xF;
	(xrf0) =	vmax.scan.msk.u32 $0xffff, v11;
	v15 =	vxor.u32 $0x80000000, v12;
	v11 =	vxor.u32 $0x80000000, v6;
	v17, _, _ =	vpop (xrf0);
	s5 =	sxor.u32 $0x80000000, s31  }
0x289: {  	v14 =	vld [tilespmem:s1+$0xFFFFFE00];
	[smem:$0x7F8] =	sst s6;
	s16 =	smov.u32 @p6 s4;
	v6 =	vmovc v5;
	v5 =	vmov v18;
	(xrf0) =	vmax.scan.msk.u32 $0xffff, v16;
	(v2sf) =	vpush v20, $0xF;
	v16 =	vnsel vm0, $0x80000000, v19;
	s15 =	smov.u32 @p2 s5  }
0x28a: {  	v18 =	vld [tilespmem:s1+$0xFFFFFF00];
	(xrf0) =	vadd.scan.msk.s32 $0xffff, v9  }
0x28b: {  	s2 =	spop (v2sf);
	v19 =	vld [tilespmem:s1+$0x0]  }
0x28c: {  	v20 =	vld [tilespmem:s1+$0x100];
	s0 =	sadd.s32 s2, s0  }
0x28d: {  	s0 =	sadd.s32 $0x80000000, s0  }
0x28e: {  	v12 =	vadd.s32 s0, v7;
	v7, _, _ =	vpop (xrf0)  }
0x28f: {  	(v2sf) =	vpush v17, $0xF;
	vm0 =	vge.s32 v12, v4;
	v14 =	vadd.s32 v14, v18;
	v39, _, _ =	vpop (xrf0)  }
0x290: {  	(xrf0) =	vmax.scan.msk.u32 $0xffff, v15;
	(v2sf) =	vpush v7, $0xF;
	v7 =	vmctz.xlane vm0;
	v14 =	vadd.s32 v19, v14;
	v40, _, _ =	vpop (xrf0)  }
0x291: {  	(xrf0) =	vmax.scan.msk.u32 $0xffff, v16;
	v14 =	vadd.s32 v20, v14;
	v41 =	vxor.u32 $0x80000000, v40  }
0x292: {  	s14 =	sadd.s32 $0xFFFFFFF0, s1;
	s29 =	spop (v2sf);
	v42 =	vxor.u32 $0x80000000, v7;
	v7 =	vperm.xlane v14, v3;
	(xrf0) =	vmax.scan.msk.u32 $0xffff, v41  }
0x293: {  	v43 =	vld [tilespmem:s14+$0xFFFFFE00];
	s17 =	spop (v2sf);
	(xrf0) =	vmax.scan.msk.u32 $0xffff, v42  }
0x294: {  	v44 =	vld [tilespmem:s14+$0xFFFFFF00];
	s30 =	spop (v2sf);
	(xrf0) =	vadd.scan.msk.s32 $0xffff, v7  }
0x295: {  	v45 =	vld [tilespmem:s14+$0x0];
	s31 =	spop (v2sf)  }
0x296: {  	v47 =	vld [tilespmem:s14+$0x100];
	s3 =	sxor.u32 $0x80000000, s29;
	v46, _, _ =	vpop (xrf0);
	s0 =	sadd.s32 s31, s0  }
0x297: {  	v21 =	vmov s3;
	v22 =	vmpcnt.ones.xlane vm0;
	v23, _, _ =	vpop (xrf0);
	s1 =	sadd.s32 $0x80000000, s0  }
0x298: {  	vm13 =	veq.s32 v21, v0;
	v13 =	vadd.s32 s1, v13;
	v48, _, _ =	vpop (xrf0)  }
0x299: {  	v22 =	vxor.u32 $0x80000000, v22;
	v14 =	vadd.s32 v43, v44;
	vm1 =	vge.s32 v13, v4;
	v49, _, _ =	vpop (xrf0)  }
0x29a: {  	v8 =	vnsel vm13, $0x80000000, v8;
	v14 =	vadd.s32 v45, v14;
	(xrf0) =	vmax.scan.msk.u32 $0xffff, v22;
	v50 =	vmctz.xlane vm1;
	v51, _, _ =	vpop (xrf0)  }
0x29b: {  	s2 =	sadd.s32 $0xFFFFFFF0, s14;
	(v2sf) =	vpush v39, $0xF;
	v52 =	vadd.s32 v47, v14;
	(xrf0) =	vmax.scan.msk.u32 $0xffff, v8;
	v53 =	vxor.u32 $0x80000000, v51  }
0x29c: {  	v55 =	vld [tilespmem:s2+$0xFFFFFE00];
	v8 =	vperm.xlane v52, v3;
	s10 =	spop (v2sf);
	v54 =	vxor.u32 $0x80000000, v50;
	(xrf0) =	vmax.scan.msk.u32 $0xffff, v53  }
0x29d: {  	v56 =	vld [tilespmem:s2+$0xFFFFFF00];
	s12 =	spop (v2sf);
	(xrf0) =	vmax.scan.msk.u32 $0xffff, v54  }
0x29e: {  	s4 =	spop (v2sf);
	(xrf0) =	vadd.scan.msk.s32 $0xffff, v8  }
0x29f: {  	v57 =	vld [tilespmem:s2+$0x0];
	[dreg:$0x1a] =	wrdreg s4;
	s4 =	spop (v2sf)  }
0x2a0: {  	v24 =	vld [tilespmem:s2+$0x100];
	v58, _, _ =	vpop (xrf0);
	s3 =	sadd.s32 s4, s1  }
0x2a1: {  	s5 =	sxor.u32 $0x80000000, s10;
	v26 =	vmpcnt.ones.xlane vm1;
	v27, _, _ =	vpop (xrf0);
	s3 =	sadd.s32 $0x80000000, s3  }
0x2a2: {  	v14 =	vadd.s32 v55, v56;
	v25 =	vmov s5;
	v15 =	vadd.s32 s3, v40;
	v59, _, _ =	vpop (xrf0)  }
0x2a3: {  	vm14 =	veq.s32 v25, v0;
	v26 =	vxor.u32 $0x80000000, v26;
	vm15 =	vge.s32 v15, v4;
	v60, _, _ =	vpop (xrf0)  }
0x2a4: {  	v14 =	vadd.s32 v57, v14;
	v10 =	vnsel vm14, $0x80000000, v10;
	(xrf0) =	vmax.scan.msk.u32 $0xffff, v26;
	v61 =	vmctz.xlane vm15;
	v62, _, _ =	vpop (xrf0)  }
0x2a5: {  	v63 =	vadd.s32 v24, v14;
	(v2sf) =	vpush v46, $0xF;
	(xrf0) =	vmax.scan.msk.u32 $0xffff, v10;
	v24 =	vxor.u32 $0x80000000, v62  }
0x2a6: {  	(v2sf) =	vpush v23, $0xF;
	v10 =	vperm.xlane v63, v3;
	v28 =	vxor.u32 $0x80000000, v61;
	(xrf0) =	vmax.scan.msk.u32 $0xffff, v24  }
0x2a7: {  	(v2sf) =	vpush v48, $0xF;
	(xrf0) =	vmax.scan.msk.u32 $0xffff, v28  }
0x2a8: {  	(xrf0) =	vadd.scan.msk.s32 $0xffff, v10;
	_ =	sdelay $0x1  }
0x2a9: {  	s7 =	spop (v2sf);
	v29, _, _ =	vpop (xrf0)  }
0x2aa: {  	s5 =	sxor.u32 $0x80000000, s7;
	v30 =	vmpcnt.ones.xlane vm15;
	v31, _, _ =	vpop (xrf0)  }
0x2ab: {  	(v2sf) =	vpush v49, $0xF;
	v32 =	vmov s5;
	v33, _, _ =	vpop (xrf0)  }
0x2ac: {  	(v2sf) =	vpush v58, $0xF;
	vm4 =	veq.s32 v32, v0;
	v34 =	vxor.u32 $0x80000000, v30;
	v35, _, _ =	vpop (xrf0)  }
0x2ad: {  	(v2sf) =	vpush v27, $0xF;
	v11 =	vnsel vm4, $0x80000000, v11;
	(xrf0) =	vmax.scan.msk.u32 $0xffff, v34;
	v36, _, _ =	vpop (xrf0)  }
0x2ae: {  	(v2sf) =	vpush v59, $0xF;
	(xrf0) =	vmax.scan.msk.u32 $0xffff, v11;
	v37 =	vxor.u32 $0x80000000, v36  }
0x2af: {  	(v2sf) =	vpush v60, $0xF;
	(xrf0) =	vmax.scan.msk.u32 $0xffff, v37  }
0x2b0: {  	(v2sf) =	vpush v29, $0xF  }
0x2b1: {  	(v2sf) =	vpush v31, $0xF  }
0x2b2: {  	s2 =	sadd.s32 $0xFFFFFFF0, s2;
	(v2sf) =	vpush v33, $0xF  }
0x2b3: {  	v39 =	vld [tilespmem:s2+$0xFFFFFE00];
	s13 =	spop (v2sf);
	(v2sf) =	vpush v35, $0xF;
	v38, _, _ =	vpop (xrf0)  }
0x2b4: {  	[dreg:$0x14] =	wrdreg s17;
	v41 =	vld [tilespmem:s2+$0xFFFFFF00];
	s17 =	spop (v2sf);
	v40, _, _ =	vpop (xrf0);
	(v2sf) =	vpush v38, $0xF  }
0x2b5: {  	v43 =	vld [tilespmem:s2+$0x0];
	s6 =	spop (v2sf);
	(v2sf) =	vpush v40, $0xF;
	v42, _, _ =	vpop (xrf0)  }
0x2b6: {  	v44 =	vld [tilespmem:s2+$0x100];
	s3 =	sadd.s32 s6, s3;
	(v2sf) =	vpush v42, $0xF  }
0x2b7: {  	s8 =	sadd.s32 $0x80000000, s3  }
0x2b8: {  	v45 =	vadd.s32 s8, v51  }
0x2b9: {  	vm5 =	vge.s32 v45, v4;
	v11 =	vadd.s32 v39, v41  }
0x2ba: {  	s5 =	spop (v2sf);
	v46 =	vmctz.xlane vm5;
	v11 =	vadd.s32 v43, v11  }
0x2bb: {  	s11 =	spop (v2sf);
	v11 =	vadd.s32 v44, v11  }
0x2bc: {  	s14 =	spop (v2sf);
	v17 =	vxor.u32 $0x80000000, v46;
	v11 =	vperm.xlane v11, v3  }
0x2bd: {  	(xrf0) =	vmax.scan.msk.u32 $0xffff, v17;
	s0 =	spop (v2sf)  }
0x2be: {  	(xrf0) =	vadd.scan.msk.s32 $0xffff, v11;
	s4 =	spop (v2sf)  }
0x2bf: {  	[dreg:$0x11] =	wrdreg s30;
	s30 =	spop (v2sf)  }
0x2c0: {  	v6 =	vsub.s32 v12, v6;
	v5 =	vsub.s32 v13, v5;
	s2 =	sadd.s32 s0, s8;
	s31 =	spop (v2sf)  }
0x2c1: {  	v6 =	vxor.u32 $0x80000000, v6;
	v5 =	vxor.u32 $0x80000000, v5;
	v47 =	vmpcnt.ones.xlane vm5;
	s8 =	sxor.u32 $0x80000000, s5;
	s0 =	sadd.s32 $0x80000000, s2;
	s1 =	spop (v2sf)  }
0x2c2: {  	v56 =	vsub.s32 v15, v9;
	v48 =	vmov s8;
	v52 =	vadd.s32 s0, v62;
	s6 =	spop (v2sf)  }
0x2c3: {  	v49 =	vxor.u32 $0x80000000, v47;
	s2 =	sxor.u32 $0x80000000, s4;
	vm6 =	veq.s32 v48, v0;
	vm7 =	vge.s32 v52, v4;
	v50, _, _ =	vpop (xrf0);
	s1 =	sadd.s32 s1, s0;
	s8 =	spop (v2sf)  }
0x2c4: {  	(xrf0) =	vmax.scan.msk.u32 $0xffff, v49;
	v53 =	vmov s2;
	v6 =	vnsel vm6, $0x80000000, v6;
	v57 =	vmctz.xlane vm7;
	v51, _, _ =	vpop (xrf0);
	s1 =	sadd.s32 $0x80000000, s1;
	s3 =	spop (v2sf)  }
0x2c5: {  	(xrf0) =	vmax.scan.msk.u32 $0xffff, v6;
	v58 =	vmpcnt.ones.xlane vm7;
	v6 =	vxor.u32 $0x80000000, v51;
	v54 =	vadd.s32 s1, v36;
	[dreg:$0x1e] =	wrdreg s3;
	s3 =	spop (v2sf)  }
0x2c6: {  	(v2sf) =	vpush v50, $0xF;
	v13 =	vxor.u32 $0x80000000, v57;
	(xrf0) =	vmax.scan.msk.u32 $0xffff, v6;
	vm9 =	vge.s32 v54, v4;
	s3 =	sadd.s32 s3, s1  }
0x2c7: {  	vm8 =	veq.s32 v53, v0;
	v15 =	vxor.u32 $0x80000000, v58;
	(xrf0) =	vmax.scan.msk.u32 $0xffff, v13;
	v61 =	vmctz.xlane vm9;
	s2 =	sadd.s32 $0x80000000, s3  }
0x2c8: {  	v5 =	vnsel vm8, $0x80000000, v5;
	(xrf0) =	vmax.scan.msk.u32 $0xffff, v15;
	v6 =	vadd.s32 s2, v51  }
0x2c9: {  	(xrf0) =	vmax.scan.msk.u32 $0xffff, v5;
	s0 =	sxor.u32 $0x80000000, s6;
	v63 =	vmpcnt.ones.xlane vm9;
	v5 =	vxor.u32 $0x80000000, v61;
	vm10 =	vge.s32 v6, v4  }
0x2ca: {  	v59, _, _ =	vpop (xrf0);
	v55 =	vmov s0;
	(xrf0) =	vmax.scan.msk.u32 $0xffff, v5;
	v5 =	vmctz.xlane vm10  }
0x2cb: {  	v9 =	vxor.u32 $0x80000000, v56;
	vm11 =	veq.s32 v55, v0;
	s1 =	sld [smem:$0x7F8];
	v4 =	vxor.u32 $0x80000000, v63  }
0x2cc: {  	p2 =	por p4, p4;
	v60, _, _ =	vpop (xrf0);
	v9 =	vnsel vm11, $0x80000000, v9;
	(v2sf) =	vpush v59, $0xF;
	s3 =	rddreg [dreg:$0x14];
	(xrf0) =	vmax.scan.msk.u32 $0xffff, v4;
	v4 =	vxor.u32 $0x80000000, v5  }
0x2cd: {  	p3 =	por p3, p3;
	p6 =	por p6, p6;
	v62, _, _ =	vpop (xrf0);
	(v2sf) =	vpush v60, $0xF;
	s2 =	rddreg [dreg:$0x11];
	(xrf0) =	vmax.scan.msk.u32 $0xffff, v9  }
0x2ce: {  	p4 =	sgt.u32 s12, $0x80000000;
	(v2sf) =	vpush v62, $0xF;
	p1 =	sgt.u32 s3, $0x80000000;
	s3 =	rddreg [dreg:$0x1a];
	v5, _, _ =	vpop (xrf0);
	(xrf0) =	vmax.scan.msk.u32 $0xffff, v4  }
0x2cf: {  	p0 =	seq.s32 s1, $0x1;
	s0 =	sxor.u32 $0x80000000, s2;
	s1 =	ssub.s32 s28, s29;
	v4, _, _ =	vpop (xrf0);
	(v2sf) =	vpush v5, $0xF  }
0x2d0: {  	s2 =	ssub.s32 s25, s7;
	p0 =	por !p1, !p0;
	s15 =	smov.u32 @p2 s0;
	v5, _, _ =	vpop (xrf0);
	(v2sf) =	vpush v4, $0xF  }
0x2d1: {  	s0 =	ssub.s32 s26, s10;
	p1 =	por p5, p1;
	p2 =	por p3, p3;
	(v2sf) =	vpush v5, $0xF;
	v4, _, _ =	vpop (xrf0)  }
0x2d2: {  	p0 =	por !p0, !p0;
	p5 =	por !p1, !p1;
	p1 =	por p1, p4;
	(v2sf) =	vpush v4, $0xF;
	v4, _, _ =	vpop (xrf0)  }
0x2d3: {  	s16 =	smov.u32 @p0 s1;
	p3 =	por !p4, !p5;
	s1 =	sxor.u32 $0x80000000, s3;
	v5, _, _ =	vpop (xrf0);
	(v2sf) =	vpush v4, $0xF  }
0x2d4: {  	p5 =	por p6, p6;
	s15 =	smov.u32 @p2 s1;
	p2 =	por !p3, !p3;
	(v2sf) =	vpush v5, $0xF;
	v4, _, _ =	vpop (xrf0)  }
0x2d5: {  	p4 =	sgt.u32 s13, $0x80000000;
	s16 =	smov.u32 @p2 s0;
	s0 =	spop (v2sf);
	(v2sf) =	vpush v4, $0xF  }
0x2d6: {  	s3 =	sxor.u32 $0x80000000, s17;
	p6 =	por !p1, !p1;
	p0 =	por p0, p0  }
0x2d7: {  	s17 =	sxor.u32 $0x80000000, s31;
	p3 =	por p5, p5;
	p6 =	por !p4, !p6  }
0x2d8: {  	p0 =	por p0, p0;
	p4 =	por p1, p4;
	s15 =	smov.u32 @p3 s3  }
0x2d9: {  	p1 =	por !p6, !p6;
	p2 =	por p2, p2;
	p5 =	por !p4, !p4  }
0x2da: {  	p6 =	por p0, p0;
	s3 =	sxor.u32 $0x80000000, s14;
	s16 =	smov.u32 @p1 s2  }
0x2db: {  	p3 =	por p2, p2;
	p2 =	sgt.u32 s11, $0x80000000;
	s7 =	spop (v2sf)  }
0x2dc: {  	s2 =	ssub.s32 s24, s5;
	s5 =	sxor.u32 $0x80000000, s0;
	s12 =	spop (v2sf)  }
0x2dd: {  	s15 =	smov.u32 @p6 s3;
	s3 =	ssub.s32 s22, s4;
	s29 =	spop (v2sf)  }
0x2de: {  	s24 =	rddreg [dreg:$0x1e];
	s0 =	ssub.s32 s20, s0;
	v4 =	vmpcnt.ones.xlane vm10;
	s11 =	spop (v2sf)  }
0x2df: {  	p5 =	por !p2, !p5;
	p2 =	por p4, p2;
	v5 =	vsub.s32 v45, v7;
	v7 =	vmov s5;
	s13 =	spop (v2sf)  }
0x2e0: {  	p4 =	sgt.u32 s30, $0x80000000;
	p0 =	por !p5, !p5;
	v5 =	vxor.u32 $0x80000000, v5;
	vm12 =	veq.s32 v7, v0;
	v4 =	vxor.u32 $0x80000000, v4;
	s14 =	spop (v2sf)  }
0x2e1: {  	p6 =	por !p2, !p2;
	v5 =	vnsel vm12, $0x80000000, v5;
	(xrf0) =	vmax.scan.msk.u32 $0xffff, v4;
	s25 =	sxor.u32 $0x80000000, s11;
	s26 =	spop (v2sf)  }
0x2e2: {  	p5 =	por p3, p3;
	s16 =	smov.u32 @p0 s2;
	v4 =	vsub.s32 v52, v8;
	(xrf0) =	vmax.scan.msk.u32 $0xffff, v5;
	v5 =	vmov s25;
	s28 =	spop (v2sf)  }
0x2e3: {  	p6 =	por !p4, !p6;
	v4 =	vxor.u32 $0x80000000, v4;
	vm13 =	veq.s32 v5, v0;
	s29 =	sxor.u32 $0x80000000, s26;
	s30 =	spop (v2sf)  }
0x2e4: {  	s15 =	smov.u32 @p5 s17;
	s2 =	sxor.u32 $0x80000000, s24;
	v4 =	vnsel vm13, $0x80000000, v4;
	v7 =	vmov s29;
	s31 =	spop (v2sf)  }
0x2e5: {  	v6 =	vsub.s32 v6, v11;
	p0 =	por p0, p0;
	s1 =	sxor.u32 $0x80000000, s12;
	v5 =	vsub.s32 v54, v10;
	(xrf0) =	vmax.scan.msk.u32 $0xffff, v4;
	s22 =	sxor.u32 $0x80000000, s31  }
0x2e6: {  	p3 =	por !p6, !p6;
	p6 =	por p1, p1;
	p1 =	por p2, p4;
	v5 =	vxor.u32 $0x80000000, v5;
	vm14 =	veq.s32 v7, v0;
	v4 =	vmov s22  }
0x2e7: {  	v6 =	vxor.u32 $0x80000000, v6;
	p2 =	sgt.u32 s8, $0x80000000;
	p0 =	por p0, p0;
	s16 =	smov.u32 @p3 s3;
	v5 =	vnsel vm14, $0x80000000, v5;
	v7, _, _ =	vpop (xrf0);
	vm15 =	veq.s32 v4, v0  }
0x2e8: {  	s3 =	ssub.s32 s23, s6;
	p5 =	por p6, p6;
	p6 =	por !p1, !p1;
	(xrf0) =	vmax.scan.msk.u32 $0xffff, v5;
	(v2sf) =	vpush v7, $0xF;
	v5 =	vnsel vm15, $0x80000000, v6  }
0x2e9: {  	p4 =	por p5, p5;
	p5 =	por !p2, !p6;
	p2 =	por p1, p2;
	v4, _, _ =	vpop (xrf0);
	(xrf0) =	vmax.scan.msk.u32 $0xffff, v5  }
0x2ea: {  	p6 =	por p3, p3;
	s15 =	smov.u32 @p4 s2;
	p4 =	por !p5, !p5  }
0x2eb: {  	p3 =	por !p2, !p2;
	p5 =	por p0, p0;
	p6 =	por p6, p6;
	(v2sf) =	vpush v4, $0xF;
	v4, _, _ =	vpop (xrf0)  }
0x2ec: {  	s16 =	smov.u32 @p4 s3;
	p1 =	por p4, p4;
	p4 =	sgt.u32 s7, $0x80000000;
	(v2sf) =	vpush v4, $0xF  }
0x2ed: {  	s15 =	smov.u32 @p5 s1;
	p3 =	por !p4, !p3;
	p0 =	por p2, p4  }
0x2ee: {  	p4 =	por p6, p6;
	p5 =	por p1, p1;
	p3 =	por !p3, !p3;
	v4, _, _ =	vpop (xrf0)  }
0x2ef: {  	p2 =	por !p0, !p0;
	s16 =	smov.u32 @p3 s0;
	p6 =	sgt.u32 s13, $0x80000000;
	(v2sf) =	vpush v4, $0xF;
	v4, _, _ =	vpop (xrf0)  }
0x2f0: {  	p3 =	por p3, p3;
	s0 =	ssub.s32 s19, s11;
	p1 =	por p0, p6;
	(v2sf) =	vpush v4, $0xF  }
0x2f1: {  	p2 =	por !p6, !p2;
	s1 =	sxor.u32 $0x80000000, s14;
	p6 =	por !p1, !p1  }
0x2f2: {  	[tilespmem:$0x400] =	vst v1;
	p0 =	por !p2, !p2;
	s15 =	smov.u32 @p4 s1;
	p4 =	por p5, p5  }
0x2f3: {  	[tilespmem:$0x410] =	vst v1;
	p2 =	por p3, p3;
	s16 =	smov.u32 @p0 s0;
	p0 =	por p0, p0  }
0x2f4: {  	[tilespmem:$0x420] =	vst v1;
	p5 =	sgt.u32 s28, $0x80000000;
	s0 =	ssub.s32 s18, s26;
	p2 =	por p2, p2  }
0x2f5: {  	[tilespmem:$0x430] =	vst v1;
	p6 =	por !p5, !p6;
	s1 =	sxor.u32 $0x80000000, s30;
	p3 =	por p1, p5  }
0x2f6: {  	[tilespmem:$0x440] =	vst v1;
	p0 =	por p0, p0;
	p1 =	por !p6, !p6;
	s15 =	smov.u32 @p4 s1  }
0x2f7: {  	[tilespmem:$0x450] =	vst v1;
	p3 =	por !p3, !p3;
	s1 =	ssub.s32 s21, s31;
	s25 =	spop (v2sf)  }
0x2f8: {  	[tilespmem:$0x460] =	vst v1;
	p0 =	por p0, p0;
	s31 =	rddreg [dreg:$0xd];
	p6 =	sgt.u32 s25, $0x80000000  }
0x2f9: {  	[tilespmem:$0x470] =	vst v1;
	s16 =	smov.u32 @p1 s0;
	p1 =	por p1, p1;
	p3 =	por !p6, !p3  }
0x2fa: {  	[tilespmem:$0x480] =	vst v1;
	p1 =	por p1, p1;
	s26 =	spop (v2sf);
	p3 =	por !p3, !p3  }
0x2fb: {  	[tilespmem:$0x490] =	vst v1;
	s0 =	sxor.u32 $0x80000000, s26;
	s16 =	smov.u32 @p3 s1;
	s28 =	spop (v2sf)  }
0x2fc: {  	[tilespmem:$0x4A0] =	vst v1;
	p5 =	por p3, p3;
	s1 =	sshll.u32 s31, $0x8;
	s15 =	smov.u32 @p2 s0  }
0x2fd: {  	[tilespmem:$0x4B0] =	vst v1;
	s0 =	sxor.u32 $0x80000000, s28;
	p6 =	por p5, p5;
	s1 =	sor.u32 s1, s16  }
0x2fe: {  	[tilespmem:$0x4C0] =	vst v1;
	s15 =	smov.u32 @p0 s0;
	s29 =	spop (v2sf);
	p0 =	por p1, p1  }
0x2ff: {  	[tilespmem:$0x4D0] =	vst v1;
	[dreg:$0xe] =	wrdreg s1;
	s0 =	sxor.u32 $0x80000000, s29;
	s30 =	spop (v2sf)  }
0x300: {  	[tilespmem:$0x4E0] =	vst v1;
	s15 =	smov.u32 @p0 s0;
	p0 =	por p6, p6;
	s0 =	sxor.u32 $0x80000000, s30  }
0x301: {  	[tilespmem:$0x4F0] =	vst v1;
	v4 =	vmov s1;
	s1 =	simm.s32 $0x0;
	s15 =	smov.u32 @p0 s0;
	s0 =	simm.s32 $0x40  }
.LBB2_14:
0x302: {  	p0 =	sne.s32 s0, $0x7C0;
	v5 =	vld [tilespmem:s1+$0x0];
	_ =	sdelay $0x4  }
0x303: {  	v6 =	vshrl.u32 v5, $0x7  }
0x304: {  	vm0 =	veq.s32 v6, v4  }
0x305: {  	v5 =	vand.u32 $0xFF, v5  }
.Ltmp6:
0x306: {  	(pc) =	sbr.rel @p0 .LBB2_14-.Ltmp6, $2  }
0x307: {  	_ =	sdelay $0x2  }
0x308: {  	s1 =	sshra.s32 s0, $0x2;
	s0 =	sadd.s32 $0x40, s0;
	[tilespmem:v5+s9+$0x0] =	vst.idx.add.s32.msk vm0, v2  }
0x309: {  	v5 =	vld [tilespmem:s1+$0x0];
	_ =	sdelay $0x4  }
0x30a: {  	v6 =	vshrl.u32 v5, $0x7  }
0x30b: {  	vm0 =	veq.s32 v6, v4  }
0x30c: {  	v4 =	vand.u32 $0xFF, v5;
	_ =	sdelay $0x4  }
0x30d: {  	s0 =	rddreg [dreg:$0x5];
	s24 =	simm.s32 $0x1;
	[tilespmem:v4+s9+$0x0] =	vst.idx.add.s32.msk vm0, v2  }
0x30e: {  	[spmem:s0] =	stream.linear.scatter [tilespmem:s9], [sflag:$0x1], $0x100, $0x38;
	[tilespmem:$0xA00] =	vst v63  }
0x30f: {  	_ =	swait.ge [sflag:s24], $0x100  }
0x310: {  	[sflag:s24] =	ssyncset.done $0x0  }
0x311: {  	[sflag:s24] =	ssyncadd.s32 $0xFFFFFF00  }
0x312: {  	[bflag:$0x0] =	sbarrier.arrive $0xFFFF  }
0x313: {  	s2 =	simm.s32 $0x500;
	s25 =	rddreg [dreg:$0x6]  }
0x314: {  	[tilespmem:s2], [sflag:$0x1] =	stream.linear.gather [spmem:s25], $0x400, $0x38;
	[tilespmem:$0xA00] =	vst v63  }
0x315: {  	_ =	swait.ge [sflag:s24], $0x400  }
0x316: {  	[sflag:s24] =	ssyncset.done $0x0  }
0x317: {  	[sflag:s24] =	ssyncadd.s32 $0xFFFFFC00  }
0x318: {  	s26 =	simm.s32 $0x7F0;
	[bflag:$0x0] =	sbarrier.arrive $0xFFFF  }
0x319: {  	v4 =	vld [tilespmem:s26+$0xFFFFFE00]  }
0x31a: {  	v5 =	vld [tilespmem:s26+$0xFFFFFF00]  }
0x31b: {  	v6 =	vld [tilespmem:s26+$0x0]  }
0x31c: {  	v7 =	vld [tilespmem:s26+$0x100];
	_ =	sdelay $0x2  }
0x31d: {  	v4 =	vadd.s32 v4, v5  }
0x31e: {  	v4 =	vadd.s32 v6, v4  }
0x31f: {  	v4 =	vadd.s32 v7, v4  }
0x320: {  	s29 =	simm.s32 $0x7E0;
	v7 =	vperm.xlane v4, v3  }
0x321: {  	v5 =	vld [tilespmem:s29+$0xFFFFFF00]  }
0x322: {  	v4 =	vld [tilespmem:s29+$0xFFFFFE00];
	(xrf0) =	vadd.scan.msk.s32 $0xffff, v7  }
0x323: {  	v6 =	vld [tilespmem:s29+$0x0]  }
0x324: {  	v8 =	vld [tilespmem:s29+$0x100];
	_ =	sdelay $0x2  }
0x325: {  	v4 =	vadd.s32 v4, v5  }
0x326: {  	v4 =	vadd.s32 v6, v4;
	v6, _, _ =	vpop (xrf0)  }
0x327: {  	s30 =	simm.s32 $0x7D0;
	v4 =	vadd.s32 v8, v4;
	v8 =	vxor.u32 $0x80000000, v6  }
0x328: {  	v5 =	vperm.xlane v4, v3;
	v4 =	vld [tilespmem:s30+$0xFFFFFE00];
	(xrf0) =	vmax.scan.msk.u32 $0xffff, v8  }
0x329: {  	v8 =	vld [tilespmem:s30+$0xFFFFFF00]  }
0x32a: {  	v9 =	vld [tilespmem:s30+$0x0];
	(xrf0) =	vadd.scan.msk.s32 $0xffff, v5  }
0x32b: {  	v10 =	vld [tilespmem:s30+$0x100];
	_ =	sdelay $0x2  }
0x32c: {  	v4 =	vadd.s32 v4, v8;
	v11, _, _ =	vpop (xrf0)  }
0x32d: {  	v4 =	vadd.s32 v9, v4;
	(v2sf) =	vpush v11, $0xF  }
0x32e: {  	v11, _, _ =	vpop (xrf0);
	v4 =	vadd.s32 v10, v4  }
0x32f: {  	s31 =	simm.s32 $0x7C0;
	v9 =	vxor.u32 $0x80000000, v11;
	v8 =	vperm.xlane v4, v3  }
0x330: {  	v10 =	vld [tilespmem:s31+$0xFFFFFF00];
	(xrf0) =	vmax.scan.msk.u32 $0xffff, v9  }
0x331: {  	v9 =	vld [tilespmem:s31+$0xFFFFFE00];
	(xrf0) =	vadd.scan.msk.s32 $0xffff, v8  }
0x332: {  	v12 =	vld [tilespmem:s31+$0x0]  }
0x333: {  	v13 =	vld [tilespmem:s31+$0x100];
	s1 =	rddreg [dreg:$0xc]  }
0x334: {  	s0 =	ssub.s32 s1, s15;
	s15 =	simm.s32 $0x0  }
0x335: {  	v14 =	vadd.s32 s15, v6;
	v4 =	vmov s0  }
0x336: {  	vm8 =	vge.s32 v14, v4;
	v9 =	vadd.s32 v9, v10;
	v6, _, _ =	vpop (xrf0)  }
0x337: {  	v9 =	vadd.s32 v12, v9;
	(v2sf) =	vpush v6, $0xF;
	v6 =	vmctz.xlane vm8;
	v12, _, _ =	vpop (xrf0)  }
0x338: {  	v9 =	vadd.s32 v13, v9;
	v10 =	vxor.u32 $0x80000000, v12  }
0x339: {  	s2 =	simm.s32 $0x7B0;
	v9 =	vperm.xlane v9, v3;
	v6 =	vxor.u32 $0x80000000, v6;
	(xrf0) =	vmax.scan.msk.u32 $0xffff, v10  }
0x33a: {  	v10 =	vld [tilespmem:s2+$0xFFFFFE00];
	(xrf0) =	vmax.scan.msk.u32 $0xffff, v6  }
0x33b: {  	v6 =	vld [tilespmem:s2+$0xFFFFFF00];
	(xrf0) =	vadd.scan.msk.s32 $0xffff, v9  }
0x33c: {  	v13 =	vld [tilespmem:s2+$0x0];
	s3 =	spop (v2sf)  }
0x33d: {  	v15 =	vld [tilespmem:s2+$0x100];
	s1 =	sadd.s32 $0x0, s3  }
0x33e: {  	s4 =	sadd.s32 $0x80000000, s1  }
0x33f: {  	v16 =	vmpcnt.ones.xlane vm8;
	v17 =	vadd.s32 s4, v11;
	v11, _, _ =	vpop (xrf0)  }
0x340: {  	v6 =	vadd.s32 v10, v6;
	vm9 =	vge.s32 v17, v4;
	v18, _, _ =	vpop (xrf0)  }
0x341: {  	v16 =	vxor.u32 $0x80000000, v16;
	v6 =	vadd.s32 v13, v6;
	v10 =	vmctz.xlane vm9;
	v13, _, _ =	vpop (xrf0)  }
0x342: {  	(xrf0) =	vmax.scan.msk.u32 $0xffff, v16;
	(v2sf) =	vpush v11, $0xF;
	v6 =	vadd.s32 v15, v6;
	v11 =	vxor.u32 $0x80000000, v13  }
0x343: {  	s5 =	simm.s32 $0x7A0;
	v15 =	vxor.u32 $0x80000000, v10;
	v10 =	vperm.xlane v6, v3;
	(xrf0) =	vmax.scan.msk.u32 $0xffff, v11  }
0x344: {  	v6 =	vld [tilespmem:s5+$0xFFFFFE00];
	(xrf0) =	vmax.scan.msk.u32 $0xffff, v15  }
0x345: {  	v11 =	vld [tilespmem:s5+$0xFFFFFF00];
	(xrf0) =	vadd.scan.msk.s32 $0xffff, v10  }
0x346: {  	v15 =	vld [tilespmem:s5+$0x0];
	s6 =	spop (v2sf)  }
0x347: {  	v19 =	vld [tilespmem:s5+$0x100];
	[dreg:$0xa] =	wrdreg s0;
	s0 =	sadd.s32 s6, s4  }
0x348: {  	v16 =	vmpcnt.ones.xlane vm9;
	v20, _, _ =	vpop (xrf0);
	s0 =	sadd.s32 $0x80000000, s0  }
0x349: {  	(v2sf) =	vpush v18, $0xF;
	v12 =	vadd.s32 s0, v12;
	v18, _, _ =	vpop (xrf0)  }
0x34a: {  	v16 =	vxor.u32 $0x80000000, v16;
	v6 =	vadd.s32 v6, v11;
	vm10 =	vge.s32 v12, v4;
	v58, _, _ =	vpop (xrf0)  }
0x34b: {  	(v2sf) =	vpush v20, $0xF;
	v6 =	vadd.s32 v15, v6;
	v11 =	vmctz.xlane vm10;
	v15, _, _ =	vpop (xrf0)  }
0x34c: {  	(xrf0) =	vmax.scan.msk.u32 $0xffff, v16;
	(v2sf) =	vpush v18, $0xF;
	v6 =	vadd.s32 v19, v6;
	v16 =	vxor.u32 $0x80000000, v15  }
0x34d: {  	s7 =	simm.s32 $0x790;
	v18 =	vxor.u32 $0x80000000, v11;
	v11 =	vperm.xlane v6, v3;
	(xrf0) =	vmax.scan.msk.u32 $0xffff, v16  }
0x34e: {  	v6 =	vld [tilespmem:s7+$0xFFFFFE00];
	v16 =	vmpcnt.ones.xlane vm10;
	(xrf0) =	vmax.scan.msk.u32 $0xffff, v18  }
0x34f: {  	v18 =	vld [tilespmem:s7+$0xFFFFFF00];
	(xrf0) =	vadd.scan.msk.s32 $0xffff, v11  }
0x350: {  	v19 =	vld [tilespmem:s7+$0x0];
	v16 =	vxor.u32 $0x80000000, v16;
	_ =	sdelay $0x1  }
0x351: {  	(v2sf) =	vpush v58, $0xF;
	v59, _, _ =	vpop (xrf0)  }
0x352: {  	(v2sf) =	vpush v59, $0xF;
	s8 =	spop (v2sf);
	(xrf0) =	vmax.scan.msk.u32 $0xffff, v16;
	v16, _, _ =	vpop (xrf0)  }
0x353: {  	v21 =	vld [tilespmem:s7+$0x100];
	s0 =	sadd.s32 s8, s0;
	v6 =	vadd.s32 v6, v18;
	(v2sf) =	vpush v16, $0xF;
	v16, _, _ =	vpop (xrf0)  }
0x354: {  	s0 =	sadd.s32 $0x80000000, s0;
	v6 =	vadd.s32 v19, v6;
	v19, _, _ =	vpop (xrf0)  }
0x355: {  	v13 =	vadd.s32 s0, v13;
	(v2sf) =	vpush v16, $0xF;
	v16 =	vxor.u32 $0x80000000, v19  }
0x356: {  	vm11 =	vge.s32 v13, v4  }
0x357: {  	v18 =	vmctz.xlane vm11  }
0x358: {  	s10 =	simm.s32 $0x780;
	s11 =	spop (v2sf);
	v6 =	vadd.s32 v21, v6;
	(xrf0) =	vmax.scan.msk.u32 $0xffff, v16;
	v16, _, _ =	vpop (xrf0)  }
0x359: {  	v60 =	vld [tilespmem:s10+$0xFFFFFE00];
	s3 =	spop (v2sf);
	v18 =	vxor.u32 $0x80000000, v18;
	v6 =	vperm.xlane v6, v3;
	(v2sf) =	vpush v16, $0xF  }
0x35a: {  	(xrf0) =	vmax.scan.msk.u32 $0xffff, v18;
	s4 =	spop (v2sf);
	v16 =	vld [tilespmem:s10+$0xFFFFFF00]  }
0x35b: {  	v7 =	vsub.s32 v14, v7;
	s5 =	sxor.u32 $0x80000000, s11;
	v18 =	vld [tilespmem:s10+$0x0];
	(xrf0) =	vadd.scan.msk.s32 $0xffff, v6;
	s0 =	sadd.s32 s4, s0  }
0x35c: {  	v7 =	vxor.u32 $0x80000000, v7;
	v22 =	vmov s5;
	v14 =	vmpcnt.ones.xlane vm11;
	s0 =	sadd.s32 $0x80000000, s0  }
0x35d: {  	s28 =	simm.s32 $0x800000CF;
	v61 =	vld [tilespmem:s10+$0x100];
	v5 =	vsub.s32 v17, v5;
	vm12 =	veq.s32 v22, v0;
	v15 =	vadd.s32 s0, v15  }
0x35e: {  	p0 =	por $0x0, $0x0;
	s23 =	simm.s32 $0x8000008F;
	s22 =	simm.s32 $0x8000007F;
	v7 =	vnsel vm12, $0x80000000, v7;
	v14 =	vxor.u32 $0x80000000, v14;
	vm13 =	vge.s32 v15, v4  }
0x35f: {  	s18 =	simm.s32 $0x8000006F;
	s17 =	simm.s32 $0x0;
	s19 =	simm.s32 $0x8000005F;
	v8 =	vsub.s32 v12, v8;
	(xrf0) =	vmax.scan.msk.u32 $0xffff, v14;
	v62, _, _ =	vpop (xrf0);
	v17 =	vmctz.xlane vm13;
	v14 =	vadd.s32 v60, v16  }
0x360: {  	s20 =	simm.s32 $0x8000004F;
	s25 =	simm.s32 $0x800000AF;
	s12 =	spop (v2sf);
	(xrf0) =	vmax.scan.msk.u32 $0xffff, v7;
	v10 =	vsub.s32 v15, v10;
	(v2sf) =	vpush v62, $0xF;
	v16, _, _ =	vpop (xrf0);
	v14 =	vadd.s32 v18, v14  }
0x361: {  	s13 =	simm.s32 $0x770;
	s24 =	simm.s32 $0x8000009F;
	s14 =	sxor.u32 $0x80000000, s12;
	v7, _, _ =	vpop (xrf0);
	v17 =	vxor.u32 $0x80000000, v17;
	v18 =	vxor.u32 $0x80000000, v8;
	v8 =	vsub.s32 v13, v9  }
0x362: {  	p1 =	por !p0, !p0;
	s26 =	simm.s32 $0x800000BF;
	p2 =	sgt.u32 s3, $0x80000000;
	v15 =	vld [tilespmem:s13+$0xFFFFFF00];
	v13 =	vmov s14;
	v12 =	vadd.s32 v61, v14;
	v14 =	vxor.u32 $0x80000000, v7  }
0x363: {  	s1 =	ssub.s32 $0x800000FF, s11;
	p1 =	por !p2, !p1;
	s16 =	spop (v2sf);
	v9 =	vmpcnt.ones.xlane vm13;
	(xrf0) =	vmax.scan.msk.u32 $0xffff, v14;
	v14 =	vxor.u32 $0x80000000, v5;
	v5 =	vperm.xlane v12, v3;
	v12 =	vld [tilespmem:s13+$0xFFFFFE00]  }
0x364: {  	p0 =	por p0, p2;
	p1 =	por !p1, !p1;
	(v2sf) =	vpush v16, $0xF;
	(xrf0) =	vmax.scan.msk.u32 $0xffff, v17;
	s21 =	spop (v2sf)  }
0x365: {  	s17 =	smov.u32 @p1 s1;
	p1 =	por p1, p1;
	vm14 =	veq.s32 v13, v0;
	v9 =	vxor.u32 $0x80000000, v9;
	v13, _, _ =	vpop (xrf0);
	(xrf0) =	vadd.scan.msk.s32 $0xffff, v5;
	s0 =	sadd.s32 s21, s0  }
0x366: {  	p2 =	por !p0, !p0;
	p5 =	por p1, p1;
	v16 =	vld [tilespmem:s13+$0x0];
	(v2sf) =	vpush v13, $0xF;
	v13, _, _ =	vpop (xrf0);
	(xrf0) =	vmax.scan.msk.u32 $0xffff, v9;
	s0 =	sadd.s32 $0x80000000, s0  }
0x367: {  	s2 =	ssub.s32 $0x800000EF, s12;
	p3 =	sgt.u32 s16, $0x80000000;
	v14 =	vnsel vm14, $0x80000000, v14;
	s29 =	spop (v2sf);
	(v2sf) =	vpush v13, $0xF;
	v13 =	vadd.s32 s0, v19  }
0x368: {  	v10 =	vxor.u32 $0x80000000, v10;
	p0 =	por p0, p3;
	v9 =	vld [tilespmem:s13+$0x100];
	s30 =	sxor.u32 $0x80000000, s29;
	(xrf0) =	vmax.scan.msk.u32 $0xffff, v14;
	v12 =	vadd.s32 v12, v15;
	s31 =	spop (v2sf)  }
0x369: {  	p2 =	por !p3, !p2;
	p4 =	por !p0, !p0;
	v8 =	vxor.u32 $0x80000000, v8;
	v14 =	vmov s30;
	vm1 =	vge.s32 v13, v4;
	v17, _, _ =	vpop (xrf0);
	p1 =	sgt.u32 s31, $0x80000000  }
0x36a: {  	p2 =	por !p2, !p2;
	v11 =	vsub.s32 v13, v11;
	vm15 =	veq.s32 v14, v0;
	v14 =	vmctz.xlane vm1;
	v13, _, _ =	vpop (xrf0);
	p6 =	por !p1, !p4;
	p4 =	por p0, p1  }
0x36b: {  	s1 =	simm.s32 $0x760;
	s17 =	smov.u32 @p2 s2;
	v15 =	vadd.s32 v16, v12;
	v16 =	vmpcnt.ones.xlane vm1;
	(v2sf) =	vpush v17, $0xF;
	v12, _, _ =	vpop (xrf0);
	p0 =	por !p4, !p4  }
0x36c: {  	p3 =	por p2, p2;
	s21 =	simm.s32 $0x8000003F;
	v11 =	vxor.u32 $0x80000000, v11;
	(v2sf) =	vpush v13, $0xF;
	v13 =	vxor.u32 $0x80000000, v12;
	v63, _, _ =	vpop (xrf0);
	s3 =	simm.s32 @!p0 $0x0  }
0x36d: {  	s2 =	ssub.s32 $0x800000DF, s29;
	v9 =	vadd.s32 v9, v15;
	v19 =	vxor.u32 $0x80000000, v14;
	p6 =	por !p6, !p6;
	(xrf0) =	vmax.scan.msk.u32 $0xffff, v13;
	(v2sf) =	vpush v63, $0xF;
	s3 =	simm.s32 @p0 $0x1  }
0x36e: {  	v15 =	vxor.u32 $0x80000000, v16;
	v14 =	vld [tilespmem:s1+$0xFFFFFE00];
	v16 =	vnsel vm15, $0x80000000, v18;
	v9 =	vperm.xlane v9, v3;
	v17, _, _ =	vpop (xrf0);
	s17 =	smov.u32 @p6 s2;
	s2 =	simm.s32 $0x8000002F;
	(xrf0) =	vmax.scan.msk.u32 $0xffff, v19;
	[smem:$0x7F7] =	sst s3  }
.LBB2_16:
0x36f: {  	p1 =	sne.s32 s2, $0x8000000F;
	s4 =	spop (v2sf)  }
0x370: {  	s3 =	smov.u32 s20;
	s20 =	smov.u32 s21;
	s21 =	smov.u32 s2  }
0x371: {  	v13 =	vld [tilespmem:s1+$0xFFFFFF00];
	p2 =	por p5, p5;
	p0 =	por p3, p3;
	p5 =	por p6, p6  }
0x372: {  	v19 =	vmov v8;
	v8 =	vmov v10;
	v10 =	vmov v11;
	v11 =	vld [tilespmem:s1+$0x100];
	s6 =	sld [smem:$0x7F7];
	s2 =	sadd.s32 $0xFFFFFFF0, s2;
	s0 =	sadd.s32 s4, s0  }
0x373: {  	(xrf0) =	vadd.scan.msk.s32 $0xffff, v9;
	v18 =	vmov v9;
	v9 =	vld [tilespmem:s1+$0x0];
	s29 =	spop (v2sf);
	s1 =	sadd.s32 $0xFFFFFFF0, s1;
	s0 =	sadd.s32 $0x80000000, s0  }
0x374: {  	(xrf0) =	vmax.scan.msk.u32 $0xffff, v15;
	s5 =	sxor.u32 $0x80000000, s29;
	s4 =	ssub.s32 s28, s29;
	s28 =	smov.u32 s26  }
0x375: {  	s26 =	smov.u32 s25;
	s25 =	smov.u32 s24;
	s30 =	spop (v2sf);
	(xrf0) =	vmax.scan.msk.u32 $0xffff, v16  }
0x376: {  	(v2sf) =	vpush v17, $0xF;
	s24 =	smov.u32 s23;
	s23 =	smov.u32 s22;
	v17 =	vadd.s32 s0, v7;
	v16 =	vmov s5;
	v7 =	vmovc v12;
	p6 =	sgt.u32 s30, $0x80000000  }
0x377: {  	s22 =	smov.u32 s18;
	p3 =	seq.s32 s6, $0x1;
	v12, _, _ =	vpop (xrf0);
	vm1 =	vge.s32 v17, v4;
	v6 =	vsub.s32 v17, v6;
	p4 =	por p4, p6;
	v13 =	vadd.s32 v14, v13  }
.Ltmp7:
0x378: {  	vm0 =	veq.s32 v16, v0;
	p3 =	por !p6, !p3;
	v14 =	vmctz.xlane vm1;
	v15, _, _ =	vpop (xrf0);
	p6 =	por !p4, !p4;
	v9 =	vadd.s32 v9, v13;
	(pc) =	sbr.rel @p1 .LBB2_16-.Ltmp7, $4  }
0x379: {  	s18 =	smov.u32 s19;
	s19 =	smov.u32 s3;
	(v2sf) =	vpush v12, $0xF;
	v13 =	vmpcnt.ones.xlane vm1;
	s6 =	simm.s32 @!p6 $0x0;
	v12, _, _ =	vpop (xrf0);
	v9 =	vadd.s32 v11, v9  }
0x37a: {  	v16 =	vxor.u32 $0x80000000, v14;
	s6 =	simm.s32 @p6 $0x1;
	p6 =	por !p3, !p3;
	v11 =	vxor.u32 $0x80000000, v12;
	v20, _, _ =	vpop (xrf0);
	v9 =	vperm.xlane v9, v3;
	s31 =	spop (v2sf)  }
0x37b: {  	p3 =	por p5, p5;
	p5 =	por p0, p0;
	(v2sf) =	vpush v15, $0xF;
	(xrf0) =	vmax.scan.msk.u32 $0xffff, v11;
	v15 =	vxor.u32 $0x80000000, v13;
	v11 =	vxor.u32 $0x80000000, v6;
	v17, _, _ =	vpop (xrf0);
	s5 =	sxor.u32 $0x80000000, s31  }
0x37c: {  	v14 =	vld [tilespmem:s1+$0xFFFFFE00];
	[smem:$0x7F7] =	sst s6;
	s17 =	smov.u32 @p6 s4;
	v6 =	vmovc v5;
	v5 =	vmov v18;
	(xrf0) =	vmax.scan.msk.u32 $0xffff, v16;
	(v2sf) =	vpush v20, $0xF;
	v16 =	vnsel vm0, $0x80000000, v19;
	s15 =	smov.u32 @p2 s5  }
0x37d: {  	v18 =	vld [tilespmem:s1+$0xFFFFFF00];
	(xrf0) =	vadd.scan.msk.s32 $0xffff, v9  }
0x37e: {  	s2 =	spop (v2sf);
	v19 =	vld [tilespmem:s1+$0x0]  }
0x37f: {  	v20 =	vld [tilespmem:s1+$0x100];
	s0 =	sadd.s32 s2, s0  }
0x380: {  	s2 =	sadd.s32 $0x80000000, s0  }
0x381: {  	v13 =	vadd.s32 s2, v7;
	v7, _, _ =	vpop (xrf0)  }
0x382: {  	(v2sf) =	vpush v17, $0xF;
	vm0 =	vge.s32 v13, v4;
	v14 =	vadd.s32 v14, v18;
	v39, _, _ =	vpop (xrf0)  }
0x383: {  	(xrf0) =	vmax.scan.msk.u32 $0xffff, v15;
	(v2sf) =	vpush v7, $0xF;
	v7 =	vmctz.xlane vm0;
	v14 =	vadd.s32 v19, v14;
	v40, _, _ =	vpop (xrf0)  }
0x384: {  	(xrf0) =	vmax.scan.msk.u32 $0xffff, v16;
	v14 =	vadd.s32 v20, v14;
	v41 =	vxor.u32 $0x80000000, v40  }
0x385: {  	s11 =	sadd.s32 $0xFFFFFFF0, s1;
	s30 =	spop (v2sf);
	v42 =	vxor.u32 $0x80000000, v7;
	v7 =	vperm.xlane v14, v3;
	(xrf0) =	vmax.scan.msk.u32 $0xffff, v41  }
0x386: {  	v43 =	vld [tilespmem:s11+$0xFFFFFE00];
	s12 =	spop (v2sf);
	(xrf0) =	vmax.scan.msk.u32 $0xffff, v42  }
0x387: {  	v44 =	vld [tilespmem:s11+$0xFFFFFF00];
	s13 =	spop (v2sf);
	(xrf0) =	vadd.scan.msk.s32 $0xffff, v7  }
0x388: {  	v45 =	vld [tilespmem:s11+$0x0];
	s3 =	spop (v2sf)  }
0x389: {  	v21 =	vld [tilespmem:s11+$0x100];
	s4 =	sxor.u32 $0x80000000, s30;
	v46, _, _ =	vpop (xrf0);
	s2 =	sadd.s32 s3, s2  }
0x38a: {  	v47 =	vmov s4;
	v22 =	vmpcnt.ones.xlane vm0;
	v23, _, _ =	vpop (xrf0);
	s14 =	sadd.s32 $0x80000000, s2  }
0x38b: {  	vm9 =	veq.s32 v47, v0;
	v14 =	vadd.s32 s14, v12;
	v48, _, _ =	vpop (xrf0)  }
0x38c: {  	v16 =	vadd.s32 v43, v44;
	v22 =	vxor.u32 $0x80000000, v22;
	vm1 =	vge.s32 v14, v4;
	v49, _, _ =	vpop (xrf0)  }
0x38d: {  	v8 =	vnsel vm9, $0x80000000, v8;
	v16 =	vadd.s32 v45, v16;
	(xrf0) =	vmax.scan.msk.u32 $0xffff, v22;
	v50 =	vmctz.xlane vm1;
	v51, _, _ =	vpop (xrf0)  }
0x38e: {  	s16 =	sadd.s32 $0xFFFFFFF0, s11;
	(v2sf) =	vpush v39, $0xF;
	v52 =	vadd.s32 v21, v16;
	(xrf0) =	vmax.scan.msk.u32 $0xffff, v8;
	v53 =	vxor.u32 $0x80000000, v51  }
0x38f: {  	v55 =	vld [tilespmem:s16+$0xFFFFFE00];
	[dreg:$0x16] =	wrdreg s12;
	v8 =	vperm.xlane v52, v3;
	s12 =	spop (v2sf);
	v54 =	vxor.u32 $0x80000000, v50;
	(xrf0) =	vmax.scan.msk.u32 $0xffff, v53  }
0x390: {  	v56 =	vld [tilespmem:s16+$0xFFFFFF00];
	s29 =	spop (v2sf);
	(xrf0) =	vmax.scan.msk.u32 $0xffff, v54  }
0x391: {  	s31 =	spop (v2sf);
	(xrf0) =	vadd.scan.msk.s32 $0xffff, v8  }
0x392: {  	v57 =	vld [tilespmem:s16+$0x0];
	s5 =	spop (v2sf)  }
0x393: {  	v24 =	vld [tilespmem:s16+$0x100];
	v58, _, _ =	vpop (xrf0);
	s4 =	sadd.s32 s5, s14  }
0x394: {  	s6 =	sxor.u32 $0x80000000, s12;
	v26 =	vmpcnt.ones.xlane vm1;
	v27, _, _ =	vpop (xrf0);
	s4 =	sadd.s32 $0x80000000, s4  }
0x395: {  	v16 =	vadd.s32 v55, v56;
	v25 =	vmov s6;
	v59 =	vadd.s32 s4, v40;
	v60, _, _ =	vpop (xrf0)  }
0x396: {  	vm10 =	veq.s32 v25, v0;
	v26 =	vxor.u32 $0x80000000, v26;
	vm11 =	vge.s32 v59, v4;
	v61, _, _ =	vpop (xrf0)  }
0x397: {  	v16 =	vadd.s32 v57, v16;
	v10 =	vnsel vm10, $0x80000000, v10;
	(xrf0) =	vmax.scan.msk.u32 $0xffff, v26;
	v62 =	vmctz.xlane vm11;
	v63, _, _ =	vpop (xrf0)  }
0x398: {  	v24 =	vadd.s32 v24, v16;
	(v2sf) =	vpush v46, $0xF;
	(xrf0) =	vmax.scan.msk.u32 $0xffff, v10;
	v28 =	vxor.u32 $0x80000000, v63  }
0x399: {  	(v2sf) =	vpush v23, $0xF;
	v10 =	vperm.xlane v24, v3;
	v29 =	vxor.u32 $0x80000000, v62;
	(xrf0) =	vmax.scan.msk.u32 $0xffff, v28  }
0x39a: {  	(v2sf) =	vpush v48, $0xF;
	(xrf0) =	vmax.scan.msk.u32 $0xffff, v29  }
0x39b: {  	(xrf0) =	vadd.scan.msk.s32 $0xffff, v10;
	_ =	sdelay $0x1  }
0x39c: {  	s8 =	spop (v2sf);
	v30, _, _ =	vpop (xrf0)  }
0x39d: {  	s1 =	sxor.u32 $0x80000000, s8;
	v31 =	vmpcnt.ones.xlane vm11;
	v32, _, _ =	vpop (xrf0)  }
0x39e: {  	(v2sf) =	vpush v49, $0xF;
	v33 =	vmov s1;
	v34, _, _ =	vpop (xrf0)  }
0x39f: {  	(v2sf) =	vpush v58, $0xF;
	vm12 =	veq.s32 v33, v0;
	v16 =	vxor.u32 $0x80000000, v31;
	v35, _, _ =	vpop (xrf0)  }
0x3a0: {  	(v2sf) =	vpush v27, $0xF;
	v11 =	vnsel vm12, $0x80000000, v11;
	(xrf0) =	vmax.scan.msk.u32 $0xffff, v16;
	v36, _, _ =	vpop (xrf0)  }
0x3a1: {  	(v2sf) =	vpush v60, $0xF;
	(xrf0) =	vmax.scan.msk.u32 $0xffff, v11;
	v37 =	vxor.u32 $0x80000000, v36  }
0x3a2: {  	(v2sf) =	vpush v61, $0xF;
	(xrf0) =	vmax.scan.msk.u32 $0xffff, v37  }
0x3a3: {  	(v2sf) =	vpush v30, $0xF  }
0x3a4: {  	(v2sf) =	vpush v32, $0xF  }
0x3a5: {  	s3 =	sadd.s32 $0xFFFFFFF0, s16;
	(v2sf) =	vpush v34, $0xF  }
0x3a6: {  	v39 =	vld [tilespmem:s3+$0xFFFFFE00];
	s16 =	spop (v2sf);
	(v2sf) =	vpush v35, $0xF;
	v38, _, _ =	vpop (xrf0)  }
0x3a7: {  	v41 =	vld [tilespmem:s3+$0xFFFFFF00];
	s10 =	spop (v2sf);
	v40, _, _ =	vpop (xrf0);
	(v2sf) =	vpush v38, $0xF  }
0x3a8: {  	v43 =	vld [tilespmem:s3+$0x0];
	s2 =	spop (v2sf);
	(v2sf) =	vpush v40, $0xF;
	v42, _, _ =	vpop (xrf0)  }
0x3a9: {  	v44 =	vld [tilespmem:s3+$0x100];
	s4 =	sadd.s32 s2, s4;
	(v2sf) =	vpush v42, $0xF  }
0x3aa: {  	s6 =	sadd.s32 $0x80000000, s4  }
0x3ab: {  	v45 =	vadd.s32 s6, v51  }
0x3ac: {  	vm13 =	vge.s32 v45, v4;
	v11 =	vadd.s32 v39, v41  }
0x3ad: {  	s7 =	spop (v2sf);
	v46 =	vmctz.xlane vm13;
	v11 =	vadd.s32 v43, v11  }
0x3ae: {  	s14 =	spop (v2sf);
	v11 =	vadd.s32 v44, v11  }
0x3af: {  	[dreg:$0x15] =	wrdreg s13;
	s13 =	spop (v2sf);
	v15 =	vxor.u32 $0x80000000, v46;
	v11 =	vperm.xlane v11, v3  }
0x3b0: {  	(xrf0) =	vmax.scan.msk.u32 $0xffff, v15;
	s0 =	spop (v2sf)  }
0x3b1: {  	v47 =	vmpcnt.ones.xlane vm13;
	(xrf0) =	vadd.scan.msk.s32 $0xffff, v11;
	s5 =	spop (v2sf)  }
0x3b2: {  	s1 =	sxor.u32 $0x80000000, s7;
	s11 =	spop (v2sf)  }
0x3b3: {  	v6 =	vsub.s32 v13, v6;
	[dreg:$0x1b] =	wrdreg s31;
	v48 =	vmov s1;
	v49 =	vxor.u32 $0x80000000, v47;
	s6 =	sadd.s32 s0, s6;
	s31 =	spop (v2sf)  }
0x3b4: {  	v6 =	vxor.u32 $0x80000000, v6;
	[dreg:$0x1c] =	wrdreg s29;
	vm14 =	veq.s32 v48, v0;
	(xrf0) =	vmax.scan.msk.u32 $0xffff, v49;
	s0 =	sadd.s32 $0x80000000, s6;
	s29 =	spop (v2sf)  }
0x3b5: {  	v5 =	vsub.s32 v14, v5;
	v6 =	vnsel vm14, $0x80000000, v6;
	v52 =	vadd.s32 s0, v63;
	s4 =	spop (v2sf)  }
0x3b6: {  	v5 =	vxor.u32 $0x80000000, v5;
	(xrf0) =	vmax.scan.msk.u32 $0xffff, v6;
	vm15 =	vge.s32 v52, v4;
	v50, _, _ =	vpop (xrf0);
	s2 =	sadd.s32 s29, s0;
	s6 =	spop (v2sf)  }
0x3b7: {  	v56 =	vsub.s32 v59, v9;
	v57 =	vmctz.xlane vm15;
	v58 =	vmpcnt.ones.xlane vm15;
	v51, _, _ =	vpop (xrf0);
	s1 =	sadd.s32 $0x80000000, s2;
	s29 =	spop (v2sf)  }
0x3b8: {  	(v2sf) =	vpush v50, $0xF;
	v6 =	vxor.u32 $0x80000000, v51;
	s2 =	sxor.u32 $0x80000000, s5;
	v54 =	vadd.s32 s1, v36;
	s3 =	spop (v2sf)  }
0x3b9: {  	v14 =	vxor.u32 $0x80000000, v57;
	(xrf0) =	vmax.scan.msk.u32 $0xffff, v6;
	v53 =	vmov s2;
	vm5 =	vge.s32 v54, v4;
	s3 =	sadd.s32 s3, s1  }
0x3ba: {  	p2 =	por p5, p5;
	v59, _, _ =	vpop (xrf0);
	v18 =	vxor.u32 $0x80000000, v58;
	(xrf0) =	vmax.scan.msk.u32 $0xffff, v14;
	s2 =	rddreg [dreg:$0x16];
	vm4 =	veq.s32 v53, v0;
	v61 =	vmctz.xlane vm5;
	s1 =	sadd.s32 $0x80000000, s3  }
0x3bb: {  	p3 =	por p3, p3;
	p6 =	por p6, p6;
	(xrf0) =	vmax.scan.msk.u32 $0xffff, v18;
	v5 =	vnsel vm4, $0x80000000, v5;
	(v2sf) =	vpush v59, $0xF;
	s3 =	sld [smem:$0x7F7];
	v6 =	vadd.s32 s1, v51  }
0x3bc: {  	v60, _, _ =	vpop (xrf0);
	s0 =	sxor.u32 $0x80000000, s4;
	s4 =	ssub.s32 s22, s4;
	v63 =	vmpcnt.ones.xlane vm5;
	(xrf0) =	vmax.scan.msk.u32 $0xffff, v5;
	v5 =	vxor.u32 $0x80000000, v61;
	s1 =	rddreg [dreg:$0x15];
	vm6 =	vge.s32 v6, v4  }
0x3bd: {  	v55 =	vmov s0;
	p1 =	sgt.u32 s2, $0x80000000;
	s2 =	rddreg [dreg:$0x1c];
	(v2sf) =	vpush v60, $0xF;
	(xrf0) =	vmax.scan.msk.u32 $0xffff, v5;
	s0 =	sxor.u32 $0x80000000, s1;
	v5 =	vmctz.xlane vm6  }
0x3be: {  	v4 =	vxor.u32 $0x80000000, v63;
	s1 =	ssub.s32 s28, s30;
	p0 =	seq.s32 s3, $0x1;
	s15 =	smov.u32 @p2 s0  }
0x3bf: {  	v9 =	vxor.u32 $0x80000000, v56;
	vm7 =	veq.s32 v55, v0;
	(xrf0) =	vmax.scan.msk.u32 $0xffff, v4;
	s0 =	ssub.s32 s26, s12;
	p2 =	por p4, p1;
	p4 =	sgt.u32 s2, $0x80000000;
	v4 =	vxor.u32 $0x80000000, v5  }
0x3c0: {  	v62, _, _ =	vpop (xrf0);
	v9 =	vnsel vm7, $0x80000000, v9;
	s3 =	rddreg [dreg:$0x1b];
	p0 =	por !p1, !p0;
	p5 =	por !p2, !p2  }
0x3c1: {  	(v2sf) =	vpush v62, $0xF;
	(xrf0) =	vmax.scan.msk.u32 $0xffff, v9;
	p1 =	por p3, p3;
	p2 =	por p2, p4;
	p0 =	por !p0, !p0;
	v5, _, _ =	vpop (xrf0)  }
0x3c2: {  	p3 =	por !p4, !p5;
	p5 =	por p6, p6;
	p4 =	por !p2, !p2;
	(xrf0) =	vmax.scan.msk.u32 $0xffff, v4;
	v4, _, _ =	vpop (xrf0);
	(v2sf) =	vpush v5, $0xF  }
0x3c3: {  	p6 =	sgt.u32 s14, $0x80000000;
	s17 =	smov.u32 @p0 s1;
	s1 =	sxor.u32 $0x80000000, s3;
	v5, _, _ =	vpop (xrf0);
	(v2sf) =	vpush v4, $0xF  }
0x3c4: {  	p5 =	por p5, p5;
	p0 =	por p0, p0;
	s15 =	smov.u32 @p1 s1;
	(v2sf) =	vpush v5, $0xF;
	v4, _, _ =	vpop (xrf0)  }
0x3c5: {  	p1 =	por !p3, !p3;
	p3 =	sgt.u32 s16, $0x80000000;
	s1 =	sxor.u32 $0x80000000, s10;
	(v2sf) =	vpush v4, $0xF;
	v4, _, _ =	vpop (xrf0)  }
0x3c6: {  	p0 =	por p0, p0;
	s10 =	sxor.u32 $0x80000000, s31;
	s17 =	smov.u32 @p1 s0;
	(v2sf) =	vpush v4, $0xF;
	v4 =	vmpcnt.ones.xlane vm6  }
0x3c7: {  	s0 =	ssub.s32 s25, s8;
	p4 =	por !p3, !p4;
	s8 =	spop (v2sf)  }
0x3c8: {  	s15 =	smov.u32 @p5 s1;
	p2 =	por p2, p3;
	p1 =	por p1, p1;
	v5, _, _ =	vpop (xrf0);
	v4 =	vxor.u32 $0x80000000, v4  }
0x3c9: {  	p5 =	por p0, p0;
	s1 =	ssub.s32 s24, s7;
	p4 =	por !p4, !p4;
	(v2sf) =	vpush v5, $0xF;
	v5, _, _ =	vpop (xrf0);
	(xrf0) =	vmax.scan.msk.u32 $0xffff, v4  }
0x3ca: {  	s3 =	spop (v2sf);
	p3 =	por !p2, !p2;
	p1 =	por p1, p1;
	(v2sf) =	vpush v5, $0xF  }
0x3cb: {  	s16 =	sxor.u32 $0x80000000, s8;
	s2 =	simm.s32 @!p4 $0x0;
	s17 =	smov.u32 @p4 s0  }
0x3cc: {  	s0 =	spop (v2sf);
	p3 =	por !p6, !p3;
	p6 =	por p2, p6  }
0x3cd: {  	p1 =	por p1, p1;
	s2 =	simm.s32 @p4 $0x1;
	p3 =	por !p3, !p3  }
0x3ce: {  	p2 =	por !p6, !p6;
	p4 =	sgt.u32 s6, $0x80000000;
	[smem:$0x7F4] =	sst s2  }
0x3cf: {  	s2 =	sxor.u32 $0x80000000, s13;
	s7 =	simm.s32 @!p3 $0x0;
	s17 =	smov.u32 @p3 s1;
	v4, _, _ =	vpop (xrf0)  }
0x3d0: {  	s12 =	spop (v2sf);
	s7 =	simm.s32 @p3 $0x1;
	p3 =	sgt.u32 s11, $0x80000000;
	(v2sf) =	vpush v4, $0xF  }
0x3d1: {  	s15 =	smov.u32 @p5 s2;
	s2 =	ssub.s32 s23, s5;
	p2 =	por !p3, !p2  }
0x3d2: {  	p0 =	por p6, p3;
	s15 =	smov.u32 @p1 s10;
	p6 =	sgt.u32 s3, $0x80000000  }
0x3d3: {  	v5 =	vmov s16;
	s3 =	ssub.s32 s18, s8;
	s16 =	simm.s32 $0x0;
	s14 =	spop (v2sf)  }
0x3d4: {  	p2 =	por !p2, !p2;
	p5 =	por !p0, !p0;
	v4 =	vsub.s32 v45, v7;
	s23 =	spop (v2sf)  }
0x3d5: {  	vm8 =	veq.s32 v5, v0;
	p0 =	por p0, p4;
	s11 =	simm.s32 @!p2 $0x0;
	v4 =	vxor.u32 $0x80000000, v4;
	s1 =	spop (v2sf)  }
0x3d6: {  	v5 =	vsub.s32 v52, v8;
	s17 =	smov.u32 @p2 s2;
	v4 =	vnsel vm8, $0x80000000, v4;
	s25 =	sxor.u32 $0x80000000, s14;
	s24 =	spop (v2sf)  }
0x3d7: {  	v5 =	vxor.u32 $0x80000000, v5;
	p3 =	por !p0, !p0;
	(xrf0) =	vmax.scan.msk.u32 $0xffff, v4;
	v4 =	vmov s25;
	s26 =	spop (v2sf);
	s28 =	sxor.u32 $0x80000000, s24  }
0x3d8: {  	s11 =	simm.s32 @p2 $0x1;
	p2 =	por !p4, !p5;
	v7 =	vsub.s32 v54, v10;
	vm9 =	veq.s32 v4, v0;
	s30 =	spop (v2sf);
	v4 =	vmov s28  }
0x3d9: {  	p0 =	por p0, p6;
	p4 =	por !p2, !p2;
	v7 =	vxor.u32 $0x80000000, v7;
	v5 =	vnsel vm9, $0x80000000, v5;
	s31 =	spop (v2sf);
	vm10 =	veq.s32 v4, v0  }
0x3da: {  	p2 =	por !p6, !p3;
	p6 =	por !p0, !p0;
	(xrf0) =	vmax.scan.msk.u32 $0xffff, v5;
	s13 =	sxor.u32 $0x80000000, s31;
	v5 =	vnsel vm10, $0x80000000, v7  }
0x3db: {  	v6 =	vsub.s32 v6, v11;
	s17 =	smov.u32 @p4 s4;
	p3 =	por !p2, !p2;
	p1 =	sgt.u32 s23, $0x80000000;
	v4 =	vmov s13;
	(xrf0) =	vmax.scan.msk.u32 $0xffff, v5  }
0x3dc: {  	v6 =	vxor.u32 $0x80000000, v6;
	s18 =	simm.s32 $0x10;
	s17 =	smov.u32 @p3 s3;
	p5 =	por !p1, !p6;
	vm11 =	veq.s32 v4, v0  }
0x3dd: {  	s3 =	ssub.s32 s19, s14;
	p0 =	por p0, p1;
	p5 =	por !p5, !p5;
	v4 =	vnsel vm11, $0x80000000, v6  }
0x3de: {  	p6 =	por !p0, !p0;
	p2 =	sgt.u32 s26, $0x80000000;
	s17 =	smov.u32 @p5 s3;
	v5, _, _ =	vpop (xrf0);
	(xrf0) =	vmax.scan.msk.u32 $0xffff, v4  }
0x3df: {  	s3 =	ssub.s32 s20, s24;
	p0 =	por p0, p2;
	s14 =	spop (v2sf)  }
0x3e0: {  	p6 =	por !p2, !p6;
	p0 =	por !p0, !p0;
	(v2sf) =	vpush v5, $0xF;
	v4, _, _ =	vpop (xrf0);
	p2 =	sgt.u32 s14, $0x80000000  }
0x3e1: {  	p6 =	por !p6, !p6;
	s4 =	ssub.s32 s21, s31;
	v5 =	vld [tilespmem:s16+$0x0];
	(v2sf) =	vpush v4, $0xF;
	v4, _, _ =	vpop (xrf0);
	p0 =	por !p2, !p0  }
0x3e2: {  	s21 =	rddreg [dreg:$0xe];
	s17 =	smov.u32 @p6 s3;
	(v2sf) =	vpush v4, $0xF;
	p2 =	por !p0, !p0  }
0x3e3: {  	s19 =	simm.s32 $0x20;
	v6 =	vld [tilespmem:s18+$0x0];
	s17 =	smov.u32 @p2 s4;
	s4 =	sshll.u32 s21, $0x7  }
0x3e4: {  	v7 =	vld [tilespmem:s19+$0x0];
	v4, _, _ =	vpop (xrf0);
	s23 =	sor.u32 s4, s17  }
0x3e5: {  	(v2sf) =	vpush v4, $0xF;
	v4 =	vmov s23  }
0x3e6: {  	vm12 =	veq.s32 v5, v4  }
0x3e7: {  	v5 =	vmpcnt.ones.xlane vm12  }
0x3e8: {  	vm13 =	veq.s32 v6, v4  }
0x3e9: {  	vm14 =	veq.s32 v7, v4;
	v6 =	vmpcnt.ones.xlane vm13;
	v5 =	vxor.u32 $0x80000000, v5  }
0x3ea: {  	[smem:$0x7F5] =	sst s7;
	v7 =	vmpcnt.ones.xlane vm14;
	(xrf0) =	vmax.scan.msk.u32 $0xffff, v5  }
0x3eb: {  	s20 =	sld [smem:$0x7F4];
	v5 =	vxor.u32 $0x80000000, v6  }
0x3ec: {  	s0 =	sxor.u32 $0x80000000, s0;
	s22 =	sld [smem:$0x7F5];
	p4 =	por p4, p4;
	(xrf0) =	vmax.scan.msk.u32 $0xffff, v5;
	v5 =	vxor.u32 $0x80000000, v7  }
0x3ed: {  	[smem:$0x7F6] =	sst s11;
	p4 =	por p4, p4;
	p3 =	por p3, p3;
	(xrf0) =	vmax.scan.msk.u32 $0xffff, v5  }
0x3ee: {  	s25 =	simm.s32 $0x30;
	s24 =	sld [smem:$0x7F6];
	p1 =	seq.s32 s20, $0x1  }
0x3ef: {  	p5 =	por p5, p5;
	p0 =	por p1, p1;
	s26 =	spop (v2sf)  }
0x3f0: {  	p1 =	por p0, p0;
	p0 =	seq.s32 s22, $0x1;
	s28 =	spop (v2sf);
	v5, _, _ =	vpop (xrf0)  }
0x3f1: {  	p1 =	por p1, p1;
	s4 =	sxor.u32 $0x80000000, s29;
	s29 =	spop (v2sf);
	(v2sf) =	vpush v5, $0xF  }
0x3f2: {  	p0 =	por p0, p0;
	s15 =	smov.u32 @p1 s4;
	p1 =	seq.s32 s24, $0x1;
	v5, _, _ =	vpop (xrf0)  }
0x3f3: {  	s31 =	simm.s32 $0x40;
	p0 =	por p0, p0;
	p1 =	por p1, p1;
	v6 =	vld [tilespmem:s25+$0x0];
	(v2sf) =	vpush v5, $0xF;
	v7, _, _ =	vpop (xrf0)  }
0x3f4: {  	p2 =	por p2, p2;
	p0 =	por p0, p0;
	p1 =	por p1, p1;
	(v2sf) =	vpush v7, $0xF  }
0x3f5: {  	s15 =	smov.u32 @p0 s0;
	s0 =	sxor.u32 $0x80000000, s1;
	p0 =	por p1, p1  }
0x3f6: {  	s15 =	smov.u32 @p0 s0;
	p0 =	por p4, p4;
	s0 =	sxor.u32 $0x80000000, s30  }
0x3f7: {  	p4 =	por p3, p3;
	p3 =	por p5, p5;
	s15 =	smov.u32 @p0 s0  }
0x3f8: {  	p0 =	por p4, p4;
	p4 =	por p6, p6;
	s0 =	sxor.u32 $0x80000000, s26;
	vm15 =	veq.s32 v6, v4  }
0x3f9: {  	s15 =	smov.u32 @p0 s0;
	p0 =	por p3, p3;
	s0 =	sxor.u32 $0x80000000, s28;
	v6 =	vmpcnt.ones.xlane vm15;
	v5 =	vld [tilespmem:s31+$0x0]  }
0x3fa: {  	p6 =	por p2, p2;
	p5 =	por p4, p4;
	s15 =	smov.u32 @p0 s0  }
0x3fb: {  	p0 =	por p5, p5;
	s0 =	sxor.u32 $0x80000000, s29;
	s30 =	spop (v2sf);
	v6 =	vxor.u32 $0x80000000, v6  }
0x3fc: {  	s15 =	smov.u32 @p0 s0;
	p0 =	por p6, p6;
	s0 =	sxor.u32 $0x80000000, s30;
	(xrf0) =	vmax.scan.msk.u32 $0xffff, v6  }
0x3fd: {  	s1 =	simm.s32 $0x140;
	s15 =	smov.u32 @p0 s0;
	s0 =	simm.s32 $0x0  }
.LBB2_18:
0x3fe: {  	s2 =	sshra.s32 s1, $0x2;
	p0 =	sne.s32 s1, $0x7C0;
	s1 =	sadd.s32 $0x40, s1;
	vm0 =	veq.s32 v5, v4  }
.Ltmp8:
0x3ff: {  	v5 =	vld [tilespmem:s2+$0x0];
	v8 =	vmpcnt.ones.xlane vm0;
	(pc) =	sbr.rel @p0 .LBB2_18-.Ltmp8, $4  }
0x400: {  	s2 =	spop (v2sf)  }
0x401: {  	v7 =	vxor.u32 $0x80000000, v8;
	s0 =	sadd.s32 s2, s0  }
0x402: {  	(xrf0) =	vmax.scan.msk.u32 $0xffff, v7;
	v6, _, _ =	vpop (xrf0);
	s0 =	sadd.s32 $0x80000000, s0  }
0x403: {  	(v2sf) =	vpush v6, $0xF  }
0x404: {  	vm0 =	veq.s32 v5, v4  }
0x405: {  	v5 =	vmpcnt.ones.xlane vm0;
	_ =	sdelay $0x1  }
0x406: {  	v5 =	vxor.u32 $0x80000000, v5  }
0x407: {  	(xrf0) =	vmax.scan.msk.u32 $0xffff, v5;
	_ =	sdelay $0x3  }
0x408: {  	v5, _, _ =	vpop (xrf0)  }
0x409: {  	(v2sf) =	vpush v5, $0xF  }
0x40a: {  	v5, _, _ =	vpop (xrf0)  }
0x40b: {  	(v2sf) =	vpush v5, $0xF;
	_ =	sdelay $0x6  }
0x40c: {  	s1 =	spop (v2sf)  }
0x40d: {  	s0 =	sadd.s32 s1, s0  }
0x40e: {  	s20 =	spop (v2sf);
	s0 =	sadd.s32 $0x80000000, s0  }
0x40f: {  	s0 =	sadd.s32 s20, s0  }
0x410: {  	s0 =	sadd.s32 $0x80000000, s0;
	s21 =	spop (v2sf)  }
0x411: {  	s0 =	sadd.s32 s21, s0  }
0x412: {  	s0 =	sadd.s32 $0x80000000, s0;
	s22 =	spop (v2sf)  }
0x413: {  	s0 =	sadd.s32 s22, s0  }
0x414: {  	s0 =	sadd.s32 $0x80000000, s0;
	s23 =	spop (v2sf)  }
0x415: {  	s0 =	sadd.s32 s23, s0  }
0x416: {  	s0 =	sadd.s32 $0x80000000, s0  }
0x417: {  	v5 =	vmov s0  }
0x418: {  	s24 =	rddreg [dreg:$0x5];
	s6 =	simm.s32 $0x1;
	[tilespmem:$0x400] =	vst v5  }
0x419: {  	[spmem:s24] =	stream.linear.scatter [tilespmem:s9], [sflag:$0x1], $0x100, $0x38;
	[tilespmem:$0xA00] =	vst v63  }
0x41a: {  	_ =	swait.ge [sflag:s6], $0x100  }
0x41b: {  	[sflag:s6] =	ssyncset.done $0x0  }
0x41c: {  	[sflag:s6] =	ssyncadd.s32 $0xFFFFFF00  }
0x41d: {  	[bflag:$0x0] =	sbarrier.arrive $0xFFFF  }
0x41e: {  	s26 =	simm.s32 $0x500;
	s25 =	rddreg [dreg:$0x6]  }
0x41f: {  	[tilespmem:s26], [sflag:$0x1] =	stream.linear.gather [spmem:s25], $0x400, $0x38;
	[tilespmem:$0xA00] =	vst v63  }
0x420: {  	_ =	swait.ge [sflag:s6], $0x400  }
0x421: {  	[sflag:s6] =	ssyncset.done $0x0  }
0x422: {  	[sflag:s6] =	ssyncadd.s32 $0xFFFFFC00  }
0x423: {  	[bflag:$0x0] =	sbarrier.arrive $0xFFFF  }
0x424: {  	v5 =	vld [tilespmem:$0x500]  }
0x425: {  	v6 =	vld [tilespmem:$0x600]  }
0x426: {  	v7 =	vld [tilespmem:$0x700];
	_ =	sdelay $0x2  }
0x427: {  	s16 =	simm.s32 $0x0;
	v5 =	vxor.u32 $0x80000000, v5  }
0x428: {  	v14 =	vld [tilespmem:s16+$0x0];
	(xrf0) =	vmax.scan.msk.u32 $0xffff, v5;
	v5 =	vxor.u32 $0x80000000, v6  }
0x429: {  	(xrf0) =	vmax.scan.msk.u32 $0xffff, v5;
	v5 =	vxor.u32 $0x80000000, v7  }
0x42a: {  	(xrf0) =	vmax.scan.msk.u32 $0xffff, v5;
	_ =	sdelay $0x2  }
0x42b: {  	vm0 =	veq.s32 v14, v4  }
0x42c: {  	v6 =	vmpcnt.ones.xlane vm0;
	v5, _, _ =	vpop (xrf0)  }
0x42d: {  	v7 =	vsel vm0, $0x1, v1;
	(v2sf) =	vpush v5, $0xF;
	v5, _, _ =	vpop (xrf0)  }
0x42e: {  	s0 =	simm.s32 $0x10;
	v6 =	vxor.u32 $0x80000000, v6;
	(v2sf) =	vpush v5, $0xF;
	v5, _, _ =	vpop (xrf0);
	(xrf0) =	vadd.scan.msk.s32 $0xffff, v7  }
0x42f: {  	v8 =	vld [tilespmem:s0+$0x0];
	(xrf0) =	vmax.scan.msk.u32 $0xffff, v6;
	_ =	sdelay $0x1  }
0x430: {  	s17 =	simm.s32 $0x20  }
0x431: {  	(v2sf) =	vpush v5, $0xF;
	v5 =	vld [tilespmem:s17+$0x0];
	_ =	sdelay $0x1  }
0x432: {  	vm1 =	veq.s32 v8, v4;
	v10, _, _ =	vpop (xrf0)  }
0x433: {  	v7 =	vmpcnt.ones.xlane vm1;
	v6, _, _ =	vpop (xrf0)  }
0x434: {  	s18 =	simm.s32 $0x30;
	(v2sf) =	vpush v6, $0xF;
	v6 =	vsel vm1, $0x1, v1  }
0x435: {  	vm2 =	veq.s32 v5, v4;
	(xrf0) =	vadd.scan.msk.s32 $0xffff, v6;
	v6 =	vxor.u32 $0x80000000, v7;
	v7 =	vld [tilespmem:s18+$0x0]  }
0x436: {  	(xrf0) =	vmax.scan.msk.u32 $0xffff, v6;
	v6 =	vmpcnt.ones.xlane vm2  }
0x437: {  	v9 =	vsel vm2, $0x1, v1  }
0x438: {  	(xrf0) =	vadd.scan.msk.s32 $0xffff, v9;
	v6 =	vxor.u32 $0x80000000, v6  }
0x439: {  	(xrf0) =	vmax.scan.msk.u32 $0xffff, v6  }
0x43a: {  	vm3 =	veq.s32 v7, v4  }
0x43b: {  	s28 =	rddreg [dreg:$0xa];
	v15 =	vmpcnt.ones.xlane vm3  }
0x43c: {  	s5 =	sld [smem:$0x7FD];
	v11, _, _ =	vpop (xrf0)  }
0x43d: {  	s29 =	sld [smem:$0x7FC];
	s1 =	ssub.s32 s28, s15;
	s2 =	spop (v2sf);
	v12, _, _ =	vpop (xrf0)  }
0x43e: {  	s30 =	sld [smem:$0x7FB];
	v6 =	vmov s1;
	s1 =	simm.s32 $0x40;
	s3 =	spop (v2sf);
	v13 =	vsel vm3, $0x1, v1;
	(v2sf) =	vpush v12, $0xF;
	v12, _, _ =	vpop (xrf0)  }
0x43f: {  	p0 =	seq.s32 s5, $0x1;
	v9 =	vld [tilespmem:s1+$0x0];
	s2 =	sxor.u32 $0x80000000, s2;
	s3 =	sxor.u32 $0x80000000, s3;
	(xrf0) =	vadd.scan.msk.s32 $0xffff, v13;
	v13 =	vxor.u32 $0x80000000, v15;
	v15, _, _ =	vpop (xrf0)  }
0x440: {  	vm0 =	vmmov vm0;
	s4 =	spop (v2sf);
	s2 =	simm.s32 @p0 $0x0;
	p0 =	seq.s32 s29, $0x1;
	(v2sf) =	vpush v15, $0xF  }
0x441: {  	vm0 =	vmmov vm0;
	s3 =	simm.s32 @!p0 $0x0;
	s4 =	sxor.u32 $0x80000000, s4;
	p0 =	seq.s32 s30, $0x1  }
0x442: {  	vm0 =	vmmov vm0;
	vm2 =	vmmov vm2;
	s2 =	sadd.s32 s2, s3;
	s4 =	simm.s32 @!p0 $0x0  }
0x443: {  	vm4 =	vmmov vm0;
	vm1 =	vmmov vm1;
	vm5 =	vmmov vm2;
	s4 =	sadd.s32 s4, s2  }
0x444: {  	vm0 =	vmmov vm3;
	(xrf0) =	vmax.scan.msk.u32 $0xffff, v13;
	vm2 =	veq.s32 v9, v4;
	v10 =	vadd.s32 s4, v10  }
0x445: {  	v15 =	vmpcnt.ones.xlane vm2;
	v13 =	vsel vm2, $0x1, v1;
	vm3 =	vle.s32 v10, v6  }
0x446: {  	vm6 =	vgt.s32 v14, v4;
	vm1 =	vmmov vm1;
	s2 =	simm.s32 $0x50;
	vm3 =	vmand vm4, vm3  }
0x447: {  	vm1 =	vmmov vm1;
	v10 =	vld [tilespmem:s2+$0x0];
	v15 =	vxor.u32 $0x80000000, v15;
	vm4 =	vmor vm6, vm3;
	s31 =	spop (v2sf)  }
0x448: {  	s3 =	simm.s32 $0x180;
	(xrf0) =	vadd.scan.msk.s32 $0xffff, v13;
	vm3 =	vmmov vm1;
	v13, _, _ =	vpop (xrf0);
	vm1 =	vmmov vm5;
	v14 =	vnsel vm4, $0x0, v14;
	s4 =	sadd.s32 s31, s4  }
.LBB2_20:
0x449: {  	p0 =	sne.s32 s3, $0x7C0;
	(xrf0) =	vmax.scan.msk.u32 $0xffff, v15;
	s4 =	sadd.s32 $0x80000000, s4;
	s5 =	smov.u32 s3  }
0x44a: {  	v15, _, _ =	vpop (xrf0);
	[tilespmem:s16+$0x200] =	vst v14;
	v16 =	vmov v9;
	vm4 =	vmmov vm0;
	vm0 =	vmmov vm2;
	s3 =	sadd.s32 $0x40, s3;
	s16 =	smov.u32 s0;
	s0 =	smov.u32 s17  }
.Ltmp9:
0x44b: {  	s17 =	smov.u32 s18;
	s18 =	smov.u32 s1;
	(v2sf) =	vpush v15, $0xF;
	v14 =	vadd.s32 s4, v11;
	v11 =	vmovc v12;
	v12 =	vmov v13;
	(pc) =	sbr.rel @p0 .LBB2_20-.Ltmp9, $4  }
0x44c: {  	vm5 =	vgt.s32 v8, v4;
	s1 =	smov.u32 s2;
	s2 =	sshra.s32 s5, $0x2;
	vm2 =	veq.s32 v10, v4;
	vm6 =	vle.s32 v14, v6;
	v9 =	vmovc v10  }
0x44d: {  	v10 =	vld [tilespmem:s2+$0x0];
	v15 =	vsel vm2, $0x1, v1;
	v14 =	vmpcnt.ones.xlane vm2;
	vm3 =	vmand vm3, vm6  }
0x44e: {  	(xrf0) =	vadd.scan.msk.s32 $0xffff, v15;
	v13, _, _ =	vpop (xrf0);
	vm5 =	vmor vm5, vm3;
	s5 =	spop (v2sf);
	vm3 =	vmmov vm1;
	vm1 =	vmmov vm4  }
0x44f: {  	v15 =	vxor.u32 $0x80000000, v14;
	v14 =	vnsel vm5, $0x0, v8;
	s4 =	sadd.s32 s5, s4;
	v8 =	vmovc v5;
	v5 =	vmovc v7;
	v7 =	vmov v16  }
0x450: {  	(xrf0) =	vmax.scan.msk.u32 $0xffff, v15;
	_ =	sdelay $0x3  }
0x451: {  	v54, _, _ =	vpop (xrf0);
	vm4 =	veq.s32 v10, v4  }
0x452: {  	(v2sf) =	vpush v54, $0xF;
	v55 =	vmpcnt.ones.xlane vm4;
	v16, _, _ =	vpop (xrf0)  }
0x453: {  	v17 =	vsel vm4, $0x1, v1;
	v18, _, _ =	vpop (xrf0)  }
0x454: {  	(xrf0) =	vadd.scan.msk.s32 $0xffff, v17;
	v15 =	vxor.u32 $0x80000000, v55;
	(v2sf) =	vpush v18, $0xF  }
0x455: {  	(xrf0) =	vmax.scan.msk.u32 $0xffff, v15;
	_ =	sdelay $0x4  }
0x456: {  	v56, _, _ =	vpop (xrf0)  }
0x457: {  	vm0 =	vmmov vm0;
	v57, _, _ =	vpop (xrf0)  }
0x458: {  	s23 =	spop (v2sf);
	vm2 =	vmmov vm2;
	vm12 =	vgt.s32 v8, v4;
	(v2sf) =	vpush v57, $0xF  }
0x459: {  	s3 =	sadd.s32 $0x80000000, s4;
	vm1 =	vmmov vm1;
	vm14 =	vgt.s32 v5, v4;
	vm9 =	vgt.s32 v7, v4  }
0x45a: {  	vm11 =	vgt.s32 v9, v4;
	v11 =	vadd.s32 s3, v11;
	s3 =	sadd.s32 s23, s3;
	vm0 =	vmmov vm0  }
0x45b: {  	vm2 =	vmmov vm2;
	vm5 =	vle.s32 v11, v6;
	s3 =	sadd.s32 $0x80000000, s3;
	vm0 =	vmmov vm0;
	s24 =	spop (v2sf)  }
0x45c: {  	vm2 =	vmmov vm2;
	vm3 =	vmand vm3, vm5;
	v58 =	vadd.s32 s3, v12;
	s3 =	sadd.s32 s24, s3  }
0x45d: {  	vm15 =	vmmov vm4;
	vm2 =	vmmov vm2;
	vm13 =	vle.s32 v58, v6;
	s3 =	sadd.s32 $0x80000000, s3;
	s25 =	spop (v2sf)  }
0x45e: {  	vm3 =	vmor vm12, vm3;
	vm1 =	vmand vm1, vm13;
	v60 =	vadd.s32 s3, v13;
	s3 =	sadd.s32 s25, s3  }
0x45f: {  	vm10 =	vmmov vm15;
	v59 =	vnsel vm3, $0x0, v8;
	vm1 =	vmor vm14, vm1;
	s3 =	sadd.s32 $0x80000000, s3;
	s26 =	spop (v2sf)  }
0x460: {  	v5 =	vnsel vm1, $0x0, v5;
	vm1 =	vmmov vm10;
	v61 =	vadd.s32 s3, v16;
	s3 =	sadd.s32 s26, s3  }
0x461: {  	vm14 =	vgt.s32 v10, v4;
	vm1 =	vmmov vm1;
	vm8 =	vle.s32 v60, v6;
	s3 =	sadd.s32 $0x80000000, s3  }
0x462: {  	[tilespmem:s16+$0x200] =	vst v14;
	vm0 =	vmand vm0, vm8;
	vm12 =	vle.s32 v61, v6;
	v63 =	vadd.s32 s3, v56  }
0x463: {  	[tilespmem:s0+$0x200] =	vst v59;
	vm0 =	vmor vm9, vm0;
	vm2 =	vmand vm2, vm12;
	vm13 =	vle.s32 v63, v6  }
0x464: {  	[tilespmem:s17+$0x200] =	vst v5;
	v62 =	vnsel vm0, $0x0, v7;
	vm0 =	vmor vm11, vm2;
	vm1 =	vmand vm1, vm13  }
0x465: {  	[tilespmem:s18+$0x200] =	vst v62;
	v4 =	vnsel vm0, $0x0, v9;
	vm15 =	vmor vm14, vm1  }
0x466: {  	s29 =	simm.s32 $0x200;
	[tilespmem:s1+$0x200] =	vst v4;
	v4 =	vnsel vm15, $0x0, v10  }
0x467: {  	s0 =	rddreg [dreg:$0x7];
	s28 =	spop (v2sf);
	[tilespmem:s2+$0x200] =	vst v4;
	s2 =	simm.s32 $0x80  }
0x468: {  	[hbm4b:s0+s2] =	stream.strided.scatter [tilespmem:s29], [sflag:$0x1], $0x200, s9, s2, $0x38;
	[tilespmem:$0xA00] =	vst v63  }
0x469: {  	_ =	swait.ge [sflag:s6], $0x200  }
0x46a: {  	s30 =	rddreg [dreg:$0x9]  }
0x46b: {  	s31 =	rddreg [dreg:$0x8];
	s1 =	sadd.s32 $0x1, s30  }
0x46c: {  	p0 =	sne.s32 s1, s31  }
.Ltmp10:
0x46d: {  	_ = 	snop;
	(pc) =	sbr.rel @p0 .LBB2_1-.Ltmp10, $3  }
0x46e: {  	_ =	sdelay $0x1  }
0x46f: {  	[sflag:s6] =	ssyncset.done $0x0  }
0x470: {  	[sflag:s6] =	ssyncadd.s32 $0xFFFFFE00  }
0x471: {  	_ =	sfence.sel $0x180000  }
0x472: {  	[bflag:$0x0] =	sbarrier.arrive $0xFFFF  }
0x473: {  	_ =	strace $0x90000047  }
0x474: {  	s0 =	stileid.u32;
	[bflag:$0x2] =	sbarrier.arrive $0xFFFF  }
0x475: {  	p0 =	sne.s32 s0, $0x0;
	s0 =	rddreg [dreg:$0x3]  }
0x476: {  	s0 =	sadd.s32 @!p0 $0x100000, s0  }
0x477: {  	[sflag:s0] =	ssyncadd.tile.s32 @!p0 $0x1;
	_ =	shalt  }
.Lfunc_end2:
_tile_overlayer_lowered:
.L_overlay_start_2:
0x478: {  	(tag) =	ssettag $0x2  }
0x479: {  	s0 =	rddreg [dreg:$0x0];
	s2 =	stileid.u32  }
0x47a: {  	s1 =	rddreg [dreg:$0x1];
	p0 =	sne.s32 s2, $0x0  }
0x47b: {  	s3 =	rddreg [dreg:$0x2];
	[bflag:$0x3] =	sbarrier.arrive $0xFFFF;
	s2 =	simm.s32 @!p0 $0x1C01  }
0x47c: {  	[timem:s3], [sflag:s2] =	dma.local @!p0 [hbm:s0], s1  }
0x47d: {  	s0 =	simm.s32 @!p0 $0x1  }
0x47e: {  	_ =	swait.ge @!p0 [sflag:s0], s1  }
0x47f: {  	s1 =	ssub.s32 @!p0 $0x0, s1;
	[sflag:s0] =	ssyncset.done @!p0 $0x0  }
0x480: {  	[sflag:s0] =	ssyncadd.s32 @!p0 s1  }
0x481: {  	[bflag:$0x3] =	sbarrier.arrive $0xFFFF  }
0x482: {  	_ =	shalt  }

</sc_bundles>
